<compile_context>
chip_gen: v7x
topology: tpu7x:2x2x1
jax: 0.10.2.dev20260603
libtpu: 0.0.44.dev20260713+nightly
codegen_flags: <defaults>
</compile_context>

<pallas_src>
import jax
import jax.numpy as jnp
from jax import lax
from jax.experimental import pallas as pl
from jax.experimental.pallas import tpu as pltpu
from jax.experimental.pallas import tpu_sc as plsc


def _exp_neg(v):
    q = jnp.maximum(v, -1.0) * jnp.float32(0.25)
    p = 1.0 + q * (1.0 / 6.0)
    p = 1.0 + q * (1.0 / 5.0) * p
    p = 1.0 + q * (1.0 / 4.0) * p
    p = 1.0 + q * (1.0 / 3.0) * p
    p = 1.0 + q * (1.0 / 2.0) * p
    p = 1.0 + q * p
    p = p * p
    return p * p


def _sc_mask_scale(wid, bidv, bbv, gxbuf, mbuf, out_ref, *, S, nsplit,
                   scale_base):
    half_rows = S // nsplit
    seg = half_rows * S
    b = (wid - scale_base) // nsplit
    half = (wid - scale_base) % nsplit
    y0 = half * half_rows

    for j in range(seg // 16):
        mbuf[pl.ds(j * 16, 16)] = jnp.zeros((16,), jnp.float32)

    lanes = jnp.arange(16, dtype=jnp.int32)
    sf = jnp.float32(S)

    def box(i, carry):
        bid_i = bidv[pl.ds(i, 16)][0]

        @pl.when(bid_i == b)
        def _():
            xc = (bbv[pl.ds(4 * i, 16)][0] * sf).astype(jnp.int32)
            yc = (bbv[pl.ds(4 * i + 1, 16)][0] * sf).astype(jnp.int32)
            wd = (bbv[pl.ds(4 * i + 2, 16)][0] * sf).astype(jnp.int32)
            ht = (bbv[pl.ds(4 * i + 3, 16)][0] * sf).astype(jnp.int32)
            xl = jnp.maximum(xc - wd // 2, 0)
            yt = jnp.maximum(yc - ht // 2, 0)
            xr = jnp.minimum(xc + wd // 2, S - 1)
            yd = jnp.minimum(yc + ht // 2, S - 1)
            w = (xr - xl + 1).astype(jnp.float32)
            h = (yd - yt + 1).astype(jnp.float32)
            xcg = xc.astype(jnp.float32)
            ycg = yc.astype(jnp.float32)
            wwv = jnp.full((16,), w, jnp.float32) * w
            hhv = jnp.full((16,), h, jnp.float32) * h
            for ci in range(S // 16):
                xs = lanes + (ci * 16)
                dxv = xs.astype(jnp.float32) - xcg
                gx = _exp_neg(-(dxv * dxv) / wwv)
                gx = jnp.where((xs >= xl) & (xs <= xr), gx, 0.0)
                gxbuf[pl.ds(ci * 16, 16)] = gx

            y_lo = jnp.maximum(yt, y0)
            y_hi = jnp.minimum(yd, y0 + half_rows - 1)

            def row(y, c2):
                dyf = y.astype(jnp.float32) - ycg
                dyv = jnp.full((16,), dyf, jnp.float32)
                gy = _exp_neg(-(dyv * dyv) / hhv)
                off = (y - y0) * S
                for ci in range(S // 16):
                    cur = mbuf[pl.ds(off + ci * 16, 16)]
                    gxc = gxbuf[pl.ds(ci * 16, 16)]
                    mbuf[pl.ds(off + ci * 16, 16)] = jnp.maximum(cur, gy * gxc)
                return c2

            lax.fori_loop(y_lo, y_hi + 1, row, 0)

        return carry

    lax.fori_loop(0, 64, box, 0)
    pltpu.sync_copy(mbuf.at[pl.ds(0, seg)],
                    out_ref.at[pl.ds(b * (nsplit * seg) + half * seg, seg)])


def _sc_mask_kernel(bid_ref, bb_ref, m0_ref, m1_ref, bidv, bbv, gxbuf, mbuf):
    wid = lax.axis_index("s") * 2 + lax.axis_index("c")
    pltpu.sync_copy(bid_ref, bidv)
    pltpu.sync_copy(bb_ref, bbv)

    _sc_mask_scale(wid, bidv, bbv, gxbuf, mbuf, m0_ref, S=80, nsplit=4,
                   scale_base=0)

    def scale1():
        _sc_mask_scale(wid, bidv, bbv, gxbuf, mbuf, m1_ref, S=40, nsplit=2,
                       scale_base=0)

    def noop():
        pass

    lax.cond(wid < 16, scale1, noop)


def _sc_masks(batch_idx, bboxes):
    bid = jnp.pad(batch_idx.astype(jnp.int32), (0, 16))
    bb = jnp.pad(bboxes.reshape(256), (0, 16))
    mesh = plsc.VectorSubcoreMesh(core_axis_name="c", subcore_axis_name="s")
    f = pl.kernel(
        _sc_mask_kernel,
        mesh=mesh,
        out_type=[
            jax.ShapeDtypeStruct((8 * 6400,), jnp.float32),
            jax.ShapeDtypeStruct((8 * 1600,), jnp.float32),
        ],
        scratch_types=[
            pltpu.VMEM((80,), jnp.int32),
            pltpu.VMEM((272,), jnp.float32),
            pltpu.VMEM((80,), jnp.float32),
            pltpu.VMEM((3200,), jnp.float32),
        ],
    )
    m0, m1 = f(bid, bb)
    return m0.reshape(8, 1, 6400), m1.reshape(8, 1, 1600)


def _dsum_kernel(p_ref, t_ref, d_ref):
    c = pl.program_id(1)
    d = p_ref[...] - t_ref[...]
    s = jnp.sum(d * d, axis=1, keepdims=True)

    @pl.when(c == 0)
    def _():
        d_ref[...] = s

    @pl.when(c != 0)
    def _():
        d_ref[...] += s


def _combine_kernel(m0_ref, d0_ref, m1_ref, d1_ref, o_ref):
    m0 = m0_ref[...]
    r0 = jnp.sum(m0 * m0 * d0_ref[...])
    sm0 = jnp.sum(m0)
    m1 = m1_ref[...]
    r1 = jnp.sum(m1 * m1 * d1_ref[...])
    sm1 = jnp.sum(m1)
    acc = r0 / (256.0 * sm0) + r1 / (256.0 * sm1)
    o_ref[0, 0] = 0.5 * acc


def _dsum(p, t, cb):
    B, C, S, _ = p.shape
    ss = S * S
    p = p.reshape(B, C, ss)
    t = t.reshape(B, C, ss)
    grid = (B, C // cb)
    return pl.pallas_call(
        _dsum_kernel,
        grid=grid,
        in_specs=[
            pl.BlockSpec((1, cb, ss), lambda b, c: (b, c, 0)),
            pl.BlockSpec((1, cb, ss), lambda b, c: (b, c, 0)),
        ],
        out_specs=pl.BlockSpec((1, 1, ss), lambda b, c: (b, 0, 0)),
        out_shape=jax.ShapeDtypeStruct((B, 1, ss), jnp.float32),
    )(p, t)


@jax.jit
def kernel(y_pred0, y_pred1, y_true0, y_true1, batch_idx, cls, bboxes):
    d0 = _dsum(y_pred0, y_true0, 256)
    d1 = _dsum(y_pred1, y_true1, 256)
    m0, m1 = _sc_masks(batch_idx, bboxes)
    out = pl.pallas_call(
        _combine_kernel,
        out_shape=jax.ShapeDtypeStruct((1, 1), jnp.float32),
        out_specs=pl.BlockSpec(memory_space=pltpu.SMEM),
    )(m0, d0, m1, d1)
    return out[0, 0]

# --- scband reference (transcript-rebuilt; emitter-appended) ---
"""Pipeline reference for scband-box-gauss-1288490188936 (READ-ONLY COPY).

The authoritative reference and input builder live on the scoring server;
editing this copy changes nothing except your own understanding.
"""

import jax, jax.numpy as jnp
import numpy as np


def _gauss_masks(batch_idx, cls, bboxes, shapes):
    ftype = jnp.float64 if jax.config.jax_enable_x64 else jnp.float32
    targets = jnp.concatenate([batch_idx.reshape(-1, 1).astype(ftype),
                               cls.reshape(-1, 1).astype(ftype),
                               bboxes.astype(ftype)], axis=1)
    Ms = []
    for s in shapes:
        B, C, S, _ = s
        xi = jnp.arange(S, dtype=jnp.int32).reshape(1, -1)
        yi = jnp.arange(S, dtype=jnp.int32).reshape(-1, 1)
        x_cord = xi.astype(ftype)
        y_cord = yi.astype(ftype)
        batch_ids = jnp.arange(B, dtype=jnp.int32).reshape(B, 1, 1)

        def body(M, target):
            bid = target[0].astype(jnp.int32)
            box = jnp.floor(target[2:] * S).astype(jnp.int32)
            x_center, y_center, width, height = box[0], box[1], box[2], box[3]
            x_left, y_top = x_center - width // 2, y_center - height // 2
            x_right, y_down = x_center + width // 2, y_center + height // 2
            x_left, y_top = jnp.maximum(x_left, 0), jnp.maximum(y_top, 0)
            x_right, y_down = jnp.minimum(x_right, S - 1), jnp.minimum(y_down, S - 1)
            w = (x_right - x_left + 1).astype(ftype)
            h = (y_down - y_top + 1).astype(ftype)
            xc = x_center.astype(ftype)
            yc = y_center.astype(ftype)
            std = 2
            g = jnp.exp(-((x_cord - xc) ** 2 / (std ** 2 * (w / 2) ** 2)
                          + (y_cord - yc) ** 2 / (std ** 2 * (h / 2) ** 2)))
            inside = ((xi >= x_left) & (xi <= x_right)
                      & (yi >= y_top) & (yi <= y_down))
            cand = jnp.where(inside, g, jnp.asarray(0.0, ftype)).astype(jnp.float32)
            bsel = (batch_ids == bid).astype(jnp.float32)
            M = jnp.maximum(M, bsel * cand[None, :, :])
            return M, None

        M0 = jnp.zeros((B, S, S), dtype=jnp.float32)
        M, _ = jax.lax.scan(body, M0, targets)
        Ms.append(jnp.broadcast_to(M[:, None, :, :], s))
    return Ms


def setup_inputs(seed: int = 0) -> dict:
    key = jax.random.key(seed)
    ks = jax.random.split(key, 7)
    return {
        "y_pred0": jax.random.normal(ks[0], (8, 256, 80, 80), dtype=jnp.float32),
        "y_pred1": jax.random.normal(ks[1], (8, 256, 40, 40), dtype=jnp.float32),
        "y_true0": jax.random.normal(ks[2], (8, 256, 80, 80), dtype=jnp.float32),
        "y_true1": jax.random.normal(ks[3], (8, 256, 40, 40), dtype=jnp.float32),
        "batch_idx": jax.random.randint(ks[4], (64,), 0, 8, dtype=jnp.int64) if jax.config.jax_enable_x64 else jax.random.randint(ks[4], (64,), 0, 8).astype(jnp.int32),
        "cls": jax.random.randint(ks[5], (64,), 0, 80).astype(jnp.int32),
        "bboxes": jax.random.uniform(ks[6], (64, 4), dtype=jnp.float32),
    }


def reference(y_pred0, y_pred1, y_true0, y_true1, batch_idx, cls, bboxes):
    y_pred = [y_pred0, y_pred1]
    y_true = [y_true0, y_true1]
    shapes = [tuple(t.shape) for t in y_true]
    Ms = _gauss_masks(batch_idx, cls, bboxes, shapes)
    L_imi = jnp.float32(0.0)
    for i in range(len(y_pred)):
        N_pos_points = jnp.sum(Ms[i])
        tmp_stu_feat = Ms[i] * y_pred[i]
        tmp_tea_feat = Ms[i] * y_true[i]
        L_imi = L_imi + jnp.sum((tmp_stu_feat - tmp_tea_feat) ** 2) / N_pos_points
    L_imi = L_imi / len(Ms)
    return L_imi

if __name__ == "__main__":
    import jax
    _d = setup_inputs()
    print(jax.jit(kernel)(*tuple(_d.values())))

</pallas_src>

<mosaic_0001>
#map = affine_map<(d0, d1) -> (0)>
module attributes {stable_mosaic.version = 14 : i64} {
  func.func @_sc_mask_kernel(%arg0: i32, %arg1: i32, %arg2: memref<80xi32, #tpu.memory_space<hbm>>, %arg3: memref<272xf32, #tpu.memory_space<hbm>>, %arg4: memref<51200xf32, #tpu.memory_space<hbm>>, %arg5: memref<12800xf32, #tpu.memory_space<hbm>>, %arg6: memref<80xi32, #tpu.memory_space<vmem>>, %arg7: memref<272xf32, #tpu.memory_space<vmem>>, %arg8: memref<80xf32, #tpu.memory_space<vmem>>, %arg9: memref<3200xf32, #tpu.memory_space<vmem>>) attributes {dimension_semantics = [#tpu.dimension_semantics<core_parallel>, #tpu.dimension_semantics<subcore_parallel>], iteration_bounds = array<i64: 2, 16>, scalar_prefetch = 0 : i64, scratch_operands = 4 : i64, tpu.core_type = #tpu.core_type<sc_vector_subcore>, window_params = [{transform_indices = #map}, {transform_indices = #map}, {transform_indices = #map}, {transform_indices = #map}]} {
    %mul3A = arith.constant 2 : i32
    %mul3A_0 = arith.muli %arg1, %mul3A : i32
    %add3A = arith.addi %mul3A_0, %arg0 : i32
    "tpu.region"() ({
      %run_scoped3A = tpu.sem_alloc : memref<!tpu.dma_semaphore, #tpu.memory_space<semaphore_mem>>
      tpu.enqueue_dma source(%arg2 : memref<80xi32, #tpu.memory_space<hbm>>) target(%arg6 : memref<80xi32, #tpu.memory_space<vmem>>) target_semaphore(%run_scoped3A : memref<!tpu.dma_semaphore, #tpu.memory_space<semaphore_mem>>)
      tpu.wait_dma2 semaphore(%run_scoped3A : memref<!tpu.dma_semaphore, #tpu.memory_space<semaphore_mem>>) src(%arg2 : memref<80xi32, #tpu.memory_space<hbm>>) dst(%arg6 : memref<80xi32, #tpu.memory_space<vmem>>)
      tpu.yield
    }) : () -> ()
    "tpu.region"() ({
      %run_scoped3A = tpu.sem_alloc : memref<!tpu.dma_semaphore, #tpu.memory_space<semaphore_mem>>
      tpu.enqueue_dma source(%arg3 : memref<272xf32, #tpu.memory_space<hbm>>) target(%arg7 : memref<272xf32, #tpu.memory_space<vmem>>) target_semaphore(%run_scoped3A : memref<!tpu.dma_semaphore, #tpu.memory_space<semaphore_mem>>)
      tpu.wait_dma2 semaphore(%run_scoped3A : memref<!tpu.dma_semaphore, #tpu.memory_space<semaphore_mem>>) src(%arg3 : memref<272xf32, #tpu.memory_space<hbm>>) dst(%arg7 : memref<272xf32, #tpu.memory_space<vmem>>)
      tpu.yield
    }) : () -> ()
    %sub3A = arith.constant 0 : i32
    %sub3A_1 = arith.subi %add3A, %sub3A : i32
    %jit3A = arith.constant 4 : i32
    %div3A = arith.divsi %sub3A_1, %jit3A : i32
    %sign3A = arith.constant 0 : i32
    %sign3A_2 = arith.cmpi sgt, %sub3A_1, %sign3A : i32
    %sign3A_3 = arith.extui %sign3A_2 : i1 to i32
    %sign3A_4 = arith.constant 0 : i32
    %sign3A_5 = arith.cmpi slt, %sub3A_1, %sign3A_4 : i32
    %sign3A_6 = arith.extui %sign3A_5 : i1 to i32
    %sign3A_7 = arith.subi %sign3A_3, %sign3A_6 : i32
    %sign3A_8 = arith.constant 0 : i32
    %sign3A_9 = arith.cmpi sgt, %jit3A, %sign3A_8 : i32
    %sign3A_10 = arith.extui %sign3A_9 : i1 to i32
    %sign3A_11 = arith.constant 0 : i32
    %sign3A_12 = arith.cmpi slt, %jit3A, %sign3A_11 : i32
    %sign3A_13 = arith.extui %sign3A_12 : i1 to i32
    %sign3A_14 = arith.subi %sign3A_10, %sign3A_13 : i32
    %ne3A = arith.cmpi ne, %sign3A_7, %sign3A_14 : i32
    %rem3A = arith.remsi %sub3A_1, %jit3A : i32
    %ne3A_15 = arith.constant 0 : i32
    %ne3A_16 = arith.cmpi ne, %rem3A, %ne3A_15 : i32
    %and3A = arith.andi %ne3A, %ne3A_16 : i1
    %sub3A_17 = arith.constant 1 : i32
    %sub3A_18 = arith.subi %div3A, %sub3A_17 : i32
    %select_n3A = arith.select %and3A, %sub3A_18, %div3A : i32
    %sub3A_19 = arith.constant 0 : i32
    %sub3A_20 = arith.subi %add3A, %sub3A_19 : i32
    %jit3A_21 = arith.constant 4 : i32
    %eq3A = arith.constant 0 : i32
    %eq3A_22 = arith.cmpi eq, %jit3A_21, %eq3A : i32
    %jit3A_23 = arith.constant 1 : i32
    %select_n3A_24 = arith.select %eq3A_22, %jit3A_23, %jit3A_21 : i32
    %rem3A_25 = arith.remsi %sub3A_20, %select_n3A_24 : i32
    %ne3A_26 = arith.constant 0 : i32
    %ne3A_27 = arith.cmpi ne, %rem3A_25, %ne3A_26 : i32
    %lt3A = arith.constant 0 : i32
    %lt3A_28 = arith.cmpi slt, %rem3A_25, %lt3A : i32
    %lt3A_29 = arith.constant 0 : i32
    %lt3A_30 = arith.cmpi slt, %select_n3A_24, %lt3A_29 : i32
    %ne3A_31 = arith.xori %lt3A_28, %lt3A_30 : i1
    %and3A_32 = arith.andi %ne3A_31, %ne3A_27 : i1
    %add3A_33 = arith.addi %rem3A_25, %select_n3A_24 : i32
    %select_n3A_34 = arith.select %and3A_32, %add3A_33, %rem3A_25 : i32
    %mul3A_35 = arith.constant 20 : i32
    %mul3A_36 = arith.muli %select_n3A_34, %mul3A_35 : i32
    %broadcast_in_dim3A = arith.constant 0.000000e+00 : f32
    %broadcast_in_dim3A_37 = vector.broadcast %broadcast_in_dim3A : f32 to vector<16xf32>
    %swap3A = arith.constant 0 : index
    %swap3A_38 = tpu.vector_load %arg9[%swap3A] {strides = array<i32>} : memref<3200xf32, #tpu.memory_space<vmem>>, vector<16xf32>,
    %swap3A_39 = vector.shape_cast %swap3A_38 : vector<16xf32> to vector<16xf32>
    %swap3A_40 = vector.shape_cast %broadcast_in_dim3A_37 : vector<16xf32> to vector<16xf32>
    tpu.vector_store %arg9[%swap3A], %swap3A_40 {strides = array<i32>} : memref<3200xf32, #tpu.memory_space<vmem>>, vector<16xf32>,
    %broadcast_in_dim3A_41 = arith.constant 0.000000e+00 : f32
    %broadcast_in_dim3A_42 = vector.broadcast %broadcast_in_dim3A_41 : f32 to vector<16xf32>
    %swap3A_43 = arith.constant 16 : index
    %swap3A_44 = tpu.vector_load %arg9[%swap3A_43] {strides = array<i32>} : memref<3200xf32, #tpu.memory_space<vmem>>, vector<16xf32>,
    %swap3A_45 = vector.shape_cast %swap3A_44 : vector<16xf32> to vector<16xf32>
    %swap3A_46 = vector.shape_cast %broadcast_in_dim3A_42 : vector<16xf32> to vector<16xf32>
    tpu.vector_store %arg9[%swap3A_43], %swap3A_46 {strides = array<i32>} : memref<3200xf32, #tpu.memory_space<vmem>>, vector<16xf32>,
    %broadcast_in_dim3A_47 = arith.constant 0.000000e+00 : f32
    %broadcast_in_dim3A_48 = vector.broadcast %broadcast_in_dim3A_47 : f32 to vector<16xf32>
    %swap3A_49 = arith.constant 32 : index
    %swap3A_50 = tpu.vector_load %arg9[%swap3A_49] {strides = array<i32>} : memref<3200xf32, #tpu.memory_space<vmem>>, vector<16xf32>,
    %swap3A_51 = vector.shape_cast %swap3A_50 : vector<16xf32> to vector<16xf32>
    %swap3A_52 = vector.shape_cast %broadcast_in_dim3A_48 : vector<16xf32> to vector<16xf32>
    tpu.vector_store %arg9[%swap3A_49], %swap3A_52 {strides = array<i32>} : memref<3200xf32, #tpu.memory_space<vmem>>, vector<16xf32>,
    %broadcast_in_dim3A_53 = arith.constant 0.000000e+00 : f32
    %broadcast_in_dim3A_54 = vector.broadcast %broadcast_in_dim3A_53 : f32 to vector<16xf32>
    %swap3A_55 = arith.constant 48 : index
    %swap3A_56 = tpu.vector_load %arg9[%swap3A_55] {strides = array<i32>} : memref<3200xf32, #tpu.memory_space<vmem>>, vector<16xf32>,
    %swap3A_57 = vector.shape_cast %swap3A_56 : vector<16xf32> to vector<16xf32>
    %swap3A_58 = vector.shape_cast %broadcast_in_dim3A_54 : vector<16xf32> to vector<16xf32>
    tpu.vector_store %arg9[%swap3A_55], %swap3A_58 {strides = array<i32>} : memref<3200xf32, #tpu.memory_space<vmem>>, vector<16xf32>,
    %broadcast_in_dim3A_59 = arith.constant 0.000000e+00 : f32
    %broadcast_in_dim3A_60 = vector.broadcast %broadcast_in_dim3A_59 : f32 to vector<16xf32>
    %swap3A_61 = arith.constant 64 : index
    %swap3A_62 = tpu.vector_load %arg9[%swap3A_61] {strides = array<i32>} : memref<3200xf32, #tpu.memory_space<vmem>>, vector<16xf32>,
    %swap3A_63 = vector.shape_cast %swap3A_62 : vector<16xf32> to vector<16xf32>
    %swap3A_64 = vector.shape_cast %broadcast_in_dim3A_60 : vector<16xf32> to vector<16xf32>
    tpu.vector_store %arg9[%swap3A_61], %swap3A_64 {strides = array<i32>} : memref<3200xf32, #tpu.memory_space<vmem>>, vector<16xf32>,
    %broadcast_in_dim3A_65 = arith.constant 0.000000e+00 : f32
    %broadcast_in_dim3A_66 = vector.broadcast %broadcast_in_dim3A_65 : f32 to vector<16xf32>
    %swap3A_67 = arith.constant 80 : index
    %swap3A_68 = tpu.vector_load %arg9[%swap3A_67] {strides = array<i32>} : memref<3200xf32, #tpu.memory_space<vmem>>, vector<16xf32>,
    %swap3A_69 = vector.shape_cast %swap3A_68 : vector<16xf32> to vector<16xf32>
    %swap3A_70 = vector.shape_cast %broadcast_in_dim3A_66 : vector<16xf32> to vector<16xf32>
    tpu.vector_store %arg9[%swap3A_67], %swap3A_70 {strides = array<i32>} : memref<3200xf32, #tpu.memory_space<vmem>>, vector<16xf32>,
    %broadcast_in_dim3A_71 = arith.constant 0.000000e+00 : f32
    %broadcast_in_dim3A_72 = vector.broadcast %broadcast_in_dim3A_71 : f32 to vector<16xf32>
    %swap3A_73 = arith.constant 96 : index
    %swap3A_74 = tpu.vector_load %arg9[%swap3A_73] {strides = array<i32>} : memref<3200xf32, #tpu.memory_space<vmem>>, vector<16xf32>,
    %swap3A_75 = vector.shape_cast %swap3A_74 : vector<16xf32> to vector<16xf32>
    %swap3A_76 = vector.shape_cast %broadcast_in_dim3A_72 : vector<16xf32> to vector<16xf32>
    tpu.vector_store %arg9[%swap3A_73], %swap3A_76 {strides = array<i32>} : memref<3200xf32, #tpu.memory_space<vmem>>, vector<16xf32>,
    %broadcast_in_dim3A_77 = arith.constant 0.000000e+00 : f32
    %broadcast_in_dim3A_78 = vector.broadcast %broadcast_in_dim3A_77 : f32 to vector<16xf32>
    %swap3A_79 = arith.constant 112 : index
    %swap3A_80 = tpu.vector_load %arg9[%swap3A_79] {strides = array<i32>} : memref<3200xf32, #tpu.memory_space<vmem>>, vector<16xf32>,
    %swap3A_81 = vector.shape_cast %swap3A_80 : vector<16xf32> to vector<16xf32>
    %swap3A_82 = vector.shape_cast %broadcast_in_dim3A_78 : vector<16xf32> to vector<16xf32>
    tpu.vector_store %arg9[%swap3A_79], %swap3A_82 {strides = array<i32>} : memref<3200xf32, #tpu.memory_space<vmem>>, vector<16xf32>,
    %broadcast_in_dim3A_83 = arith.constant 0.000000e+00 : f32
    %broadcast_in_dim3A_84 = vector.broadcast %broadcast_in_dim3A_83 : f32 to vector<16xf32>
    %swap3A_85 = arith.constant 128 : index
    %swap3A_86 = tpu.vector_load %arg9[%swap3A_85] {strides = array<i32>} : memref<3200xf32, #tpu.memory_space<vmem>>, vector<16xf32>,
    %swap3A_87 = vector.shape_cast %swap3A_86 : vector<16xf32> to vector<16xf32>
    %swap3A_88 = vector.shape_cast %broadcast_in_dim3A_84 : vector<16xf32> to vector<16xf32>
    tpu.vector_store %arg9[%swap3A_85], %swap3A_88 {strides = array<i32>} : memref<3200xf32, #tpu.memory_space<vmem>>, vector<16xf32>,
    %broadcast_in_dim3A_89 = arith.constant 0.000000e+00 : f32
    %broadcast_in_dim3A_90 = vector.broadcast %broadcast_in_dim3A_89 : f32 to vector<16xf32>
    %swap3A_91 = arith.constant 144 : index
    %swap3A_92 = tpu.vector_load %arg9[%swap3A_91] {strides = array<i32>} : memref<3200xf32, #tpu.memory_space<vmem>>, vector<16xf32>,
    %swap3A_93 = vector.shape_cast %swap3A_92 : vector<16xf32> to vector<16xf32>
    %swap3A_94 = vector.shape_cast %broadcast_in_dim3A_90 : vector<16xf32> to vector<16xf32>
    tpu.vector_store %arg9[%swap3A_91], %swap3A_94 {strides = array<i32>} : memref<3200xf32, #tpu.memory_space<vmem>>, vector<16xf32>,
    %broadcast_in_dim3A_95 = arith.constant 0.000000e+00 : f32
    %broadcast_in_dim3A_96 = vector.broadcast %broadcast_in_dim3A_95 : f32 to vector<16xf32>
    %swap3A_97 = arith.constant 160 : index
    %swap3A_98 = tpu.vector_load %arg9[%swap3A_97] {strides = array<i32>} : memref<3200xf32, #tpu.memory_space<vmem>>, vector<16xf32>,
    %swap3A_99 = vector.shape_cast %swap3A_98 : vector<16xf32> to vector<16xf32>
    %swap3A_100 = vector.shape_cast %broadcast_in_dim3A_96 : vector<16xf32> to vector<16xf32>
    tpu.vector_store %arg9[%swap3A_97], %swap3A_100 {strides = array<i32>} : memref<3200xf32, #tpu.memory_space<vmem>>, vector<16xf32>,
    %broadcast_in_dim3A_101 = arith.constant 0.000000e+00 : f32
    %broadcast_in_dim3A_102 = vector.broadcast %broadcast_in_dim3A_101 : f32 to vector<16xf32>
    %swap3A_103 = arith.constant 176 : index
    %swap3A_104 = tpu.vector_load %arg9[%swap3A_103] {strides = array<i32>} : memref<3200xf32, #tpu.memory_space<vmem>>, vector<16xf32>,
    %swap3A_105 = vector.shape_cast %swap3A_104 : vector<16xf32> to vector<16xf32>
    %swap3A_106 = vector.shape_cast %broadcast_in_dim3A_102 : vector<16xf32> to vector<16xf32>
    tpu.vector_store %arg9[%swap3A_103], %swap3A_106 {strides = array<i32>} : memref<3200xf32, #tpu.memory_space<vmem>>, vector<16xf32>,
    %broadcast_in_dim3A_107 = arith.constant 0.000000e+00 : f32
    %broadcast_in_dim3A_108 = vector.broadcast %broadcast_in_dim3A_107 : f32 to vector<16xf32>
    %swap3A_109 = arith.constant 192 : index
    %swap3A_110 = tpu.vector_load %arg9[%swap3A_109] {strides = array<i32>} : memref<3200xf32, #tpu.memory_space<vmem>>, vector<16xf32>,
    %swap3A_111 = vector.shape_cast %swap3A_110 : vector<16xf32> to vector<16xf32>
    %swap3A_112 = vector.shape_cast %broadcast_in_dim3A_108 : vector<16xf32> to vector<16xf32>
    tpu.vector_store %arg9[%swap3A_109], %swap3A_112 {strides = array<i32>} : memref<3200xf32, #tpu.memory_space<vmem>>, vector<16xf32>,
    %broadcast_in_dim3A_113 = arith.constant 0.000000e+00 : f32
    %broadcast_in_dim3A_114 = vector.broadcast %broadcast_in_dim3A_113 : f32 to vector<16xf32>
    %swap3A_115 = arith.constant 208 : index
    %swap3A_116 = tpu.vector_load %arg9[%swap3A_115] {strides = array<i32>} : memref<3200xf32, #tpu.memory_space<vmem>>, vector<16xf32>,
    %swap3A_117 = vector.shape_cast %swap3A_116 : vector<16xf32> to vector<16xf32>
    %swap3A_118 = vector.shape_cast %broadcast_in_dim3A_114 : vector<16xf32> to vector<16xf32>
    tpu.vector_store %arg9[%swap3A_115], %swap3A_118 {strides = array<i32>} : memref<3200xf32, #tpu.memory_space<vmem>>, vector<16xf32>,
    %broadcast_in_dim3A_119 = arith.constant 0.000000e+00 : f32
    %broadcast_in_dim3A_120 = vector.broadcast %broadcast_in_dim3A_119 : f32 to vector<16xf32>
    %swap3A_121 = arith.constant 224 : index
    %swap3A_122 = tpu.vector_load %arg9[%swap3A_121] {strides = array<i32>} : memref<3200xf32, #tpu.memory_space<vmem>>, vector<16xf32>,
    %swap3A_123 = vector.shape_cast %swap3A_122 : vector<16xf32> to vector<16xf32>
    %swap3A_124 = vector.shape_cast %broadcast_in_dim3A_120 : vector<16xf32> to vector<16xf32>
    tpu.vector_store %arg9[%swap3A_121], %swap3A_124 {strides = array<i32>} : memref<3200xf32, #tpu.memory_space<vmem>>, vector<16xf32>,
    %broadcast_in_dim3A_125 = arith.constant 0.000000e+00 : f32
    %broadcast_in_dim3A_126 = vector.broadcast %broadcast_in_dim3A_125 : f32 to vector<16xf32>
    %swap3A_127 = arith.constant 240 : index
    %swap3A_128 = tpu.vector_load %arg9[%swap3A_127] {strides = array<i32>} : memref<3200xf32, #tpu.memory_space<vmem>>, vector<16xf32>,
    %swap3A_129 = vector.shape_cast %swap3A_128 : vector<16xf32> to vector<16xf32>
    %swap3A_130 = vector.shape_cast %broadcast_in_dim3A_126 : vector<16xf32> to vector<16xf32>
    tpu.vector_store %arg9[%swap3A_127], %swap3A_130 {strides = array<i32>} : memref<3200xf32, #tpu.memory_space<vmem>>, vector<16xf32>,
    %broadcast_in_dim3A_131 = arith.constant 0.000000e+00 : f32
    %broadcast_in_dim3A_132 = vector.broadcast %broadcast_in_dim3A_131 : f32 to vector<16xf32>
    %swap3A_133 = arith.constant 256 : index
    %swap3A_134 = tpu.vector_load %arg9[%swap3A_133] {strides = array<i32>} : memref<3200xf32, #tpu.memory_space<vmem>>, vector<16xf32>,
    %swap3A_135 = vector.shape_cast %swap3A_134 : vector<16xf32> to vector<16xf32>
    %swap3A_136 = vector.shape_cast %broadcast_in_dim3A_132 : vector<16xf32> to vector<16xf32>
    tpu.vector_store %arg9[%swap3A_133], %swap3A_136 {strides = array<i32>} : memref<3200xf32, #tpu.memory_space<vmem>>, vector<16xf32>,
    %broadcast_in_dim3A_137 = arith.constant 0.000000e+00 : f32
    %broadcast_in_dim3A_138 = vector.broadcast %broadcast_in_dim3A_137 : f32 to vector<16xf32>
    %swap3A_139 = arith.constant 272 : index
    %swap3A_140 = tpu.vector_load %arg9[%swap3A_139] {strides = array<i32>} : memref<3200xf32, #tpu.memory_space<vmem>>, vector<16xf32>,
    %swap3A_141 = vector.shape_cast %swap3A_140 : vector<16xf32> to vector<16xf32>
    %swap3A_142 = vector.shape_cast %broadcast_in_dim3A_138 : vector<16xf32> to vector<16xf32>
    tpu.vector_store %arg9[%swap3A_139], %swap3A_142 {strides = array<i32>} : memref<3200xf32, #tpu.memory_space<vmem>>, vector<16xf32>,
    %broadcast_in_dim3A_143 = arith.constant 0.000000e+00 : f32
    %broadcast_in_dim3A_144 = vector.broadcast %broadcast_in_dim3A_143 : f32 to vector<16xf32>
    %swap3A_145 = arith.constant 288 : index
    %swap3A_146 = tpu.vector_load %arg9[%swap3A_145] {strides = array<i32>} : memref<3200xf32, #tpu.memory_space<vmem>>, vector<16xf32>,
    %swap3A_147 = vector.shape_cast %swap3A_146 : vector<16xf32> to vector<16xf32>
    %swap3A_148 = vector.shape_cast %broadcast_in_dim3A_144 : vector<16xf32> to vector<16xf32>
    tpu.vector_store %arg9[%swap3A_145], %swap3A_148 {strides = array<i32>} : memref<3200xf32, #tpu.memory_space<vmem>>, vector<16xf32>,
    %broadcast_in_dim3A_149 = arith.constant 0.000000e+00 : f32
    %broadcast_in_dim3A_150 = vector.broadcast %broadcast_in_dim3A_149 : f32 to vector<16xf32>
    %swap3A_151 = arith.constant 304 : index
    %swap3A_152 = tpu.vector_load %arg9[%swap3A_151] {strides = array<i32>} : memref<3200xf32, #tpu.memory_space<vmem>>, vector<16xf32>,
    %swap3A_153 = vector.shape_cast %swap3A_152 : vector<16xf32> to vector<16xf32>
    %swap3A_154 = vector.shape_cast %broadcast_in_dim3A_150 : vector<16xf32> to vector<16xf32>
    tpu.vector_store %arg9[%swap3A_151], %swap3A_154 {strides = array<i32>} : memref<3200xf32, #tpu.memory_space<vmem>>, vector<16xf32>,
    %broadcast_in_dim3A_155 = arith.constant 0.000000e+00 : f32
    %broadcast_in_dim3A_156 = vector.broadcast %broadcast_in_dim3A_155 : f32 to vector<16xf32>
    %swap3A_157 = arith.constant 320 : index
    %swap3A_158 = tpu.vector_load %arg9[%swap3A_157] {strides = array<i32>} : memref<3200xf32, #tpu.memory_space<vmem>>, vector<16xf32>,
    %swap3A_159 = vector.shape_cast %swap3A_158 : vector<16xf32> to vector<16xf32>
    %swap3A_160 = vector.shape_cast %broadcast_in_dim3A_156 : vector<16xf32> to vector<16xf32>
    tpu.vector_store %arg9[%swap3A_157], %swap3A_160 {strides = array<i32>} : memref<3200xf32, #tpu.memory_space<vmem>>, vector<16xf32>,
    %broadcast_in_dim3A_161 = arith.constant 0.000000e+00 : f32
    %broadcast_in_dim3A_162 = vector.broadcast %broadcast_in_dim3A_161 : f32 to vector<16xf32>
    %swap3A_163 = arith.constant 336 : index
    %swap3A_164 = tpu.vector_load %arg9[%swap3A_163] {strides = array<i32>} : memref<3200xf32, #tpu.memory_space<vmem>>, vector<16xf32>,
    %swap3A_165 = vector.shape_cast %swap3A_164 : vector<16xf32> to vector<16xf32>
    %swap3A_166 = vector.shape_cast %broadcast_in_dim3A_162 : vector<16xf32> to vector<16xf32>
    tpu.vector_store %arg9[%swap3A_163], %swap3A_166 {strides = array<i32>} : memref<3200xf32, #tpu.memory_space<vmem>>, vector<16xf32>,
    %broadcast_in_dim3A_167 = arith.constant 0.000000e+00 : f32
    %broadcast_in_dim3A_168 = vector.broadcast %broadcast_in_dim3A_167 : f32 to vector<16xf32>
    %swap3A_169 = arith.constant 352 : index
    %swap3A_170 = tpu.vector_load %arg9[%swap3A_169] {strides = array<i32>} : memref<3200xf32, #tpu.memory_space<vmem>>, vector<16xf32>,
    %swap3A_171 = vector.shape_cast %swap3A_170 : vector<16xf32> to vector<16xf32>
    %swap3A_172 = vector.shape_cast %broadcast_in_dim3A_168 : vector<16xf32> to vector<16xf32>
    tpu.vector_store %arg9[%swap3A_169], %swap3A_172 {strides = array<i32>} : memref<3200xf32, #tpu.memory_space<vmem>>, vector<16xf32>,
    %broadcast_in_dim3A_173 = arith.constant 0.000000e+00 : f32
    %broadcast_in_dim3A_174 = vector.broadcast %broadcast_in_dim3A_173 : f32 to vector<16xf32>
    %swap3A_175 = arith.constant 368 : index
    %swap3A_176 = tpu.vector_load %arg9[%swap3A_175] {strides = array<i32>} : memref<3200xf32, #tpu.memory_space<vmem>>, vector<16xf32>,
    %swap3A_177 = vector.shape_cast %swap3A_176 : vector<16xf32> to vector<16xf32>
    %swap3A_178 = vector.shape_cast %broadcast_in_dim3A_174 : vector<16xf32> to vector<16xf32>
    tpu.vector_store %arg9[%swap3A_175], %swap3A_178 {strides = array<i32>} : memref<3200xf32, #tpu.memory_space<vmem>>, vector<16xf32>,
    %broadcast_in_dim3A_179 = arith.constant 0.000000e+00 : f32
    %broadcast_in_dim3A_180 = vector.broadcast %broadcast_in_dim3A_179 : f32 to vector<16xf32>
    %swap3A_181 = arith.constant 384 : index
    %swap3A_182 = tpu.vector_load %arg9[%swap3A_181] {strides = array<i32>} : memref<3200xf32, #tpu.memory_space<vmem>>, vector<16xf32>,
    %swap3A_183 = vector.shape_cast %swap3A_182 : vector<16xf32> to vector<16xf32>
    %swap3A_184 = vector.shape_cast %broadcast_in_dim3A_180 : vector<16xf32> to vector<16xf32>
    tpu.vector_store %arg9[%swap3A_181], %swap3A_184 {strides = array<i32>} : memref<3200xf32, #tpu.memory_space<vmem>>, vector<16xf32>,
    %broadcast_in_dim3A_185 = arith.constant 0.000000e+00 : f32
    %broadcast_in_dim3A_186 = vector.broadcast %broadcast_in_dim3A_185 : f32 to vector<16xf32>
    %swap3A_187 = arith.constant 400 : index
    %swap3A_188 = tpu.vector_load %arg9[%swap3A_187] {strides = array<i32>} : memref<3200xf32, #tpu.memory_space<vmem>>, vector<16xf32>,
    %swap3A_189 = vector.shape_cast %swap3A_188 : vector<16xf32> to vector<16xf32>
    %swap3A_190 = vector.shape_cast %broadcast_in_dim3A_186 : vector<16xf32> to vector<16xf32>
    tpu.vector_store %arg9[%swap3A_187], %swap3A_190 {strides = array<i32>} : memref<3200xf32, #tpu.memory_space<vmem>>, vector<16xf32>,
    %broadcast_in_dim3A_191 = arith.constant 0.000000e+00 : f32
    %broadcast_in_dim3A_192 = vector.broadcast %broadcast_in_dim3A_191 : f32 to vector<16xf32>
    %swap3A_193 = arith.constant 416 : index
    %swap3A_194 = tpu.vector_load %arg9[%swap3A_193] {strides = array<i32>} : memref<3200xf32, #tpu.memory_space<vmem>>, vector<16xf32>,
    %swap3A_195 = vector.shape_cast %swap3A_194 : vector<16xf32> to vector<16xf32>
    %swap3A_196 = vector.shape_cast %broadcast_in_dim3A_192 : vector<16xf32> to vector<16xf32>
    tpu.vector_store %arg9[%swap3A_193], %swap3A_196 {strides = array<i32>} : memref<3200xf32, #tpu.memory_space<vmem>>, vector<16xf32>,
    %broadcast_in_dim3A_197 = arith.constant 0.000000e+00 : f32
    %broadcast_in_dim3A_198 = vector.broadcast %broadcast_in_dim3A_197 : f32 to vector<16xf32>
    %swap3A_199 = arith.constant 432 : index
    %swap3A_200 = tpu.vector_load %arg9[%swap3A_199] {strides = array<i32>} : memref<3200xf32, #tpu.memory_space<vmem>>, vector<16xf32>,
    %swap3A_201 = vector.shape_cast %swap3A_200 : vector<16xf32> to vector<16xf32>
    %swap3A_202 = vector.shape_cast %broadcast_in_dim3A_198 : vector<16xf32> to vector<16xf32>
    tpu.vector_store %arg9[%swap3A_199], %swap3A_202 {strides = array<i32>} : memref<3200xf32, #tpu.memory_space<vmem>>, vector<16xf32>,
    %broadcast_in_dim3A_203 = arith.constant 0.000000e+00 : f32
    %broadcast_in_dim3A_204 = vector.broadcast %broadcast_in_dim3A_203 : f32 to vector<16xf32>
    %swap3A_205 = arith.constant 448 : index
    %swap3A_206 = tpu.vector_load %arg9[%swap3A_205] {strides = array<i32>} : memref<3200xf32, #tpu.memory_space<vmem>>, vector<16xf32>,
    %swap3A_207 = vector.shape_cast %swap3A_206 : vector<16xf32> to vector<16xf32>
    %swap3A_208 = vector.shape_cast %broadcast_in_dim3A_204 : vector<16xf32> to vector<16xf32>
    tpu.vector_store %arg9[%swap3A_205], %swap3A_208 {strides = array<i32>} : memref<3200xf32, #tpu.memory_space<vmem>>, vector<16xf32>,
    %broadcast_in_dim3A_209 = arith.constant 0.000000e+00 : f32
    %broadcast_in_dim3A_210 = vector.broadcast %broadcast_in_dim3A_209 : f32 to vector<16xf32>
    %swap3A_211 = arith.constant 464 : index
    %swap3A_212 = tpu.vector_load %arg9[%swap3A_211] {strides = array<i32>} : memref<3200xf32, #tpu.memory_space<vmem>>, vector<16xf32>,
    %swap3A_213 = vector.shape_cast %swap3A_212 : vector<16xf32> to vector<16xf32>
    %swap3A_214 = vector.shape_cast %broadcast_in_dim3A_210 : vector<16xf32> to vector<16xf32>
    tpu.vector_store %arg9[%swap3A_211], %swap3A_214 {strides = array<i32>} : memref<3200xf32, #tpu.memory_space<vmem>>, vector<16xf32>,
    %broadcast_in_dim3A_215 = arith.constant 0.000000e+00 : f32
    %broadcast_in_dim3A_216 = vector.broadcast %broadcast_in_dim3A_215 : f32 to vector<16xf32>
    %swap3A_217 = arith.constant 480 : index
    %swap3A_218 = tpu.vector_load %arg9[%swap3A_217] {strides = array<i32>} : memref<3200xf32, #tpu.memory_space<vmem>>, vector<16xf32>,
    %swap3A_219 = vector.shape_cast %swap3A_218 : vector<16xf32> to vector<16xf32>
    %swap3A_220 = vector.shape_cast %broadcast_in_dim3A_216 : vector<16xf32> to vector<16xf32>
    tpu.vector_store %arg9[%swap3A_217], %swap3A_220 {strides = array<i32>} : memref<3200xf32, #tpu.memory_space<vmem>>, vector<16xf32>,
    %broadcast_in_dim3A_221 = arith.constant 0.000000e+00 : f32
    %broadcast_in_dim3A_222 = vector.broadcast %broadcast_in_dim3A_221 : f32 to vector<16xf32>
    %swap3A_223 = arith.constant 496 : index
    %swap3A_224 = tpu.vector_load %arg9[%swap3A_223] {strides = array<i32>} : memref<3200xf32, #tpu.memory_space<vmem>>, vector<16xf32>,
    %swap3A_225 = vector.shape_cast %swap3A_224 : vector<16xf32> to vector<16xf32>
    %swap3A_226 = vector.shape_cast %broadcast_in_dim3A_222 : vector<16xf32> to vector<16xf32>
    tpu.vector_store %arg9[%swap3A_223], %swap3A_226 {strides = array<i32>} : memref<3200xf32, #tpu.memory_space<vmem>>, vector<16xf32>,
    %broadcast_in_dim3A_227 = arith.constant 0.000000e+00 : f32
    %broadcast_in_dim3A_228 = vector.broadcast %broadcast_in_dim3A_227 : f32 to vector<16xf32>
    %swap3A_229 = arith.constant 512 : index
    %swap3A_230 = tpu.vector_load %arg9[%swap3A_229] {strides = array<i32>} : memref<3200xf32, #tpu.memory_space<vmem>>, vector<16xf32>,
    %swap3A_231 = vector.shape_cast %swap3A_230 : vector<16xf32> to vector<16xf32>
    %swap3A_232 = vector.shape_cast %broadcast_in_dim3A_228 : vector<16xf32> to vector<16xf32>
    tpu.vector_store %arg9[%swap3A_229], %swap3A_232 {strides = array<i32>} : memref<3200xf32, #tpu.memory_space<vmem>>, vector<16xf32>,
    %broadcast_in_dim3A_233 = arith.constant 0.000000e+00 : f32
    %broadcast_in_dim3A_234 = vector.broadcast %broadcast_in_dim3A_233 : f32 to vector<16xf32>
    %swap3A_235 = arith.constant 528 : index
    %swap3A_236 = tpu.vector_load %arg9[%swap3A_235] {strides = array<i32>} : memref<3200xf32, #tpu.memory_space<vmem>>, vector<16xf32>,
    %swap3A_237 = vector.shape_cast %swap3A_236 : vector<16xf32> to vector<16xf32>
    %swap3A_238 = vector.shape_cast %broadcast_in_dim3A_234 : vector<16xf32> to vector<16xf32>
    tpu.vector_store %arg9[%swap3A_235], %swap3A_238 {strides = array<i32>} : memref<3200xf32, #tpu.memory_space<vmem>>, vector<16xf32>,
    %broadcast_in_dim3A_239 = arith.constant 0.000000e+00 : f32
    %broadcast_in_dim3A_240 = vector.broadcast %broadcast_in_dim3A_239 : f32 to vector<16xf32>
    %swap3A_241 = arith.constant 544 : index
    %swap3A_242 = tpu.vector_load %arg9[%swap3A_241] {strides = array<i32>} : memref<3200xf32, #tpu.memory_space<vmem>>, vector<16xf32>,
    %swap3A_243 = vector.shape_cast %swap3A_242 : vector<16xf32> to vector<16xf32>
    %swap3A_244 = vector.shape_cast %broadcast_in_dim3A_240 : vector<16xf32> to vector<16xf32>
    tpu.vector_store %arg9[%swap3A_241], %swap3A_244 {strides = array<i32>} : memref<3200xf32, #tpu.memory_space<vmem>>, vector<16xf32>,
    %broadcast_in_dim3A_245 = arith.constant 0.000000e+00 : f32
    %broadcast_in_dim3A_246 = vector.broadcast %broadcast_in_dim3A_245 : f32 to vector<16xf32>
    %swap3A_247 = arith.constant 560 : index
    %swap3A_248 = tpu.vector_load %arg9[%swap3A_247] {strides = array<i32>} : memref<3200xf32, #tpu.memory_space<vmem>>, vector<16xf32>,
    %swap3A_249 = vector.shape_cast %swap3A_248 : vector<16xf32> to vector<16xf32>
    %swap3A_250 = vector.shape_cast %broadcast_in_dim3A_246 : vector<16xf32> to vector<16xf32>
    tpu.vector_store %arg9[%swap3A_247], %swap3A_250 {strides = array<i32>} : memref<3200xf32, #tpu.memory_space<vmem>>, vector<16xf32>,
    %broadcast_in_dim3A_251 = arith.constant 0.000000e+00 : f32
    %broadcast_in_dim3A_252 = vector.broadcast %broadcast_in_dim3A_251 : f32 to vector<16xf32>
    %swap3A_253 = arith.constant 576 : index
    %swap3A_254 = tpu.vector_load %arg9[%swap3A_253] {strides = array<i32>} : memref<3200xf32, #tpu.memory_space<vmem>>, vector<16xf32>,
    %swap3A_255 = vector.shape_cast %swap3A_254 : vector<16xf32> to vector<16xf32>
    %swap3A_256 = vector.shape_cast %broadcast_in_dim3A_252 : vector<16xf32> to vector<16xf32>
    tpu.vector_store %arg9[%swap3A_253], %swap3A_256 {strides = array<i32>} : memref<3200xf32, #tpu.memory_space<vmem>>, vector<16xf32>,
    %broadcast_in_dim3A_257 = arith.constant 0.000000e+00 : f32
    %broadcast_in_dim3A_258 = vector.broadcast %broadcast_in_dim3A_257 : f32 to vector<16xf32>
    %swap3A_259 = arith.constant 592 : index
    %swap3A_260 = tpu.vector_load %arg9[%swap3A_259] {strides = array<i32>} : memref<3200xf32, #tpu.memory_space<vmem>>, vector<16xf32>,
    %swap3A_261 = vector.shape_cast %swap3A_260 : vector<16xf32> to vector<16xf32>
    %swap3A_262 = vector.shape_cast %broadcast_in_dim3A_258 : vector<16xf32> to vector<16xf32>
    tpu.vector_store %arg9[%swap3A_259], %swap3A_262 {strides = array<i32>} : memref<3200xf32, #tpu.memory_space<vmem>>, vector<16xf32>,
    %broadcast_in_dim3A_263 = arith.constant 0.000000e+00 : f32
    %broadcast_in_dim3A_264 = vector.broadcast %broadcast_in_dim3A_263 : f32 to vector<16xf32>
    %swap3A_265 = arith.constant 608 : index
    %swap3A_266 = tpu.vector_load %arg9[%swap3A_265] {strides = array<i32>} : memref<3200xf32, #tpu.memory_space<vmem>>, vector<16xf32>,
    %swap3A_267 = vector.shape_cast %swap3A_266 : vector<16xf32> to vector<16xf32>
    %swap3A_268 = vector.shape_cast %broadcast_in_dim3A_264 : vector<16xf32> to vector<16xf32>
    tpu.vector_store %arg9[%swap3A_265], %swap3A_268 {strides = array<i32>} : memref<3200xf32, #tpu.memory_space<vmem>>, vector<16xf32>,
    %broadcast_in_dim3A_269 = arith.constant 0.000000e+00 : f32
    %broadcast_in_dim3A_270 = vector.broadcast %broadcast_in_dim3A_269 : f32 to vector<16xf32>
    %swap3A_271 = arith.constant 624 : index
    %swap3A_272 = tpu.vector_load %arg9[%swap3A_271] {strides = array<i32>} : memref<3200xf32, #tpu.memory_space<vmem>>, vector<16xf32>,
    %swap3A_273 = vector.shape_cast %swap3A_272 : vector<16xf32> to vector<16xf32>
    %swap3A_274 = vector.shape_cast %broadcast_in_dim3A_270 : vector<16xf32> to vector<16xf32>
    tpu.vector_store %arg9[%swap3A_271], %swap3A_274 {strides = array<i32>} : memref<3200xf32, #tpu.memory_space<vmem>>, vector<16xf32>,
    %broadcast_in_dim3A_275 = arith.constant 0.000000e+00 : f32
    %broadcast_in_dim3A_276 = vector.broadcast %broadcast_in_dim3A_275 : f32 to vector<16xf32>
    %swap3A_277 = arith.constant 640 : index
    %swap3A_278 = tpu.vector_load %arg9[%swap3A_277] {strides = array<i32>} : memref<3200xf32, #tpu.memory_space<vmem>>, vector<16xf32>,
    %swap3A_279 = vector.shape_cast %swap3A_278 : vector<16xf32> to vector<16xf32>
    %swap3A_280 = vector.shape_cast %broadcast_in_dim3A_276 : vector<16xf32> to vector<16xf32>
    tpu.vector_store %arg9[%swap3A_277], %swap3A_280 {strides = array<i32>} : memref<3200xf32, #tpu.memory_space<vmem>>, vector<16xf32>,
    %broadcast_in_dim3A_281 = arith.constant 0.000000e+00 : f32
    %broadcast_in_dim3A_282 = vector.broadcast %broadcast_in_dim3A_281 : f32 to vector<16xf32>
    %swap3A_283 = arith.constant 656 : index
    %swap3A_284 = tpu.vector_load %arg9[%swap3A_283] {strides = array<i32>} : memref<3200xf32, #tpu.memory_space<vmem>>, vector<16xf32>,
    %swap3A_285 = vector.shape_cast %swap3A_284 : vector<16xf32> to vector<16xf32>
    %swap3A_286 = vector.shape_cast %broadcast_in_dim3A_282 : vector<16xf32> to vector<16xf32>
    tpu.vector_store %arg9[%swap3A_283], %swap3A_286 {strides = array<i32>} : memref<3200xf32, #tpu.memory_space<vmem>>, vector<16xf32>,
    %broadcast_in_dim3A_287 = arith.constant 0.000000e+00 : f32
    %broadcast_in_dim3A_288 = vector.broadcast %broadcast_in_dim3A_287 : f32 to vector<16xf32>
    %swap3A_289 = arith.constant 672 : index
    %swap3A_290 = tpu.vector_load %arg9[%swap3A_289] {strides = array<i32>} : memref<3200xf32, #tpu.memory_space<vmem>>, vector<16xf32>,
    %swap3A_291 = vector.shape_cast %swap3A_290 : vector<16xf32> to vector<16xf32>
    %swap3A_292 = vector.shape_cast %broadcast_in_dim3A_288 : vector<16xf32> to vector<16xf32>
    tpu.vector_store %arg9[%swap3A_289], %swap3A_292 {strides = array<i32>} : memref<3200xf32, #tpu.memory_space<vmem>>, vector<16xf32>,
    %broadcast_in_dim3A_293 = arith.constant 0.000000e+00 : f32
    %broadcast_in_dim3A_294 = vector.broadcast %broadcast_in_dim3A_293 : f32 to vector<16xf32>
    %swap3A_295 = arith.constant 688 : index
    %swap3A_296 = tpu.vector_load %arg9[%swap3A_295] {strides = array<i32>} : memref<3200xf32, #tpu.memory_space<vmem>>, vector<16xf32>,
    %swap3A_297 = vector.shape_cast %swap3A_296 : vector<16xf32> to vector<16xf32>
    %swap3A_298 = vector.shape_cast %broadcast_in_dim3A_294 : vector<16xf32> to vector<16xf32>
    tpu.vector_store %arg9[%swap3A_295], %swap3A_298 {strides = array<i32>} : memref<3200xf32, #tpu.memory_space<vmem>>, vector<16xf32>,
    %broadcast_in_dim3A_299 = arith.constant 0.000000e+00 : f32
    %broadcast_in_dim3A_300 = vector.broadcast %broadcast_in_dim3A_299 : f32 to vector<16xf32>
    %swap3A_301 = arith.constant 704 : index
    %swap3A_302 = tpu.vector_load %arg9[%swap3A_301] {strides = array<i32>} : memref<3200xf32, #tpu.memory_space<vmem>>, vector<16xf32>,
    %swap3A_303 = vector.shape_cast %swap3A_302 : vector<16xf32> to vector<16xf32>
    %swap3A_304 = vector.shape_cast %broadcast_in_dim3A_300 : vector<16xf32> to vector<16xf32>
    tpu.vector_store %arg9[%swap3A_301], %swap3A_304 {strides = array<i32>} : memref<3200xf32, #tpu.memory_space<vmem>>, vector<16xf32>,
    %broadcast_in_dim3A_305 = arith.constant 0.000000e+00 : f32
    %broadcast_in_dim3A_306 = vector.broadcast %broadcast_in_dim3A_305 : f32 to vector<16xf32>
    %swap3A_307 = arith.constant 720 : index
    %swap3A_308 = tpu.vector_load %arg9[%swap3A_307] {strides = array<i32>} : memref<3200xf32, #tpu.memory_space<vmem>>, vector<16xf32>,
    %swap3A_309 = vector.shape_cast %swap3A_308 : vector<16xf32> to vector<16xf32>
    %swap3A_310 = vector.shape_cast %broadcast_in_dim3A_306 : vector<16xf32> to vector<16xf32>
    tpu.vector_store %arg9[%swap3A_307], %swap3A_310 {strides = array<i32>} : memref<3200xf32, #tpu.memory_space<vmem>>, vector<16xf32>,
    %broadcast_in_dim3A_311 = arith.constant 0.000000e+00 : f32
    %broadcast_in_dim3A_312 = vector.broadcast %broadcast_in_dim3A_311 : f32 to vector<16xf32>
    %swap3A_313 = arith.constant 736 : index
    %swap3A_314 = tpu.vector_load %arg9[%swap3A_313] {strides = array<i32>} : memref<3200xf32, #tpu.memory_space<vmem>>, vector<16xf32>,
    %swap3A_315 = vector.shape_cast %swap3A_314 : vector<16xf32> to vector<16xf32>
    %swap3A_316 = vector.shape_cast %broadcast_in_dim3A_312 : vector<16xf32> to vector<16xf32>
    tpu.vector_store %arg9[%swap3A_313], %swap3A_316 {strides = array<i32>} : memref<3200xf32, #tpu.memory_space<vmem>>, vector<16xf32>,
    %broadcast_in_dim3A_317 = arith.constant 0.000000e+00 : f32
    %broadcast_in_dim3A_318 = vector.broadcast %broadcast_in_dim3A_317 : f32 to vector<16xf32>
    %swap3A_319 = arith.constant 752 : index
    %swap3A_320 = tpu.vector_load %arg9[%swap3A_319] {strides = array<i32>} : memref<3200xf32, #tpu.memory_space<vmem>>, vector<16xf32>,
    %swap3A_321 = vector.shape_cast %swap3A_320 : vector<16xf32> to vector<16xf32>
    %swap3A_322 = vector.shape_cast %broadcast_in_dim3A_318 : vector<16xf32> to vector<16xf32>
    tpu.vector_store %arg9[%swap3A_319], %swap3A_322 {strides = array<i32>} : memref<3200xf32, #tpu.memory_space<vmem>>, vector<16xf32>,
    %broadcast_in_dim3A_323 = arith.constant 0.000000e+00 : f32
    %broadcast_in_dim3A_324 = vector.broadcast %broadcast_in_dim3A_323 : f32 to vector<16xf32>
    %swap3A_325 = arith.constant 768 : index
    %swap3A_326 = tpu.vector_load %arg9[%swap3A_325] {strides = array<i32>} : memref<3200xf32, #tpu.memory_space<vmem>>, vector<16xf32>,
    %swap3A_327 = vector.shape_cast %swap3A_326 : vector<16xf32> to vector<16xf32>
    %swap3A_328 = vector.shape_cast %broadcast_in_dim3A_324 : vector<16xf32> to vector<16xf32>
    tpu.vector_store %arg9[%swap3A_325], %swap3A_328 {strides = array<i32>} : memref<3200xf32, #tpu.memory_space<vmem>>, vector<16xf32>,
    %broadcast_in_dim3A_329 = arith.constant 0.000000e+00 : f32
    %broadcast_in_dim3A_330 = vector.broadcast %broadcast_in_dim3A_329 : f32 to vector<16xf32>
    %swap3A_331 = arith.constant 784 : index
    %swap3A_332 = tpu.vector_load %arg9[%swap3A_331] {strides = array<i32>} : memref<3200xf32, #tpu.memory_space<vmem>>, vector<16xf32>,
    %swap3A_333 = vector.shape_cast %swap3A_332 : vector<16xf32> to vector<16xf32>
    %swap3A_334 = vector.shape_cast %broadcast_in_dim3A_330 : vector<16xf32> to vector<16xf32>
    tpu.vector_store %arg9[%swap3A_331], %swap3A_334 {strides = array<i32>} : memref<3200xf32, #tpu.memory_space<vmem>>, vector<16xf32>,
    %broadcast_in_dim3A_335 = arith.constant 0.000000e+00 : f32
    %broadcast_in_dim3A_336 = vector.broadcast %broadcast_in_dim3A_335 : f32 to vector<16xf32>
    %swap3A_337 = arith.constant 800 : index
    %swap3A_338 = tpu.vector_load %arg9[%swap3A_337] {strides = array<i32>} : memref<3200xf32, #tpu.memory_space<vmem>>, vector<16xf32>,
    %swap3A_339 = vector.shape_cast %swap3A_338 : vector<16xf32> to vector<16xf32>
    %swap3A_340 = vector.shape_cast %broadcast_in_dim3A_336 : vector<16xf32> to vector<16xf32>
    tpu.vector_store %arg9[%swap3A_337], %swap3A_340 {strides = array<i32>} : memref<3200xf32, #tpu.memory_space<vmem>>, vector<16xf32>,
    %broadcast_in_dim3A_341 = arith.constant 0.000000e+00 : f32
    %broadcast_in_dim3A_342 = vector.broadcast %broadcast_in_dim3A_341 : f32 to vector<16xf32>
    %swap3A_343 = arith.constant 816 : index
    %swap3A_344 = tpu.vector_load %arg9[%swap3A_343] {strides = array<i32>} : memref<3200xf32, #tpu.memory_space<vmem>>, vector<16xf32>,
    %swap3A_345 = vector.shape_cast %swap3A_344 : vector<16xf32> to vector<16xf32>
    %swap3A_346 = vector.shape_cast %broadcast_in_dim3A_342 : vector<16xf32> to vector<16xf32>
    tpu.vector_store %arg9[%swap3A_343], %swap3A_346 {strides = array<i32>} : memref<3200xf32, #tpu.memory_space<vmem>>, vector<16xf32>,
    %broadcast_in_dim3A_347 = arith.constant 0.000000e+00 : f32
    %broadcast_in_dim3A_348 = vector.broadcast %broadcast_in_dim3A_347 : f32 to vector<16xf32>
    %swap3A_349 = arith.constant 832 : index
    %swap3A_350 = tpu.vector_load %arg9[%swap3A_349] {strides = array<i32>} : memref<3200xf32, #tpu.memory_space<vmem>>, vector<16xf32>,
    %swap3A_351 = vector.shape_cast %swap3A_350 : vector<16xf32> to vector<16xf32>
    %swap3A_352 = vector.shape_cast %broadcast_in_dim3A_348 : vector<16xf32> to vector<16xf32>
    tpu.vector_store %arg9[%swap3A_349], %swap3A_352 {strides = array<i32>} : memref<3200xf32, #tpu.memory_space<vmem>>, vector<16xf32>,
    %broadcast_in_dim3A_353 = arith.constant 0.000000e+00 : f32
    %broadcast_in_dim3A_354 = vector.broadcast %broadcast_in_dim3A_353 : f32 to vector<16xf32>
    %swap3A_355 = arith.constant 848 : index
    %swap3A_356 = tpu.vector_load %arg9[%swap3A_355] {strides = array<i32>} : memref<3200xf32, #tpu.memory_space<vmem>>, vector<16xf32>,
    %swap3A_357 = vector.shape_cast %swap3A_356 : vector<16xf32> to vector<16xf32>
    %swap3A_358 = vector.shape_cast %broadcast_in_dim3A_354 : vector<16xf32> to vector<16xf32>
    tpu.vector_store %arg9[%swap3A_355], %swap3A_358 {strides = array<i32>} : memref<3200xf32, #tpu.memory_space<vmem>>, vector<16xf32>,
    %broadcast_in_dim3A_359 = arith.constant 0.000000e+00 : f32
    %broadcast_in_dim3A_360 = vector.broadcast %broadcast_in_dim3A_359 : f32 to vector<16xf32>
    %swap3A_361 = arith.constant 864 : index
    %swap3A_362 = tpu.vector_load %arg9[%swap3A_361] {strides = array<i32>} : memref<3200xf32, #tpu.memory_space<vmem>>, vector<16xf32>,
    %swap3A_363 = vector.shape_cast %swap3A_362 : vector<16xf32> to vector<16xf32>
    %swap3A_364 = vector.shape_cast %broadcast_in_dim3A_360 : vector<16xf32> to vector<16xf32>
    tpu.vector_store %arg9[%swap3A_361], %swap3A_364 {strides = array<i32>} : memref<3200xf32, #tpu.memory_space<vmem>>, vector<16xf32>,
    %broadcast_in_dim3A_365 = arith.constant 0.000000e+00 : f32
    %broadcast_in_dim3A_366 = vector.broadcast %broadcast_in_dim3A_365 : f32 to vector<16xf32>
    %swap3A_367 = arith.constant 880 : index
    %swap3A_368 = tpu.vector_load %arg9[%swap3A_367] {strides = array<i32>} : memref<3200xf32, #tpu.memory_space<vmem>>, vector<16xf32>,
    %swap3A_369 = vector.shape_cast %swap3A_368 : vector<16xf32> to vector<16xf32>
    %swap3A_370 = vector.shape_cast %broadcast_in_dim3A_366 : vector<16xf32> to vector<16xf32>
    tpu.vector_store %arg9[%swap3A_367], %swap3A_370 {strides = array<i32>} : memref<3200xf32, #tpu.memory_space<vmem>>, vector<16xf32>,
    %broadcast_in_dim3A_371 = arith.constant 0.000000e+00 : f32
    %broadcast_in_dim3A_372 = vector.broadcast %broadcast_in_dim3A_371 : f32 to vector<16xf32>
    %swap3A_373 = arith.constant 896 : index
    %swap3A_374 = tpu.vector_load %arg9[%swap3A_373] {strides = array<i32>} : memref<3200xf32, #tpu.memory_space<vmem>>, vector<16xf32>,
    %swap3A_375 = vector.shape_cast %swap3A_374 : vector<16xf32> to vector<16xf32>
    %swap3A_376 = vector.shape_cast %broadcast_in_dim3A_372 : vector<16xf32> to vector<16xf32>
    tpu.vector_store %arg9[%swap3A_373], %swap3A_376 {strides = array<i32>} : memref<3200xf32, #tpu.memory_space<vmem>>, vector<16xf32>,
    %broadcast_in_dim3A_377 = arith.constant 0.000000e+00 : f32
    %broadcast_in_dim3A_378 = vector.broadcast %broadcast_in_dim3A_377 : f32 to vector<16xf32>
    %swap3A_379 = arith.constant 912 : index
    %swap3A_380 = tpu.vector_load %arg9[%swap3A_379] {strides = array<i32>} : memref<3200xf32, #tpu.memory_space<vmem>>, vector<16xf32>,
    %swap3A_381 = vector.shape_cast %swap3A_380 : vector<16xf32> to vector<16xf32>
    %swap3A_382 = vector.shape_cast %broadcast_in_dim3A_378 : vector<16xf32> to vector<16xf32>
    tpu.vector_store %arg9[%swap3A_379], %swap3A_382 {strides = array<i32>} : memref<3200xf32, #tpu.memory_space<vmem>>, vector<16xf32>,
    %broadcast_in_dim3A_383 = arith.constant 0.000000e+00 : f32
    %broadcast_in_dim3A_384 = vector.broadcast %broadcast_in_dim3A_383 : f32 to vector<16xf32>
    %swap3A_385 = arith.constant 928 : index
    %swap3A_386 = tpu.vector_load %arg9[%swap3A_385] {strides = array<i32>} : memref<3200xf32, #tpu.memory_space<vmem>>, vector<16xf32>,
    %swap3A_387 = vector.shape_cast %swap3A_386 : vector<16xf32> to vector<16xf32>
    %swap3A_388 = vector.shape_cast %broadcast_in_dim3A_384 : vector<16xf32> to vector<16xf32>
    tpu.vector_store %arg9[%swap3A_385], %swap3A_388 {strides = array<i32>} : memref<3200xf32, #tpu.memory_space<vmem>>, vector<16xf32>,
    %broadcast_in_dim3A_389 = arith.constant 0.000000e+00 : f32
    %broadcast_in_dim3A_390 = vector.broadcast %broadcast_in_dim3A_389 : f32 to vector<16xf32>
    %swap3A_391 = arith.constant 944 : index
    %swap3A_392 = tpu.vector_load %arg9[%swap3A_391] {strides = array<i32>} : memref<3200xf32, #tpu.memory_space<vmem>>, vector<16xf32>,
    %swap3A_393 = vector.shape_cast %swap3A_392 : vector<16xf32> to vector<16xf32>
    %swap3A_394 = vector.shape_cast %broadcast_in_dim3A_390 : vector<16xf32> to vector<16xf32>
    tpu.vector_store %arg9[%swap3A_391], %swap3A_394 {strides = array<i32>} : memref<3200xf32, #tpu.memory_space<vmem>>, vector<16xf32>,
    %broadcast_in_dim3A_395 = arith.constant 0.000000e+00 : f32
    %broadcast_in_dim3A_396 = vector.broadcast %broadcast_in_dim3A_395 : f32 to vector<16xf32>
    %swap3A_397 = arith.constant 960 : index
    %swap3A_398 = tpu.vector_load %arg9[%swap3A_397] {strides = array<i32>} : memref<3200xf32, #tpu.memory_space<vmem>>, vector<16xf32>,
    %swap3A_399 = vector.shape_cast %swap3A_398 : vector<16xf32> to vector<16xf32>
    %swap3A_400 = vector.shape_cast %broadcast_in_dim3A_396 : vector<16xf32> to vector<16xf32>
    tpu.vector_store %arg9[%swap3A_397], %swap3A_400 {strides = array<i32>} : memref<3200xf32, #tpu.memory_space<vmem>>, vector<16xf32>,
    %broadcast_in_dim3A_401 = arith.constant 0.000000e+00 : f32
    %broadcast_in_dim3A_402 = vector.broadcast %broadcast_in_dim3A_401 : f32 to vector<16xf32>
    %swap3A_403 = arith.constant 976 : index
    %swap3A_404 = tpu.vector_load %arg9[%swap3A_403] {strides = array<i32>} : memref<3200xf32, #tpu.memory_space<vmem>>, vector<16xf32>,
    %swap3A_405 = vector.shape_cast %swap3A_404 : vector<16xf32> to vector<16xf32>
    %swap3A_406 = vector.shape_cast %broadcast_in_dim3A_402 : vector<16xf32> to vector<16xf32>
    tpu.vector_store %arg9[%swap3A_403], %swap3A_406 {strides = array<i32>} : memref<3200xf32, #tpu.memory_space<vmem>>, vector<16xf32>,
    %broadcast_in_dim3A_407 = arith.constant 0.000000e+00 : f32
    %broadcast_in_dim3A_408 = vector.broadcast %broadcast_in_dim3A_407 : f32 to vector<16xf32>
    %swap3A_409 = arith.constant 992 : index
    %swap3A_410 = tpu.vector_load %arg9[%swap3A_409] {strides = array<i32>} : memref<3200xf32, #tpu.memory_space<vmem>>, vector<16xf32>,
    %swap3A_411 = vector.shape_cast %swap3A_410 : vector<16xf32> to vector<16xf32>
    %swap3A_412 = vector.shape_cast %broadcast_in_dim3A_408 : vector<16xf32> to vector<16xf32>
    tpu.vector_store %arg9[%swap3A_409], %swap3A_412 {strides = array<i32>} : memref<3200xf32, #tpu.memory_space<vmem>>, vector<16xf32>,
    %broadcast_in_dim3A_413 = arith.constant 0.000000e+00 : f32
    %broadcast_in_dim3A_414 = vector.broadcast %broadcast_in_dim3A_413 : f32 to vector<16xf32>
    %swap3A_415 = arith.constant 1008 : index
    %swap3A_416 = tpu.vector_load %arg9[%swap3A_415] {strides = array<i32>} : memref<3200xf32, #tpu.memory_space<vmem>>, vector<16xf32>,
    %swap3A_417 = vector.shape_cast %swap3A_416 : vector<16xf32> to vector<16xf32>
    %swap3A_418 = vector.shape_cast %broadcast_in_dim3A_414 : vector<16xf32> to vector<16xf32>
    tpu.vector_store %arg9[%swap3A_415], %swap3A_418 {strides = array<i32>} : memref<3200xf32, #tpu.memory_space<vmem>>, vector<16xf32>,
    %broadcast_in_dim3A_419 = arith.constant 0.000000e+00 : f32
    %broadcast_in_dim3A_420 = vector.broadcast %broadcast_in_dim3A_419 : f32 to vector<16xf32>
    %swap3A_421 = arith.constant 1024 : index
    %swap3A_422 = tpu.vector_load %arg9[%swap3A_421] {strides = array<i32>} : memref<3200xf32, #tpu.memory_space<vmem>>, vector<16xf32>,
    %swap3A_423 = vector.shape_cast %swap3A_422 : vector<16xf32> to vector<16xf32>
    %swap3A_424 = vector.shape_cast %broadcast_in_dim3A_420 : vector<16xf32> to vector<16xf32>
    tpu.vector_store %arg9[%swap3A_421], %swap3A_424 {strides = array<i32>} : memref<3200xf32, #tpu.memory_space<vmem>>, vector<16xf32>,
    %broadcast_in_dim3A_425 = arith.constant 0.000000e+00 : f32
    %broadcast_in_dim3A_426 = vector.broadcast %broadcast_in_dim3A_425 : f32 to vector<16xf32>
    %swap3A_427 = arith.constant 1040 : index
    %swap3A_428 = tpu.vector_load %arg9[%swap3A_427] {strides = array<i32>} : memref<3200xf32, #tpu.memory_space<vmem>>, vector<16xf32>,
    %swap3A_429 = vector.shape_cast %swap3A_428 : vector<16xf32> to vector<16xf32>
    %swap3A_430 = vector.shape_cast %broadcast_in_dim3A_426 : vector<16xf32> to vector<16xf32>
    tpu.vector_store %arg9[%swap3A_427], %swap3A_430 {strides = array<i32>} : memref<3200xf32, #tpu.memory_space<vmem>>, vector<16xf32>,
    %broadcast_in_dim3A_431 = arith.constant 0.000000e+00 : f32
    %broadcast_in_dim3A_432 = vector.broadcast %broadcast_in_dim3A_431 : f32 to vector<16xf32>
    %swap3A_433 = arith.constant 1056 : index
    %swap3A_434 = tpu.vector_load %arg9[%swap3A_433] {strides = array<i32>} : memref<3200xf32, #tpu.memory_space<vmem>>, vector<16xf32>,
    %swap3A_435 = vector.shape_cast %swap3A_434 : vector<16xf32> to vector<16xf32>
    %swap3A_436 = vector.shape_cast %broadcast_in_dim3A_432 : vector<16xf32> to vector<16xf32>
    tpu.vector_store %arg9[%swap3A_433], %swap3A_436 {strides = array<i32>} : memref<3200xf32, #tpu.memory_space<vmem>>, vector<16xf32>,
    %broadcast_in_dim3A_437 = arith.constant 0.000000e+00 : f32
    %broadcast_in_dim3A_438 = vector.broadcast %broadcast_in_dim3A_437 : f32 to vector<16xf32>
    %swap3A_439 = arith.constant 1072 : index
    %swap3A_440 = tpu.vector_load %arg9[%swap3A_439] {strides = array<i32>} : memref<3200xf32, #tpu.memory_space<vmem>>, vector<16xf32>,
    %swap3A_441 = vector.shape_cast %swap3A_440 : vector<16xf32> to vector<16xf32>
    %swap3A_442 = vector.shape_cast %broadcast_in_dim3A_438 : vector<16xf32> to vector<16xf32>
    tpu.vector_store %arg9[%swap3A_439], %swap3A_442 {strides = array<i32>} : memref<3200xf32, #tpu.memory_space<vmem>>, vector<16xf32>,
    %broadcast_in_dim3A_443 = arith.constant 0.000000e+00 : f32
    %broadcast_in_dim3A_444 = vector.broadcast %broadcast_in_dim3A_443 : f32 to vector<16xf32>
    %swap3A_445 = arith.constant 1088 : index
    %swap3A_446 = tpu.vector_load %arg9[%swap3A_445] {strides = array<i32>} : memref<3200xf32, #tpu.memory_space<vmem>>, vector<16xf32>,
    %swap3A_447 = vector.shape_cast %swap3A_446 : vector<16xf32> to vector<16xf32>
    %swap3A_448 = vector.shape_cast %broadcast_in_dim3A_444 : vector<16xf32> to vector<16xf32>
    tpu.vector_store %arg9[%swap3A_445], %swap3A_448 {strides = array<i32>} : memref<3200xf32, #tpu.memory_space<vmem>>, vector<16xf32>,
    %broadcast_in_dim3A_449 = arith.constant 0.000000e+00 : f32
    %broadcast_in_dim3A_450 = vector.broadcast %broadcast_in_dim3A_449 : f32 to vector<16xf32>
    %swap3A_451 = arith.constant 1104 : index
    %swap3A_452 = tpu.vector_load %arg9[%swap3A_451] {strides = array<i32>} : memref<3200xf32, #tpu.memory_space<vmem>>, vector<16xf32>,
    %swap3A_453 = vector.shape_cast %swap3A_452 : vector<16xf32> to vector<16xf32>
    %swap3A_454 = vector.shape_cast %broadcast_in_dim3A_450 : vector<16xf32> to vector<16xf32>
    tpu.vector_store %arg9[%swap3A_451], %swap3A_454 {strides = array<i32>} : memref<3200xf32, #tpu.memory_space<vmem>>, vector<16xf32>,
    %broadcast_in_dim3A_455 = arith.constant 0.000000e+00 : f32
    %broadcast_in_dim3A_456 = vector.broadcast %broadcast_in_dim3A_455 : f32 to vector<16xf32>
    %swap3A_457 = arith.constant 1120 : index
    %swap3A_458 = tpu.vector_load %arg9[%swap3A_457] {strides = array<i32>} : memref<3200xf32, #tpu.memory_space<vmem>>, vector<16xf32>,
    %swap3A_459 = vector.shape_cast %swap3A_458 : vector<16xf32> to vector<16xf32>
    %swap3A_460 = vector.shape_cast %broadcast_in_dim3A_456 : vector<16xf32> to vector<16xf32>
    tpu.vector_store %arg9[%swap3A_457], %swap3A_460 {strides = array<i32>} : memref<3200xf32, #tpu.memory_space<vmem>>, vector<16xf32>,
    %broadcast_in_dim3A_461 = arith.constant 0.000000e+00 : f32
    %broadcast_in_dim3A_462 = vector.broadcast %broadcast_in_dim3A_461 : f32 to vector<16xf32>
    %swap3A_463 = arith.constant 1136 : index
    %swap3A_464 = tpu.vector_load %arg9[%swap3A_463] {strides = array<i32>} : memref<3200xf32, #tpu.memory_space<vmem>>, vector<16xf32>,
    %swap3A_465 = vector.shape_cast %swap3A_464 : vector<16xf32> to vector<16xf32>
    %swap3A_466 = vector.shape_cast %broadcast_in_dim3A_462 : vector<16xf32> to vector<16xf32>
    tpu.vector_store %arg9[%swap3A_463], %swap3A_466 {strides = array<i32>} : memref<3200xf32, #tpu.memory_space<vmem>>, vector<16xf32>,
    %broadcast_in_dim3A_467 = arith.constant 0.000000e+00 : f32
    %broadcast_in_dim3A_468 = vector.broadcast %broadcast_in_dim3A_467 : f32 to vector<16xf32>
    %swap3A_469 = arith.constant 1152 : index
    %swap3A_470 = tpu.vector_load %arg9[%swap3A_469] {strides = array<i32>} : memref<3200xf32, #tpu.memory_space<vmem>>, vector<16xf32>,
    %swap3A_471 = vector.shape_cast %swap3A_470 : vector<16xf32> to vector<16xf32>
    %swap3A_472 = vector.shape_cast %broadcast_in_dim3A_468 : vector<16xf32> to vector<16xf32>
    tpu.vector_store %arg9[%swap3A_469], %swap3A_472 {strides = array<i32>} : memref<3200xf32, #tpu.memory_space<vmem>>, vector<16xf32>,
    %broadcast_in_dim3A_473 = arith.constant 0.000000e+00 : f32
    %broadcast_in_dim3A_474 = vector.broadcast %broadcast_in_dim3A_473 : f32 to vector<16xf32>
    %swap3A_475 = arith.constant 1168 : index
    %swap3A_476 = tpu.vector_load %arg9[%swap3A_475] {strides = array<i32>} : memref<3200xf32, #tpu.memory_space<vmem>>, vector<16xf32>,
    %swap3A_477 = vector.shape_cast %swap3A_476 : vector<16xf32> to vector<16xf32>
    %swap3A_478 = vector.shape_cast %broadcast_in_dim3A_474 : vector<16xf32> to vector<16xf32>
    tpu.vector_store %arg9[%swap3A_475], %swap3A_478 {strides = array<i32>} : memref<3200xf32, #tpu.memory_space<vmem>>, vector<16xf32>,
    %broadcast_in_dim3A_479 = arith.constant 0.000000e+00 : f32
    %broadcast_in_dim3A_480 = vector.broadcast %broadcast_in_dim3A_479 : f32 to vector<16xf32>
    %swap3A_481 = arith.constant 1184 : index
    %swap3A_482 = tpu.vector_load %arg9[%swap3A_481] {strides = array<i32>} : memref<3200xf32, #tpu.memory_space<vmem>>, vector<16xf32>,
    %swap3A_483 = vector.shape_cast %swap3A_482 : vector<16xf32> to vector<16xf32>
    %swap3A_484 = vector.shape_cast %broadcast_in_dim3A_480 : vector<16xf32> to vector<16xf32>
    tpu.vector_store %arg9[%swap3A_481], %swap3A_484 {strides = array<i32>} : memref<3200xf32, #tpu.memory_space<vmem>>, vector<16xf32>,
    %broadcast_in_dim3A_485 = arith.constant 0.000000e+00 : f32
    %broadcast_in_dim3A_486 = vector.broadcast %broadcast_in_dim3A_485 : f32 to vector<16xf32>
    %swap3A_487 = arith.constant 1200 : index
    %swap3A_488 = tpu.vector_load %arg9[%swap3A_487] {strides = array<i32>} : memref<3200xf32, #tpu.memory_space<vmem>>, vector<16xf32>,
    %swap3A_489 = vector.shape_cast %swap3A_488 : vector<16xf32> to vector<16xf32>
    %swap3A_490 = vector.shape_cast %broadcast_in_dim3A_486 : vector<16xf32> to vector<16xf32>
    tpu.vector_store %arg9[%swap3A_487], %swap3A_490 {strides = array<i32>} : memref<3200xf32, #tpu.memory_space<vmem>>, vector<16xf32>,
    %broadcast_in_dim3A_491 = arith.constant 0.000000e+00 : f32
    %broadcast_in_dim3A_492 = vector.broadcast %broadcast_in_dim3A_491 : f32 to vector<16xf32>
    %swap3A_493 = arith.constant 1216 : index
    %swap3A_494 = tpu.vector_load %arg9[%swap3A_493] {strides = array<i32>} : memref<3200xf32, #tpu.memory_space<vmem>>, vector<16xf32>,
    %swap3A_495 = vector.shape_cast %swap3A_494 : vector<16xf32> to vector<16xf32>
    %swap3A_496 = vector.shape_cast %broadcast_in_dim3A_492 : vector<16xf32> to vector<16xf32>
    tpu.vector_store %arg9[%swap3A_493], %swap3A_496 {strides = array<i32>} : memref<3200xf32, #tpu.memory_space<vmem>>, vector<16xf32>,
    %broadcast_in_dim3A_497 = arith.constant 0.000000e+00 : f32
    %broadcast_in_dim3A_498 = vector.broadcast %broadcast_in_dim3A_497 : f32 to vector<16xf32>
    %swap3A_499 = arith.constant 1232 : index
    %swap3A_500 = tpu.vector_load %arg9[%swap3A_499] {strides = array<i32>} : memref<3200xf32, #tpu.memory_space<vmem>>, vector<16xf32>,
    %swap3A_501 = vector.shape_cast %swap3A_500 : vector<16xf32> to vector<16xf32>
    %swap3A_502 = vector.shape_cast %broadcast_in_dim3A_498 : vector<16xf32> to vector<16xf32>
    tpu.vector_store %arg9[%swap3A_499], %swap3A_502 {strides = array<i32>} : memref<3200xf32, #tpu.memory_space<vmem>>, vector<16xf32>,
    %broadcast_in_dim3A_503 = arith.constant 0.000000e+00 : f32
    %broadcast_in_dim3A_504 = vector.broadcast %broadcast_in_dim3A_503 : f32 to vector<16xf32>
    %swap3A_505 = arith.constant 1248 : index
    %swap3A_506 = tpu.vector_load %arg9[%swap3A_505] {strides = array<i32>} : memref<3200xf32, #tpu.memory_space<vmem>>, vector<16xf32>,
    %swap3A_507 = vector.shape_cast %swap3A_506 : vector<16xf32> to vector<16xf32>
    %swap3A_508 = vector.shape_cast %broadcast_in_dim3A_504 : vector<16xf32> to vector<16xf32>
    tpu.vector_store %arg9[%swap3A_505], %swap3A_508 {strides = array<i32>} : memref<3200xf32, #tpu.memory_space<vmem>>, vector<16xf32>,
    %broadcast_in_dim3A_509 = arith.constant 0.000000e+00 : f32
    %broadcast_in_dim3A_510 = vector.broadcast %broadcast_in_dim3A_509 : f32 to vector<16xf32>
    %swap3A_511 = arith.constant 1264 : index
    %swap3A_512 = tpu.vector_load %arg9[%swap3A_511] {strides = array<i32>} : memref<3200xf32, #tpu.memory_space<vmem>>, vector<16xf32>,
    %swap3A_513 = vector.shape_cast %swap3A_512 : vector<16xf32> to vector<16xf32>
    %swap3A_514 = vector.shape_cast %broadcast_in_dim3A_510 : vector<16xf32> to vector<16xf32>
    tpu.vector_store %arg9[%swap3A_511], %swap3A_514 {strides = array<i32>} : memref<3200xf32, #tpu.memory_space<vmem>>, vector<16xf32>,
    %broadcast_in_dim3A_515 = arith.constant 0.000000e+00 : f32
    %broadcast_in_dim3A_516 = vector.broadcast %broadcast_in_dim3A_515 : f32 to vector<16xf32>
    %swap3A_517 = arith.constant 1280 : index
    %swap3A_518 = tpu.vector_load %arg9[%swap3A_517] {strides = array<i32>} : memref<3200xf32, #tpu.memory_space<vmem>>, vector<16xf32>,
    %swap3A_519 = vector.shape_cast %swap3A_518 : vector<16xf32> to vector<16xf32>
    %swap3A_520 = vector.shape_cast %broadcast_in_dim3A_516 : vector<16xf32> to vector<16xf32>
    tpu.vector_store %arg9[%swap3A_517], %swap3A_520 {strides = array<i32>} : memref<3200xf32, #tpu.memory_space<vmem>>, vector<16xf32>,
    %broadcast_in_dim3A_521 = arith.constant 0.000000e+00 : f32
    %broadcast_in_dim3A_522 = vector.broadcast %broadcast_in_dim3A_521 : f32 to vector<16xf32>
    %swap3A_523 = arith.constant 1296 : index
    %swap3A_524 = tpu.vector_load %arg9[%swap3A_523] {strides = array<i32>} : memref<3200xf32, #tpu.memory_space<vmem>>, vector<16xf32>,
    %swap3A_525 = vector.shape_cast %swap3A_524 : vector<16xf32> to vector<16xf32>
    %swap3A_526 = vector.shape_cast %broadcast_in_dim3A_522 : vector<16xf32> to vector<16xf32>
    tpu.vector_store %arg9[%swap3A_523], %swap3A_526 {strides = array<i32>} : memref<3200xf32, #tpu.memory_space<vmem>>, vector<16xf32>,
    %broadcast_in_dim3A_527 = arith.constant 0.000000e+00 : f32
    %broadcast_in_dim3A_528 = vector.broadcast %broadcast_in_dim3A_527 : f32 to vector<16xf32>
    %swap3A_529 = arith.constant 1312 : index
    %swap3A_530 = tpu.vector_load %arg9[%swap3A_529] {strides = array<i32>} : memref<3200xf32, #tpu.memory_space<vmem>>, vector<16xf32>,
    %swap3A_531 = vector.shape_cast %swap3A_530 : vector<16xf32> to vector<16xf32>
    %swap3A_532 = vector.shape_cast %broadcast_in_dim3A_528 : vector<16xf32> to vector<16xf32>
    tpu.vector_store %arg9[%swap3A_529], %swap3A_532 {strides = array<i32>} : memref<3200xf32, #tpu.memory_space<vmem>>, vector<16xf32>,
    %broadcast_in_dim3A_533 = arith.constant 0.000000e+00 : f32
    %broadcast_in_dim3A_534 = vector.broadcast %broadcast_in_dim3A_533 : f32 to vector<16xf32>
    %swap3A_535 = arith.constant 1328 : index
    %swap3A_536 = tpu.vector_load %arg9[%swap3A_535] {strides = array<i32>} : memref<3200xf32, #tpu.memory_space<vmem>>, vector<16xf32>,
    %swap3A_537 = vector.shape_cast %swap3A_536 : vector<16xf32> to vector<16xf32>
    %swap3A_538 = vector.shape_cast %broadcast_in_dim3A_534 : vector<16xf32> to vector<16xf32>
    tpu.vector_store %arg9[%swap3A_535], %swap3A_538 {strides = array<i32>} : memref<3200xf32, #tpu.memory_space<vmem>>, vector<16xf32>,
    %broadcast_in_dim3A_539 = arith.constant 0.000000e+00 : f32
    %broadcast_in_dim3A_540 = vector.broadcast %broadcast_in_dim3A_539 : f32 to vector<16xf32>
    %swap3A_541 = arith.constant 1344 : index
    %swap3A_542 = tpu.vector_load %arg9[%swap3A_541] {strides = array<i32>} : memref<3200xf32, #tpu.memory_space<vmem>>, vector<16xf32>,
    %swap3A_543 = vector.shape_cast %swap3A_542 : vector<16xf32> to vector<16xf32>
    %swap3A_544 = vector.shape_cast %broadcast_in_dim3A_540 : vector<16xf32> to vector<16xf32>
    tpu.vector_store %arg9[%swap3A_541], %swap3A_544 {strides = array<i32>} : memref<3200xf32, #tpu.memory_space<vmem>>, vector<16xf32>,
    %broadcast_in_dim3A_545 = arith.constant 0.000000e+00 : f32
    %broadcast_in_dim3A_546 = vector.broadcast %broadcast_in_dim3A_545 : f32 to vector<16xf32>
    %swap3A_547 = arith.constant 1360 : index
    %swap3A_548 = tpu.vector_load %arg9[%swap3A_547] {strides = array<i32>} : memref<3200xf32, #tpu.memory_space<vmem>>, vector<16xf32>,
    %swap3A_549 = vector.shape_cast %swap3A_548 : vector<16xf32> to vector<16xf32>
    %swap3A_550 = vector.shape_cast %broadcast_in_dim3A_546 : vector<16xf32> to vector<16xf32>
    tpu.vector_store %arg9[%swap3A_547], %swap3A_550 {strides = array<i32>} : memref<3200xf32, #tpu.memory_space<vmem>>, vector<16xf32>,
    %broadcast_in_dim3A_551 = arith.constant 0.000000e+00 : f32
    %broadcast_in_dim3A_552 = vector.broadcast %broadcast_in_dim3A_551 : f32 to vector<16xf32>
    %swap3A_553 = arith.constant 1376 : index
    %swap3A_554 = tpu.vector_load %arg9[%swap3A_553] {strides = array<i32>} : memref<3200xf32, #tpu.memory_space<vmem>>, vector<16xf32>,
    %swap3A_555 = vector.shape_cast %swap3A_554 : vector<16xf32> to vector<16xf32>
    %swap3A_556 = vector.shape_cast %broadcast_in_dim3A_552 : vector<16xf32> to vector<16xf32>
    tpu.vector_store %arg9[%swap3A_553], %swap3A_556 {strides = array<i32>} : memref<3200xf32, #tpu.memory_space<vmem>>, vector<16xf32>,
    %broadcast_in_dim3A_557 = arith.constant 0.000000e+00 : f32
    %broadcast_in_dim3A_558 = vector.broadcast %broadcast_in_dim3A_557 : f32 to vector<16xf32>
    %swap3A_559 = arith.constant 1392 : index
    %swap3A_560 = tpu.vector_load %arg9[%swap3A_559] {strides = array<i32>} : memref<3200xf32, #tpu.memory_space<vmem>>, vector<16xf32>,
    %swap3A_561 = vector.shape_cast %swap3A_560 : vector<16xf32> to vector<16xf32>
    %swap3A_562 = vector.shape_cast %broadcast_in_dim3A_558 : vector<16xf32> to vector<16xf32>
    tpu.vector_store %arg9[%swap3A_559], %swap3A_562 {strides = array<i32>} : memref<3200xf32, #tpu.memory_space<vmem>>, vector<16xf32>,
    %broadcast_in_dim3A_563 = arith.constant 0.000000e+00 : f32
    %broadcast_in_dim3A_564 = vector.broadcast %broadcast_in_dim3A_563 : f32 to vector<16xf32>
    %swap3A_565 = arith.constant 1408 : index
    %swap3A_566 = tpu.vector_load %arg9[%swap3A_565] {strides = array<i32>} : memref<3200xf32, #tpu.memory_space<vmem>>, vector<16xf32>,
    %swap3A_567 = vector.shape_cast %swap3A_566 : vector<16xf32> to vector<16xf32>
    %swap3A_568 = vector.shape_cast %broadcast_in_dim3A_564 : vector<16xf32> to vector<16xf32>
    tpu.vector_store %arg9[%swap3A_565], %swap3A_568 {strides = array<i32>} : memref<3200xf32, #tpu.memory_space<vmem>>, vector<16xf32>,
    %broadcast_in_dim3A_569 = arith.constant 0.000000e+00 : f32
    %broadcast_in_dim3A_570 = vector.broadcast %broadcast_in_dim3A_569 : f32 to vector<16xf32>
    %swap3A_571 = arith.constant 1424 : index
    %swap3A_572 = tpu.vector_load %arg9[%swap3A_571] {strides = array<i32>} : memref<3200xf32, #tpu.memory_space<vmem>>, vector<16xf32>,
    %swap3A_573 = vector.shape_cast %swap3A_572 : vector<16xf32> to vector<16xf32>
    %swap3A_574 = vector.shape_cast %broadcast_in_dim3A_570 : vector<16xf32> to vector<16xf32>
    tpu.vector_store %arg9[%swap3A_571], %swap3A_574 {strides = array<i32>} : memref<3200xf32, #tpu.memory_space<vmem>>, vector<16xf32>,
    %broadcast_in_dim3A_575 = arith.constant 0.000000e+00 : f32
    %broadcast_in_dim3A_576 = vector.broadcast %broadcast_in_dim3A_575 : f32 to vector<16xf32>
    %swap3A_577 = arith.constant 1440 : index
    %swap3A_578 = tpu.vector_load %arg9[%swap3A_577] {strides = array<i32>} : memref<3200xf32, #tpu.memory_space<vmem>>, vector<16xf32>,
    %swap3A_579 = vector.shape_cast %swap3A_578 : vector<16xf32> to vector<16xf32>
    %swap3A_580 = vector.shape_cast %broadcast_in_dim3A_576 : vector<16xf32> to vector<16xf32>
    tpu.vector_store %arg9[%swap3A_577], %swap3A_580 {strides = array<i32>} : memref<3200xf32, #tpu.memory_space<vmem>>, vector<16xf32>,
    %broadcast_in_dim3A_581 = arith.constant 0.000000e+00 : f32
    %broadcast_in_dim3A_582 = vector.broadcast %broadcast_in_dim3A_581 : f32 to vector<16xf32>
    %swap3A_583 = arith.constant 1456 : index
    %swap3A_584 = tpu.vector_load %arg9[%swap3A_583] {strides = array<i32>} : memref<3200xf32, #tpu.memory_space<vmem>>, vector<16xf32>,
    %swap3A_585 = vector.shape_cast %swap3A_584 : vector<16xf32> to vector<16xf32>
    %swap3A_586 = vector.shape_cast %broadcast_in_dim3A_582 : vector<16xf32> to vector<16xf32>
    tpu.vector_store %arg9[%swap3A_583], %swap3A_586 {strides = array<i32>} : memref<3200xf32, #tpu.memory_space<vmem>>, vector<16xf32>,
    %broadcast_in_dim3A_587 = arith.constant 0.000000e+00 : f32
    %broadcast_in_dim3A_588 = vector.broadcast %broadcast_in_dim3A_587 : f32 to vector<16xf32>
    %swap3A_589 = arith.constant 1472 : index
    %swap3A_590 = tpu.vector_load %arg9[%swap3A_589] {strides = array<i32>} : memref<3200xf32, #tpu.memory_space<vmem>>, vector<16xf32>,
    %swap3A_591 = vector.shape_cast %swap3A_590 : vector<16xf32> to vector<16xf32>
    %swap3A_592 = vector.shape_cast %broadcast_in_dim3A_588 : vector<16xf32> to vector<16xf32>
    tpu.vector_store %arg9[%swap3A_589], %swap3A_592 {strides = array<i32>} : memref<3200xf32, #tpu.memory_space<vmem>>, vector<16xf32>,
    %broadcast_in_dim3A_593 = arith.constant 0.000000e+00 : f32
    %broadcast_in_dim3A_594 = vector.broadcast %broadcast_in_dim3A_593 : f32 to vector<16xf32>
    %swap3A_595 = arith.constant 1488 : index
    %swap3A_596 = tpu.vector_load %arg9[%swap3A_595] {strides = array<i32>} : memref<3200xf32, #tpu.memory_space<vmem>>, vector<16xf32>,
    %swap3A_597 = vector.shape_cast %swap3A_596 : vector<16xf32> to vector<16xf32>
    %swap3A_598 = vector.shape_cast %broadcast_in_dim3A_594 : vector<16xf32> to vector<16xf32>
    tpu.vector_store %arg9[%swap3A_595], %swap3A_598 {strides = array<i32>} : memref<3200xf32, #tpu.memory_space<vmem>>, vector<16xf32>,
    %broadcast_in_dim3A_599 = arith.constant 0.000000e+00 : f32
    %broadcast_in_dim3A_600 = vector.broadcast %broadcast_in_dim3A_599 : f32 to vector<16xf32>
    %swap3A_601 = arith.constant 1504 : index
    %swap3A_602 = tpu.vector_load %arg9[%swap3A_601] {strides = array<i32>} : memref<3200xf32, #tpu.memory_space<vmem>>, vector<16xf32>,
    %swap3A_603 = vector.shape_cast %swap3A_602 : vector<16xf32> to vector<16xf32>
    %swap3A_604 = vector.shape_cast %broadcast_in_dim3A_600 : vector<16xf32> to vector<16xf32>
    tpu.vector_store %arg9[%swap3A_601], %swap3A_604 {strides = array<i32>} : memref<3200xf32, #tpu.memory_space<vmem>>, vector<16xf32>,
    %broadcast_in_dim3A_605 = arith.constant 0.000000e+00 : f32
    %broadcast_in_dim3A_606 = vector.broadcast %broadcast_in_dim3A_605 : f32 to vector<16xf32>
    %swap3A_607 = arith.constant 1520 : index
    %swap3A_608 = tpu.vector_load %arg9[%swap3A_607] {strides = array<i32>} : memref<3200xf32, #tpu.memory_space<vmem>>, vector<16xf32>,
    %swap3A_609 = vector.shape_cast %swap3A_608 : vector<16xf32> to vector<16xf32>
    %swap3A_610 = vector.shape_cast %broadcast_in_dim3A_606 : vector<16xf32> to vector<16xf32>
    tpu.vector_store %arg9[%swap3A_607], %swap3A_610 {strides = array<i32>} : memref<3200xf32, #tpu.memory_space<vmem>>, vector<16xf32>,
    %broadcast_in_dim3A_611 = arith.constant 0.000000e+00 : f32
    %broadcast_in_dim3A_612 = vector.broadcast %broadcast_in_dim3A_611 : f32 to vector<16xf32>
    %swap3A_613 = arith.constant 1536 : index
    %swap3A_614 = tpu.vector_load %arg9[%swap3A_613] {strides = array<i32>} : memref<3200xf32, #tpu.memory_space<vmem>>, vector<16xf32>,
    %swap3A_615 = vector.shape_cast %swap3A_614 : vector<16xf32> to vector<16xf32>
    %swap3A_616 = vector.shape_cast %broadcast_in_dim3A_612 : vector<16xf32> to vector<16xf32>
    tpu.vector_store %arg9[%swap3A_613], %swap3A_616 {strides = array<i32>} : memref<3200xf32, #tpu.memory_space<vmem>>, vector<16xf32>,
    %broadcast_in_dim3A_617 = arith.constant 0.000000e+00 : f32
    %broadcast_in_dim3A_618 = vector.broadcast %broadcast_in_dim3A_617 : f32 to vector<16xf32>
    %swap3A_619 = arith.constant 1552 : index
    %swap3A_620 = tpu.vector_load %arg9[%swap3A_619] {strides = array<i32>} : memref<3200xf32, #tpu.memory_space<vmem>>, vector<16xf32>,
    %swap3A_621 = vector.shape_cast %swap3A_620 : vector<16xf32> to vector<16xf32>
    %swap3A_622 = vector.shape_cast %broadcast_in_dim3A_618 : vector<16xf32> to vector<16xf32>
    tpu.vector_store %arg9[%swap3A_619], %swap3A_622 {strides = array<i32>} : memref<3200xf32, #tpu.memory_space<vmem>>, vector<16xf32>,
    %broadcast_in_dim3A_623 = arith.constant 0.000000e+00 : f32
    %broadcast_in_dim3A_624 = vector.broadcast %broadcast_in_dim3A_623 : f32 to vector<16xf32>
    %swap3A_625 = arith.constant 1568 : index
    %swap3A_626 = tpu.vector_load %arg9[%swap3A_625] {strides = array<i32>} : memref<3200xf32, #tpu.memory_space<vmem>>, vector<16xf32>,
    %swap3A_627 = vector.shape_cast %swap3A_626 : vector<16xf32> to vector<16xf32>
    %swap3A_628 = vector.shape_cast %broadcast_in_dim3A_624 : vector<16xf32> to vector<16xf32>
    tpu.vector_store %arg9[%swap3A_625], %swap3A_628 {strides = array<i32>} : memref<3200xf32, #tpu.memory_space<vmem>>, vector<16xf32>,
    %broadcast_in_dim3A_629 = arith.constant 0.000000e+00 : f32
    %broadcast_in_dim3A_630 = vector.broadcast %broadcast_in_dim3A_629 : f32 to vector<16xf32>
    %swap3A_631 = arith.constant 1584 : index
    %swap3A_632 = tpu.vector_load %arg9[%swap3A_631] {strides = array<i32>} : memref<3200xf32, #tpu.memory_space<vmem>>, vector<16xf32>,
    %swap3A_633 = vector.shape_cast %swap3A_632 : vector<16xf32> to vector<16xf32>
    %swap3A_634 = vector.shape_cast %broadcast_in_dim3A_630 : vector<16xf32> to vector<16xf32>
    tpu.vector_store %arg9[%swap3A_631], %swap3A_634 {strides = array<i32>} : memref<3200xf32, #tpu.memory_space<vmem>>, vector<16xf32>,
    %iota3A = tpu.iota {dimensions = array<i32: 0>} : vector<16xi32>
    %scan3A = arith.constant 0 : i32
    %scan3A_635 = arith.constant 8.000000e+01 : f32
    %scan3A_636 = arith.constant 0 : i32
    %scan3A_637 = arith.constant 64 : i32
    %scan3A_638 = arith.addi %scan3A_636, %scan3A_637 : i32
    %scan3A_639 = arith.constant 1 : i32
    scf.for %scan3A_649 = %scan3A_636 to %scan3A_638 step %scan3A_639  : i32 {
      %get3A = arith.index_cast %scan3A_649 : i32 to index
      %get3A_650 = tpu.vector_load %arg6[%get3A] {strides = array<i32>} : memref<80xi32, #tpu.memory_space<vmem>>, vector<16xi32>,
      %get3A_651 = vector.shape_cast %get3A_650 : vector<16xi32> to vector<16xi32>
      %slice3A = vector.extract_strided_slice %get3A_651 {offsets = [0], sizes = [1], strides = [1]} : vector<16xi32> to vector<1xi32>
      %squeeze3A = vector.extract %slice3A[0] : i32 from vector<1xi32>
      %eq3A_652 = arith.cmpi eq, %squeeze3A, %select_n3A : i32
      %convert_element_type3A_653 = arith.extui %eq3A_652 : i1 to i32
      %cond3A_654 = arith.constant 0 : i32
      %cond3A_655 = arith.cmpi ne, %convert_element_type3A_653, %cond3A_654 : i32
      scf.if %cond3A_655 {
        %mul3A_656 = arith.constant 4 : i32
        %mul3A_657 = arith.muli %mul3A_656, %scan3A_649 : i32
        %get3A_658 = arith.index_cast %mul3A_657 : i32 to index
        %get3A_659 = tpu.vector_load %arg7[%get3A_658] {strides = array<i32>} : memref<272xf32, #tpu.memory_space<vmem>>, vector<16xf32>,
        %get3A_660 = vector.shape_cast %get3A_659 : vector<16xf32> to vector<16xf32>
        %slice3A_661 = vector.extract_strided_slice %get3A_660 {offsets = [0], sizes = [1], strides = [1]} : vector<16xf32> to vector<1xf32>
        %squeeze3A_662 = vector.extract %slice3A_661[0] : f32 from vector<1xf32>
        %mul3A_663 = arith.mulf %squeeze3A_662, %scan3A_635 : f32
        %convert_element_type3A_664 = arith.fptosi %mul3A_663 : f32 to i32
        %mul3A_665 = arith.constant 4 : i32
        %mul3A_666 = arith.muli %mul3A_665, %scan3A_649 : i32
        %add3A_667 = arith.constant 1 : i32
        %add3A_668 = arith.addi %mul3A_666, %add3A_667 : i32
        %get3A_669 = arith.index_cast %add3A_668 : i32 to index
        %get3A_670 = tpu.vector_load %arg7[%get3A_669] {strides = array<i32>} : memref<272xf32, #tpu.memory_space<vmem>>, vector<16xf32>,
        %get3A_671 = vector.shape_cast %get3A_670 : vector<16xf32> to vector<16xf32>
        %slice3A_672 = vector.extract_strided_slice %get3A_671 {offsets = [0], sizes = [1], strides = [1]} : vector<16xf32> to vector<1xf32>
        %squeeze3A_673 = vector.extract %slice3A_672[0] : f32 from vector<1xf32>
        %mul3A_674 = arith.mulf %squeeze3A_673, %scan3A_635 : f32
        %convert_element_type3A_675 = arith.fptosi %mul3A_674 : f32 to i32
        %mul3A_676 = arith.constant 4 : i32
        %mul3A_677 = arith.muli %mul3A_676, %scan3A_649 : i32
        %add3A_678 = arith.constant 2 : i32
        %add3A_679 = arith.addi %mul3A_677, %add3A_678 : i32
        %get3A_680 = arith.index_cast %add3A_679 : i32 to index
        %get3A_681 = tpu.vector_load %arg7[%get3A_680] {strides = array<i32>} : memref<272xf32, #tpu.memory_space<vmem>>, vector<16xf32>,
        %get3A_682 = vector.shape_cast %get3A_681 : vector<16xf32> to vector<16xf32>
        %slice3A_683 = vector.extract_strided_slice %get3A_682 {offsets = [0], sizes = [1], strides = [1]} : vector<16xf32> to vector<1xf32>
        %squeeze3A_684 = vector.extract %slice3A_683[0] : f32 from vector<1xf32>
        %mul3A_685 = arith.mulf %squeeze3A_684, %scan3A_635 : f32
        %convert_element_type3A_686 = arith.fptosi %mul3A_685 : f32 to i32
        %mul3A_687 = arith.constant 4 : i32
        %mul3A_688 = arith.muli %mul3A_687, %scan3A_649 : i32
        %add3A_689 = arith.constant 3 : i32
        %add3A_690 = arith.addi %mul3A_688, %add3A_689 : i32
        %get3A_691 = arith.index_cast %add3A_690 : i32 to index
        %get3A_692 = tpu.vector_load %arg7[%get3A_691] {strides = array<i32>} : memref<272xf32, #tpu.memory_space<vmem>>, vector<16xf32>,
        %get3A_693 = vector.shape_cast %get3A_692 : vector<16xf32> to vector<16xf32>
        %slice3A_694 = vector.extract_strided_slice %get3A_693 {offsets = [0], sizes = [1], strides = [1]} : vector<16xf32> to vector<1xf32>
        %squeeze3A_695 = vector.extract %slice3A_694[0] : f32 from vector<1xf32>
        %mul3A_696 = arith.mulf %squeeze3A_695, %scan3A_635 : f32
        %convert_element_type3A_697 = arith.fptosi %mul3A_696 : f32 to i32
        %jit3A_698 = arith.constant 2 : i32
        %div3A_699 = arith.divsi %convert_element_type3A_686, %jit3A_698 : i32
        %sign3A_700 = arith.constant 0 : i32
        %sign3A_701 = arith.cmpi sgt, %convert_element_type3A_686, %sign3A_700 : i32
        %sign3A_702 = arith.extui %sign3A_701 : i1 to i32
        %sign3A_703 = arith.constant 0 : i32
        %sign3A_704 = arith.cmpi slt, %convert_element_type3A_686, %sign3A_703 : i32
        %sign3A_705 = arith.extui %sign3A_704 : i1 to i32
        %sign3A_706 = arith.subi %sign3A_702, %sign3A_705 : i32
        %sign3A_707 = arith.constant 0 : i32
        %sign3A_708 = arith.cmpi sgt, %jit3A_698, %sign3A_707 : i32
        %sign3A_709 = arith.extui %sign3A_708 : i1 to i32
        %sign3A_710 = arith.constant 0 : i32
        %sign3A_711 = arith.cmpi slt, %jit3A_698, %sign3A_710 : i32
        %sign3A_712 = arith.extui %sign3A_711 : i1 to i32
        %sign3A_713 = arith.subi %sign3A_709, %sign3A_712 : i32
        %ne3A_714 = arith.cmpi ne, %sign3A_706, %sign3A_713 : i32
        %rem3A_715 = arith.remsi %convert_element_type3A_686, %jit3A_698 : i32
        %ne3A_716 = arith.constant 0 : i32
        %ne3A_717 = arith.cmpi ne, %rem3A_715, %ne3A_716 : i32
        %and3A_718 = arith.andi %ne3A_714, %ne3A_717 : i1
        %sub3A_719 = arith.constant 1 : i32
        %sub3A_720 = arith.subi %div3A_699, %sub3A_719 : i32
        %select_n3A_721 = arith.select %and3A_718, %sub3A_720, %div3A_699 : i32
        %sub3A_722 = arith.subi %convert_element_type3A_664, %select_n3A_721 : i32
        %max3A = arith.constant 0 : i32
        %max3A_723 = arith.maxsi %sub3A_722, %max3A : i32
        %jit3A_724 = arith.constant 2 : i32
        %div3A_725 = arith.divsi %convert_element_type3A_697, %jit3A_724 : i32
        %sign3A_726 = arith.constant 0 : i32
        %sign3A_727 = arith.cmpi sgt, %convert_element_type3A_697, %sign3A_726 : i32
        %sign3A_728 = arith.extui %sign3A_727 : i1 to i32
        %sign3A_729 = arith.constant 0 : i32
        %sign3A_730 = arith.cmpi slt, %convert_element_type3A_697, %sign3A_729 : i32
        %sign3A_731 = arith.extui %sign3A_730 : i1 to i32
        %sign3A_732 = arith.subi %sign3A_728, %sign3A_731 : i32
        %sign3A_733 = arith.constant 0 : i32
        %sign3A_734 = arith.cmpi sgt, %jit3A_724, %sign3A_733 : i32
        %sign3A_735 = arith.extui %sign3A_734 : i1 to i32
        %sign3A_736 = arith.constant 0 : i32
        %sign3A_737 = arith.cmpi slt, %jit3A_724, %sign3A_736 : i32
        %sign3A_738 = arith.extui %sign3A_737 : i1 to i32
        %sign3A_739 = arith.subi %sign3A_735, %sign3A_738 : i32
        %ne3A_740 = arith.cmpi ne, %sign3A_732, %sign3A_739 : i32
        %rem3A_741 = arith.remsi %convert_element_type3A_697, %jit3A_724 : i32
        %ne3A_742 = arith.constant 0 : i32
        %ne3A_743 = arith.cmpi ne, %rem3A_741, %ne3A_742 : i32
        %and3A_744 = arith.andi %ne3A_740, %ne3A_743 : i1
        %sub3A_745 = arith.constant 1 : i32
        %sub3A_746 = arith.subi %div3A_725, %sub3A_745 : i32
        %select_n3A_747 = arith.select %and3A_744, %sub3A_746, %div3A_725 : i32
        %sub3A_748 = arith.subi %convert_element_type3A_675, %select_n3A_747 : i32
        %max3A_749 = arith.constant 0 : i32
        %max3A_750 = arith.maxsi %sub3A_748, %max3A_749 : i32
        %jit3A_751 = arith.constant 2 : i32
        %div3A_752 = arith.divsi %convert_element_type3A_686, %jit3A_751 : i32
        %sign3A_753 = arith.constant 0 : i32
        %sign3A_754 = arith.cmpi sgt, %convert_element_type3A_686, %sign3A_753 : i32
        %sign3A_755 = arith.extui %sign3A_754 : i1 to i32
        %sign3A_756 = arith.constant 0 : i32
        %sign3A_757 = arith.cmpi slt, %convert_element_type3A_686, %sign3A_756 : i32
        %sign3A_758 = arith.extui %sign3A_757 : i1 to i32
        %sign3A_759 = arith.subi %sign3A_755, %sign3A_758 : i32
        %sign3A_760 = arith.constant 0 : i32
        %sign3A_761 = arith.cmpi sgt, %jit3A_751, %sign3A_760 : i32
        %sign3A_762 = arith.extui %sign3A_761 : i1 to i32
        %sign3A_763 = arith.constant 0 : i32
        %sign3A_764 = arith.cmpi slt, %jit3A_751, %sign3A_763 : i32
        %sign3A_765 = arith.extui %sign3A_764 : i1 to i32
        %sign3A_766 = arith.subi %sign3A_762, %sign3A_765 : i32
        %ne3A_767 = arith.cmpi ne, %sign3A_759, %sign3A_766 : i32
        %rem3A_768 = arith.remsi %convert_element_type3A_686, %jit3A_751 : i32
        %ne3A_769 = arith.constant 0 : i32
        %ne3A_770 = arith.cmpi ne, %rem3A_768, %ne3A_769 : i32
        %and3A_771 = arith.andi %ne3A_767, %ne3A_770 : i1
        %sub3A_772 = arith.constant 1 : i32
        %sub3A_773 = arith.subi %div3A_752, %sub3A_772 : i32
        %select_n3A_774 = arith.select %and3A_771, %sub3A_773, %div3A_752 : i32
        %add3A_775 = arith.addi %convert_element_type3A_664, %select_n3A_774 : i32
        %min3A = arith.constant 79 : i32
        %min3A_776 = arith.minsi %add3A_775, %min3A : i32
        %jit3A_777 = arith.constant 2 : i32
        %div3A_778 = arith.divsi %convert_element_type3A_697, %jit3A_777 : i32
        %sign3A_779 = arith.constant 0 : i32
        %sign3A_780 = arith.cmpi sgt, %convert_element_type3A_697, %sign3A_779 : i32
        %sign3A_781 = arith.extui %sign3A_780 : i1 to i32
        %sign3A_782 = arith.constant 0 : i32
        %sign3A_783 = arith.cmpi slt, %convert_element_type3A_697, %sign3A_782 : i32
        %sign3A_784 = arith.extui %sign3A_783 : i1 to i32
        %sign3A_785 = arith.subi %sign3A_781, %sign3A_784 : i32
        %sign3A_786 = arith.constant 0 : i32
        %sign3A_787 = arith.cmpi sgt, %jit3A_777, %sign3A_786 : i32
        %sign3A_788 = arith.extui %sign3A_787 : i1 to i32
        %sign3A_789 = arith.constant 0 : i32
        %sign3A_790 = arith.cmpi slt, %jit3A_777, %sign3A_789 : i32
        %sign3A_791 = arith.extui %sign3A_790 : i1 to i32
        %sign3A_792 = arith.subi %sign3A_788, %sign3A_791 : i32
        %ne3A_793 = arith.cmpi ne, %sign3A_785, %sign3A_792 : i32
        %rem3A_794 = arith.remsi %convert_element_type3A_697, %jit3A_777 : i32
        %ne3A_795 = arith.constant 0 : i32
        %ne3A_796 = arith.cmpi ne, %rem3A_794, %ne3A_795 : i32
        %and3A_797 = arith.andi %ne3A_793, %ne3A_796 : i1
        %sub3A_798 = arith.constant 1 : i32
        %sub3A_799 = arith.subi %div3A_778, %sub3A_798 : i32
        %select_n3A_800 = arith.select %and3A_797, %sub3A_799, %div3A_778 : i32
        %add3A_801 = arith.addi %convert_element_type3A_675, %select_n3A_800 : i32
        %min3A_802 = arith.constant 79 : i32
        %min3A_803 = arith.minsi %add3A_801, %min3A_802 : i32
        %sub3A_804 = arith.subi %min3A_776, %max3A_723 : i32
        %add3A_805 = arith.constant 1 : i32
        %add3A_806 = arith.addi %sub3A_804, %add3A_805 : i32
        %convert_element_type3A_807 = arith.sitofp %add3A_806 : i32 to f32
        %sub3A_808 = arith.subi %min3A_803, %max3A_750 : i32
        %add3A_809 = arith.constant 1 : i32
        %add3A_810 = arith.addi %sub3A_808, %add3A_809 : i32
        %convert_element_type3A_811 = arith.sitofp %add3A_810 : i32 to f32
        %convert_element_type3A_812 = arith.sitofp %convert_element_type3A_664 : i32 to f32
        %convert_element_type3A_813 = arith.sitofp %convert_element_type3A_675 : i32 to f32
        %broadcast_in_dim3A_814 = vector.broadcast %convert_element_type3A_807 : f32 to vector<16xf32>
        %mul3A_815 = vector.broadcast %convert_element_type3A_807 : f32 to vector<16xf32>
        %mul3A_816 = arith.mulf %broadcast_in_dim3A_814, %mul3A_815 : vector<16xf32>
        %broadcast_in_dim3A_817 = vector.broadcast %convert_element_type3A_811 : f32 to vector<16xf32>
        %mul3A_818 = vector.broadcast %convert_element_type3A_811 : f32 to vector<16xf32>
        %mul3A_819 = arith.mulf %broadcast_in_dim3A_817, %mul3A_818 : vector<16xf32>
        %add3A_820 = arith.constant 0 : i32
        %add3A_821 = vector.broadcast %add3A_820 : i32 to vector<16xi32>
        %add3A_822 = arith.addi %iota3A, %add3A_821 : vector<16xi32>
        %convert_element_type3A_823 = arith.sitofp %add3A_822 : vector<16xi32> to vector<16xf32>
        %sub3A_824 = vector.broadcast %convert_element_type3A_812 : f32 to vector<16xf32>
        %sub3A_825 = arith.subf %convert_element_type3A_823, %sub3A_824 : vector<16xf32>
        %mul3A_826 = arith.mulf %sub3A_825, %sub3A_825 : vector<16xf32>
        %neg3A = arith.constant 0.000000e+00 : f32
        %neg3A_827 = vector.broadcast %neg3A : f32 to vector<16xf32>
        %neg3A_828 = arith.subf %neg3A_827, %mul3A_826 : vector<16xf32>
        %div3A_829 = arith.divf %neg3A_828, %mul3A_816 : vector<16xf32>
        %max3A_830 = arith.constant -1.000000e+00 : f32
        %max3A_831 = vector.broadcast %max3A_830 : f32 to vector<16xf32>
        %max3A_832 = arith.maximumf %div3A_829, %max3A_831 : vector<16xf32>
        %mul3A_833 = arith.constant 2.500000e-01 : f32
        %mul3A_834 = vector.broadcast %mul3A_833 : f32 to vector<16xf32>
        %mul3A_835 = arith.mulf %max3A_832, %mul3A_834 : vector<16xf32>
        %mul3A_836 = arith.constant 0.166666672 : f32
        %mul3A_837 = vector.broadcast %mul3A_836 : f32 to vector<16xf32>
        %mul3A_838 = arith.mulf %mul3A_835, %mul3A_837 : vector<16xf32>
        %add3A_839 = arith.constant 1.000000e+00 : f32
        %add3A_840 = vector.broadcast %add3A_839 : f32 to vector<16xf32>
        %add3A_841 = arith.addf %add3A_840, %mul3A_838 : vector<16xf32>
        %mul3A_842 = arith.constant 2.000000e-01 : f32
        %mul3A_843 = vector.broadcast %mul3A_842 : f32 to vector<16xf32>
        %mul3A_844 = arith.mulf %mul3A_835, %mul3A_843 : vector<16xf32>
        %mul3A_845 = arith.mulf %mul3A_844, %add3A_841 : vector<16xf32>
        %add3A_846 = arith.constant 1.000000e+00 : f32
        %add3A_847 = vector.broadcast %add3A_846 : f32 to vector<16xf32>
        %add3A_848 = arith.addf %add3A_847, %mul3A_845 : vector<16xf32>
        %mul3A_849 = arith.constant 2.500000e-01 : f32
        %mul3A_850 = vector.broadcast %mul3A_849 : f32 to vector<16xf32>
        %mul3A_851 = arith.mulf %mul3A_835, %mul3A_850 : vector<16xf32>
        %mul3A_852 = arith.mulf %mul3A_851, %add3A_848 : vector<16xf32>
        %add3A_853 = arith.constant 1.000000e+00 : f32
        %add3A_854 = vector.broadcast %add3A_853 : f32 to vector<16xf32>
        %add3A_855 = arith.addf %add3A_854, %mul3A_852 : vector<16xf32>
        %mul3A_856 = arith.constant 0.333333343 : f32
        %mul3A_857 = vector.broadcast %mul3A_856 : f32 to vector<16xf32>
        %mul3A_858 = arith.mulf %mul3A_835, %mul3A_857 : vector<16xf32>
        %mul3A_859 = arith.mulf %mul3A_858, %add3A_855 : vector<16xf32>
        %add3A_860 = arith.constant 1.000000e+00 : f32
        %add3A_861 = vector.broadcast %add3A_860 : f32 to vector<16xf32>
        %add3A_862 = arith.addf %add3A_861, %mul3A_859 : vector<16xf32>
        %mul3A_863 = arith.constant 5.000000e-01 : f32
        %mul3A_864 = vector.broadcast %mul3A_863 : f32 to vector<16xf32>
        %mul3A_865 = arith.mulf %mul3A_835, %mul3A_864 : vector<16xf32>
        %mul3A_866 = arith.mulf %mul3A_865, %add3A_862 : vector<16xf32>
        %add3A_867 = arith.constant 1.000000e+00 : f32
        %add3A_868 = vector.broadcast %add3A_867 : f32 to vector<16xf32>
        %add3A_869 = arith.addf %add3A_868, %mul3A_866 : vector<16xf32>
        %mul3A_870 = arith.mulf %mul3A_835, %add3A_869 : vector<16xf32>
        %add3A_871 = arith.constant 1.000000e+00 : f32
        %add3A_872 = vector.broadcast %add3A_871 : f32 to vector<16xf32>
        %add3A_873 = arith.addf %add3A_872, %mul3A_870 : vector<16xf32>
        %mul3A_874 = arith.mulf %add3A_873, %add3A_873 : vector<16xf32>
        %mul3A_875 = arith.mulf %mul3A_874, %mul3A_874 : vector<16xf32>
        %ge3A = vector.broadcast %max3A_723 : i32 to vector<16xi32>
        %ge3A_876 = arith.cmpi sge, %add3A_822, %ge3A : vector<16xi32>
        %le3A = vector.broadcast %min3A_776 : i32 to vector<16xi32>
        %le3A_877 = arith.cmpi sle, %add3A_822, %le3A : vector<16xi32>
        %and3A_878 = arith.andi %ge3A_876, %le3A_877 : vector<16xi1>
        %jit3A_879 = arith.constant 0.000000e+00 : f32
        %broadcast_in_dim3A_880 = vector.broadcast %jit3A_879 : f32 to vector<16xf32>
        %select_n3A_881 = arith.select %and3A_878, %mul3A_875, %broadcast_in_dim3A_880 : vector<16xi1>, vector<16xf32>
        %swap3A_882 = arith.constant 0 : index
        %swap3A_883 = tpu.vector_load %arg8[%swap3A_882] {strides = array<i32>} : memref<80xf32, #tpu.memory_space<vmem>>, vector<16xf32>,
        %swap3A_884 = vector.shape_cast %swap3A_883 : vector<16xf32> to vector<16xf32>
        %swap3A_885 = vector.shape_cast %select_n3A_881 : vector<16xf32> to vector<16xf32>
        tpu.vector_store %arg8[%swap3A_882], %swap3A_885 {strides = array<i32>} : memref<80xf32, #tpu.memory_space<vmem>>, vector<16xf32>,
        %add3A_886 = arith.constant 16 : i32
        %add3A_887 = vector.broadcast %add3A_886 : i32 to vector<16xi32>
        %add3A_888 = arith.addi %iota3A, %add3A_887 : vector<16xi32>
        %convert_element_type3A_889 = arith.sitofp %add3A_888 : vector<16xi32> to vector<16xf32>
        %sub3A_890 = vector.broadcast %convert_element_type3A_812 : f32 to vector<16xf32>
        %sub3A_891 = arith.subf %convert_element_type3A_889, %sub3A_890 : vector<16xf32>
        %mul3A_892 = arith.mulf %sub3A_891, %sub3A_891 : vector<16xf32>
        %neg3A_893 = arith.constant 0.000000e+00 : f32
        %neg3A_894 = vector.broadcast %neg3A_893 : f32 to vector<16xf32>
        %neg3A_895 = arith.subf %neg3A_894, %mul3A_892 : vector<16xf32>
        %div3A_896 = arith.divf %neg3A_895, %mul3A_816 : vector<16xf32>
        %max3A_897 = arith.constant -1.000000e+00 : f32
        %max3A_898 = vector.broadcast %max3A_897 : f32 to vector<16xf32>
        %max3A_899 = arith.maximumf %div3A_896, %max3A_898 : vector<16xf32>
        %mul3A_900 = arith.constant 2.500000e-01 : f32
        %mul3A_901 = vector.broadcast %mul3A_900 : f32 to vector<16xf32>
        %mul3A_902 = arith.mulf %max3A_899, %mul3A_901 : vector<16xf32>
        %mul3A_903 = arith.constant 0.166666672 : f32
        %mul3A_904 = vector.broadcast %mul3A_903 : f32 to vector<16xf32>
        %mul3A_905 = arith.mulf %mul3A_902, %mul3A_904 : vector<16xf32>
        %add3A_906 = arith.constant 1.000000e+00 : f32
        %add3A_907 = vector.broadcast %add3A_906 : f32 to vector<16xf32>
        %add3A_908 = arith.addf %add3A_907, %mul3A_905 : vector<16xf32>
        %mul3A_909 = arith.constant 2.000000e-01 : f32
        %mul3A_910 = vector.broadcast %mul3A_909 : f32 to vector<16xf32>
        %mul3A_911 = arith.mulf %mul3A_902, %mul3A_910 : vector<16xf32>
        %mul3A_912 = arith.mulf %mul3A_911, %add3A_908 : vector<16xf32>
        %add3A_913 = arith.constant 1.000000e+00 : f32
        %add3A_914 = vector.broadcast %add3A_913 : f32 to vector<16xf32>
        %add3A_915 = arith.addf %add3A_914, %mul3A_912 : vector<16xf32>
        %mul3A_916 = arith.constant 2.500000e-01 : f32
        %mul3A_917 = vector.broadcast %mul3A_916 : f32 to vector<16xf32>
        %mul3A_918 = arith.mulf %mul3A_902, %mul3A_917 : vector<16xf32>
        %mul3A_919 = arith.mulf %mul3A_918, %add3A_915 : vector<16xf32>
        %add3A_920 = arith.constant 1.000000e+00 : f32
        %add3A_921 = vector.broadcast %add3A_920 : f32 to vector<16xf32>
        %add3A_922 = arith.addf %add3A_921, %mul3A_919 : vector<16xf32>
        %mul3A_923 = arith.constant 0.333333343 : f32
        %mul3A_924 = vector.broadcast %mul3A_923 : f32 to vector<16xf32>
        %mul3A_925 = arith.mulf %mul3A_902, %mul3A_924 : vector<16xf32>
        %mul3A_926 = arith.mulf %mul3A_925, %add3A_922 : vector<16xf32>
        %add3A_927 = arith.constant 1.000000e+00 : f32
        %add3A_928 = vector.broadcast %add3A_927 : f32 to vector<16xf32>
        %add3A_929 = arith.addf %add3A_928, %mul3A_926 : vector<16xf32>
        %mul3A_930 = arith.constant 5.000000e-01 : f32
        %mul3A_931 = vector.broadcast %mul3A_930 : f32 to vector<16xf32>
        %mul3A_932 = arith.mulf %mul3A_902, %mul3A_931 : vector<16xf32>
        %mul3A_933 = arith.mulf %mul3A_932, %add3A_929 : vector<16xf32>
        %add3A_934 = arith.constant 1.000000e+00 : f32
        %add3A_935 = vector.broadcast %add3A_934 : f32 to vector<16xf32>
        %add3A_936 = arith.addf %add3A_935, %mul3A_933 : vector<16xf32>
        %mul3A_937 = arith.mulf %mul3A_902, %add3A_936 : vector<16xf32>
        %add3A_938 = arith.constant 1.000000e+00 : f32
        %add3A_939 = vector.broadcast %add3A_938 : f32 to vector<16xf32>
        %add3A_940 = arith.addf %add3A_939, %mul3A_937 : vector<16xf32>
        %mul3A_941 = arith.mulf %add3A_940, %add3A_940 : vector<16xf32>
        %mul3A_942 = arith.mulf %mul3A_941, %mul3A_941 : vector<16xf32>
        %ge3A_943 = vector.broadcast %max3A_723 : i32 to vector<16xi32>
        %ge3A_944 = arith.cmpi sge, %add3A_888, %ge3A_943 : vector<16xi32>
        %le3A_945 = vector.broadcast %min3A_776 : i32 to vector<16xi32>
        %le3A_946 = arith.cmpi sle, %add3A_888, %le3A_945 : vector<16xi32>
        %and3A_947 = arith.andi %ge3A_944, %le3A_946 : vector<16xi1>
        %jit3A_948 = arith.constant 0.000000e+00 : f32
        %broadcast_in_dim3A_949 = vector.broadcast %jit3A_948 : f32 to vector<16xf32>
        %select_n3A_950 = arith.select %and3A_947, %mul3A_942, %broadcast_in_dim3A_949 : vector<16xi1>, vector<16xf32>
        %swap3A_951 = arith.constant 16 : index
        %swap3A_952 = tpu.vector_load %arg8[%swap3A_951] {strides = array<i32>} : memref<80xf32, #tpu.memory_space<vmem>>, vector<16xf32>,
        %swap3A_953 = vector.shape_cast %swap3A_952 : vector<16xf32> to vector<16xf32>
        %swap3A_954 = vector.shape_cast %select_n3A_950 : vector<16xf32> to vector<16xf32>
        tpu.vector_store %arg8[%swap3A_951], %swap3A_954 {strides = array<i32>} : memref<80xf32, #tpu.memory_space<vmem>>, vector<16xf32>,
        %add3A_955 = arith.constant 32 : i32
        %add3A_956 = vector.broadcast %add3A_955 : i32 to vector<16xi32>
        %add3A_957 = arith.addi %iota3A, %add3A_956 : vector<16xi32>
        %convert_element_type3A_958 = arith.sitofp %add3A_957 : vector<16xi32> to vector<16xf32>
        %sub3A_959 = vector.broadcast %convert_element_type3A_812 : f32 to vector<16xf32>
        %sub3A_960 = arith.subf %convert_element_type3A_958, %sub3A_959 : vector<16xf32>
        %mul3A_961 = arith.mulf %sub3A_960, %sub3A_960 : vector<16xf32>
        %neg3A_962 = arith.constant 0.000000e+00 : f32
        %neg3A_963 = vector.broadcast %neg3A_962 : f32 to vector<16xf32>
        %neg3A_964 = arith.subf %neg3A_963, %mul3A_961 : vector<16xf32>
        %div3A_965 = arith.divf %neg3A_964, %mul3A_816 : vector<16xf32>
        %max3A_966 = arith.constant -1.000000e+00 : f32
        %max3A_967 = vector.broadcast %max3A_966 : f32 to vector<16xf32>
        %max3A_968 = arith.maximumf %div3A_965, %max3A_967 : vector<16xf32>
        %mul3A_969 = arith.constant 2.500000e-01 : f32
        %mul3A_970 = vector.broadcast %mul3A_969 : f32 to vector<16xf32>
        %mul3A_971 = arith.mulf %max3A_968, %mul3A_970 : vector<16xf32>
        %mul3A_972 = arith.constant 0.166666672 : f32
        %mul3A_973 = vector.broadcast %mul3A_972 : f32 to vector<16xf32>
        %mul3A_974 = arith.mulf %mul3A_971, %mul3A_973 : vector<16xf32>
        %add3A_975 = arith.constant 1.000000e+00 : f32
        %add3A_976 = vector.broadcast %add3A_975 : f32 to vector<16xf32>
        %add3A_977 = arith.addf %add3A_976, %mul3A_974 : vector<16xf32>
        %mul3A_978 = arith.constant 2.000000e-01 : f32
        %mul3A_979 = vector.broadcast %mul3A_978 : f32 to vector<16xf32>
        %mul3A_980 = arith.mulf %mul3A_971, %mul3A_979 : vector<16xf32>
        %mul3A_981 = arith.mulf %mul3A_980, %add3A_977 : vector<16xf32>
        %add3A_982 = arith.constant 1.000000e+00 : f32
        %add3A_983 = vector.broadcast %add3A_982 : f32 to vector<16xf32>
        %add3A_984 = arith.addf %add3A_983, %mul3A_981 : vector<16xf32>
        %mul3A_985 = arith.constant 2.500000e-01 : f32
        %mul3A_986 = vector.broadcast %mul3A_985 : f32 to vector<16xf32>
        %mul3A_987 = arith.mulf %mul3A_971, %mul3A_986 : vector<16xf32>
        %mul3A_988 = arith.mulf %mul3A_987, %add3A_984 : vector<16xf32>
        %add3A_989 = arith.constant 1.000000e+00 : f32
        %add3A_990 = vector.broadcast %add3A_989 : f32 to vector<16xf32>
        %add3A_991 = arith.addf %add3A_990, %mul3A_988 : vector<16xf32>
        %mul3A_992 = arith.constant 0.333333343 : f32
        %mul3A_993 = vector.broadcast %mul3A_992 : f32 to vector<16xf32>
        %mul3A_994 = arith.mulf %mul3A_971, %mul3A_993 : vector<16xf32>
        %mul3A_995 = arith.mulf %mul3A_994, %add3A_991 : vector<16xf32>
        %add3A_996 = arith.constant 1.000000e+00 : f32
        %add3A_997 = vector.broadcast %add3A_996 : f32 to vector<16xf32>
        %add3A_998 = arith.addf %add3A_997, %mul3A_995 : vector<16xf32>
        %mul3A_999 = arith.constant 5.000000e-01 : f32
        %mul3A_1000 = vector.broadcast %mul3A_999 : f32 to vector<16xf32>
        %mul3A_1001 = arith.mulf %mul3A_971, %mul3A_1000 : vector<16xf32>
        %mul3A_1002 = arith.mulf %mul3A_1001, %add3A_998 : vector<16xf32>
        %add3A_1003 = arith.constant 1.000000e+00 : f32
        %add3A_1004 = vector.broadcast %add3A_1003 : f32 to vector<16xf32>
        %add3A_1005 = arith.addf %add3A_1004, %mul3A_1002 : vector<16xf32>
        %mul3A_1006 = arith.mulf %mul3A_971, %add3A_1005 : vector<16xf32>
        %add3A_1007 = arith.constant 1.000000e+00 : f32
        %add3A_1008 = vector.broadcast %add3A_1007 : f32 to vector<16xf32>
        %add3A_1009 = arith.addf %add3A_1008, %mul3A_1006 : vector<16xf32>
        %mul3A_1010 = arith.mulf %add3A_1009, %add3A_1009 : vector<16xf32>
        %mul3A_1011 = arith.mulf %mul3A_1010, %mul3A_1010 : vector<16xf32>
        %ge3A_1012 = vector.broadcast %max3A_723 : i32 to vector<16xi32>
        %ge3A_1013 = arith.cmpi sge, %add3A_957, %ge3A_1012 : vector<16xi32>
        %le3A_1014 = vector.broadcast %min3A_776 : i32 to vector<16xi32>
        %le3A_1015 = arith.cmpi sle, %add3A_957, %le3A_1014 : vector<16xi32>
        %and3A_1016 = arith.andi %ge3A_1013, %le3A_1015 : vector<16xi1>
        %jit3A_1017 = arith.constant 0.000000e+00 : f32
        %broadcast_in_dim3A_1018 = vector.broadcast %jit3A_1017 : f32 to vector<16xf32>
        %select_n3A_1019 = arith.select %and3A_1016, %mul3A_1011, %broadcast_in_dim3A_1018 : vector<16xi1>, vector<16xf32>
        %swap3A_1020 = arith.constant 32 : index
        %swap3A_1021 = tpu.vector_load %arg8[%swap3A_1020] {strides = array<i32>} : memref<80xf32, #tpu.memory_space<vmem>>, vector<16xf32>,
        %swap3A_1022 = vector.shape_cast %swap3A_1021 : vector<16xf32> to vector<16xf32>
        %swap3A_1023 = vector.shape_cast %select_n3A_1019 : vector<16xf32> to vector<16xf32>
        tpu.vector_store %arg8[%swap3A_1020], %swap3A_1023 {strides = array<i32>} : memref<80xf32, #tpu.memory_space<vmem>>, vector<16xf32>,
        %add3A_1024 = arith.constant 48 : i32
        %add3A_1025 = vector.broadcast %add3A_1024 : i32 to vector<16xi32>
        %add3A_1026 = arith.addi %iota3A, %add3A_1025 : vector<16xi32>
        %convert_element_type3A_1027 = arith.sitofp %add3A_1026 : vector<16xi32> to vector<16xf32>
        %sub3A_1028 = vector.broadcast %convert_element_type3A_812 : f32 to vector<16xf32>
        %sub3A_1029 = arith.subf %convert_element_type3A_1027, %sub3A_1028 : vector<16xf32>
        %mul3A_1030 = arith.mulf %sub3A_1029, %sub3A_1029 : vector<16xf32>
        %neg3A_1031 = arith.constant 0.000000e+00 : f32
        %neg3A_1032 = vector.broadcast %neg3A_1031 : f32 to vector<16xf32>
        %neg3A_1033 = arith.subf %neg3A_1032, %mul3A_1030 : vector<16xf32>
        %div3A_1034 = arith.divf %neg3A_1033, %mul3A_816 : vector<16xf32>
        %max3A_1035 = arith.constant -1.000000e+00 : f32
        %max3A_1036 = vector.broadcast %max3A_1035 : f32 to vector<16xf32>
        %max3A_1037 = arith.maximumf %div3A_1034, %max3A_1036 : vector<16xf32>
        %mul3A_1038 = arith.constant 2.500000e-01 : f32
        %mul3A_1039 = vector.broadcast %mul3A_1038 : f32 to vector<16xf32>
        %mul3A_1040 = arith.mulf %max3A_1037, %mul3A_1039 : vector<16xf32>
        %mul3A_1041 = arith.constant 0.166666672 : f32
        %mul3A_1042 = vector.broadcast %mul3A_1041 : f32 to vector<16xf32>
        %mul3A_1043 = arith.mulf %mul3A_1040, %mul3A_1042 : vector<16xf32>
        %add3A_1044 = arith.constant 1.000000e+00 : f32
        %add3A_1045 = vector.broadcast %add3A_1044 : f32 to vector<16xf32>
        %add3A_1046 = arith.addf %add3A_1045, %mul3A_1043 : vector<16xf32>
        %mul3A_1047 = arith.constant 2.000000e-01 : f32
        %mul3A_1048 = vector.broadcast %mul3A_1047 : f32 to vector<16xf32>
        %mul3A_1049 = arith.mulf %mul3A_1040, %mul3A_1048 : vector<16xf32>
        %mul3A_1050 = arith.mulf %mul3A_1049, %add3A_1046 : vector<16xf32>
        %add3A_1051 = arith.constant 1.000000e+00 : f32
        %add3A_1052 = vector.broadcast %add3A_1051 : f32 to vector<16xf32>
        %add3A_1053 = arith.addf %add3A_1052, %mul3A_1050 : vector<16xf32>
        %mul3A_1054 = arith.constant 2.500000e-01 : f32
        %mul3A_1055 = vector.broadcast %mul3A_1054 : f32 to vector<16xf32>
        %mul3A_1056 = arith.mulf %mul3A_1040, %mul3A_1055 : vector<16xf32>
        %mul3A_1057 = arith.mulf %mul3A_1056, %add3A_1053 : vector<16xf32>
        %add3A_1058 = arith.constant 1.000000e+00 : f32
        %add3A_1059 = vector.broadcast %add3A_1058 : f32 to vector<16xf32>
        %add3A_1060 = arith.addf %add3A_1059, %mul3A_1057 : vector<16xf32>
        %mul3A_1061 = arith.constant 0.333333343 : f32
        %mul3A_1062 = vector.broadcast %mul3A_1061 : f32 to vector<16xf32>
        %mul3A_1063 = arith.mulf %mul3A_1040, %mul3A_1062 : vector<16xf32>
        %mul3A_1064 = arith.mulf %mul3A_1063, %add3A_1060 : vector<16xf32>
        %add3A_1065 = arith.constant 1.000000e+00 : f32
        %add3A_1066 = vector.broadcast %add3A_1065 : f32 to vector<16xf32>
        %add3A_1067 = arith.addf %add3A_1066, %mul3A_1064 : vector<16xf32>
        %mul3A_1068 = arith.constant 5.000000e-01 : f32
        %mul3A_1069 = vector.broadcast %mul3A_1068 : f32 to vector<16xf32>
        %mul3A_1070 = arith.mulf %mul3A_1040, %mul3A_1069 : vector<16xf32>
        %mul3A_1071 = arith.mulf %mul3A_1070, %add3A_1067 : vector<16xf32>
        %add3A_1072 = arith.constant 1.000000e+00 : f32
        %add3A_1073 = vector.broadcast %add3A_1072 : f32 to vector<16xf32>
        %add3A_1074 = arith.addf %add3A_1073, %mul3A_1071 : vector<16xf32>
        %mul3A_1075 = arith.mulf %mul3A_1040, %add3A_1074 : vector<16xf32>
        %add3A_1076 = arith.constant 1.000000e+00 : f32
        %add3A_1077 = vector.broadcast %add3A_1076 : f32 to vector<16xf32>
        %add3A_1078 = arith.addf %add3A_1077, %mul3A_1075 : vector<16xf32>
        %mul3A_1079 = arith.mulf %add3A_1078, %add3A_1078 : vector<16xf32>
        %mul3A_1080 = arith.mulf %mul3A_1079, %mul3A_1079 : vector<16xf32>
        %ge3A_1081 = vector.broadcast %max3A_723 : i32 to vector<16xi32>
        %ge3A_1082 = arith.cmpi sge, %add3A_1026, %ge3A_1081 : vector<16xi32>
        %le3A_1083 = vector.broadcast %min3A_776 : i32 to vector<16xi32>
        %le3A_1084 = arith.cmpi sle, %add3A_1026, %le3A_1083 : vector<16xi32>
        %and3A_1085 = arith.andi %ge3A_1082, %le3A_1084 : vector<16xi1>
        %jit3A_1086 = arith.constant 0.000000e+00 : f32
        %broadcast_in_dim3A_1087 = vector.broadcast %jit3A_1086 : f32 to vector<16xf32>
        %select_n3A_1088 = arith.select %and3A_1085, %mul3A_1080, %broadcast_in_dim3A_1087 : vector<16xi1>, vector<16xf32>
        %swap3A_1089 = arith.constant 48 : index
        %swap3A_1090 = tpu.vector_load %arg8[%swap3A_1089] {strides = array<i32>} : memref<80xf32, #tpu.memory_space<vmem>>, vector<16xf32>,
        %swap3A_1091 = vector.shape_cast %swap3A_1090 : vector<16xf32> to vector<16xf32>
        %swap3A_1092 = vector.shape_cast %select_n3A_1088 : vector<16xf32> to vector<16xf32>
        tpu.vector_store %arg8[%swap3A_1089], %swap3A_1092 {strides = array<i32>} : memref<80xf32, #tpu.memory_space<vmem>>, vector<16xf32>,
        %add3A_1093 = arith.constant 64 : i32
        %add3A_1094 = vector.broadcast %add3A_1093 : i32 to vector<16xi32>
        %add3A_1095 = arith.addi %iota3A, %add3A_1094 : vector<16xi32>
        %convert_element_type3A_1096 = arith.sitofp %add3A_1095 : vector<16xi32> to vector<16xf32>
        %sub3A_1097 = vector.broadcast %convert_element_type3A_812 : f32 to vector<16xf32>
        %sub3A_1098 = arith.subf %convert_element_type3A_1096, %sub3A_1097 : vector<16xf32>
        %mul3A_1099 = arith.mulf %sub3A_1098, %sub3A_1098 : vector<16xf32>
        %neg3A_1100 = arith.constant 0.000000e+00 : f32
        %neg3A_1101 = vector.broadcast %neg3A_1100 : f32 to vector<16xf32>
        %neg3A_1102 = arith.subf %neg3A_1101, %mul3A_1099 : vector<16xf32>
        %div3A_1103 = arith.divf %neg3A_1102, %mul3A_816 : vector<16xf32>
        %max3A_1104 = arith.constant -1.000000e+00 : f32
        %max3A_1105 = vector.broadcast %max3A_1104 : f32 to vector<16xf32>
        %max3A_1106 = arith.maximumf %div3A_1103, %max3A_1105 : vector<16xf32>
        %mul3A_1107 = arith.constant 2.500000e-01 : f32
        %mul3A_1108 = vector.broadcast %mul3A_1107 : f32 to vector<16xf32>
        %mul3A_1109 = arith.mulf %max3A_1106, %mul3A_1108 : vector<16xf32>
        %mul3A_1110 = arith.constant 0.166666672 : f32
        %mul3A_1111 = vector.broadcast %mul3A_1110 : f32 to vector<16xf32>
        %mul3A_1112 = arith.mulf %mul3A_1109, %mul3A_1111 : vector<16xf32>
        %add3A_1113 = arith.constant 1.000000e+00 : f32
        %add3A_1114 = vector.broadcast %add3A_1113 : f32 to vector<16xf32>
        %add3A_1115 = arith.addf %add3A_1114, %mul3A_1112 : vector<16xf32>
        %mul3A_1116 = arith.constant 2.000000e-01 : f32
        %mul3A_1117 = vector.broadcast %mul3A_1116 : f32 to vector<16xf32>
        %mul3A_1118 = arith.mulf %mul3A_1109, %mul3A_1117 : vector<16xf32>
        %mul3A_1119 = arith.mulf %mul3A_1118, %add3A_1115 : vector<16xf32>
        %add3A_1120 = arith.constant 1.000000e+00 : f32
        %add3A_1121 = vector.broadcast %add3A_1120 : f32 to vector<16xf32>
        %add3A_1122 = arith.addf %add3A_1121, %mul3A_1119 : vector<16xf32>
        %mul3A_1123 = arith.constant 2.500000e-01 : f32
        %mul3A_1124 = vector.broadcast %mul3A_1123 : f32 to vector<16xf32>
        %mul3A_1125 = arith.mulf %mul3A_1109, %mul3A_1124 : vector<16xf32>
        %mul3A_1126 = arith.mulf %mul3A_1125, %add3A_1122 : vector<16xf32>
        %add3A_1127 = arith.constant 1.000000e+00 : f32
        %add3A_1128 = vector.broadcast %add3A_1127 : f32 to vector<16xf32>
        %add3A_1129 = arith.addf %add3A_1128, %mul3A_1126 : vector<16xf32>
        %mul3A_1130 = arith.constant 0.333333343 : f32
        %mul3A_1131 = vector.broadcast %mul3A_1130 : f32 to vector<16xf32>
        %mul3A_1132 = arith.mulf %mul3A_1109, %mul3A_1131 : vector<16xf32>
        %mul3A_1133 = arith.mulf %mul3A_1132, %add3A_1129 : vector<16xf32>
        %add3A_1134 = arith.constant 1.000000e+00 : f32
        %add3A_1135 = vector.broadcast %add3A_1134 : f32 to vector<16xf32>
        %add3A_1136 = arith.addf %add3A_1135, %mul3A_1133 : vector<16xf32>
        %mul3A_1137 = arith.constant 5.000000e-01 : f32
        %mul3A_1138 = vector.broadcast %mul3A_1137 : f32 to vector<16xf32>
        %mul3A_1139 = arith.mulf %mul3A_1109, %mul3A_1138 : vector<16xf32>
        %mul3A_1140 = arith.mulf %mul3A_1139, %add3A_1136 : vector<16xf32>
        %add3A_1141 = arith.constant 1.000000e+00 : f32
        %add3A_1142 = vector.broadcast %add3A_1141 : f32 to vector<16xf32>
        %add3A_1143 = arith.addf %add3A_1142, %mul3A_1140 : vector<16xf32>
        %mul3A_1144 = arith.mulf %mul3A_1109, %add3A_1143 : vector<16xf32>
        %add3A_1145 = arith.constant 1.000000e+00 : f32
        %add3A_1146 = vector.broadcast %add3A_1145 : f32 to vector<16xf32>
        %add3A_1147 = arith.addf %add3A_1146, %mul3A_1144 : vector<16xf32>
        %mul3A_1148 = arith.mulf %add3A_1147, %add3A_1147 : vector<16xf32>
        %mul3A_1149 = arith.mulf %mul3A_1148, %mul3A_1148 : vector<16xf32>
        %ge3A_1150 = vector.broadcast %max3A_723 : i32 to vector<16xi32>
        %ge3A_1151 = arith.cmpi sge, %add3A_1095, %ge3A_1150 : vector<16xi32>
        %le3A_1152 = vector.broadcast %min3A_776 : i32 to vector<16xi32>
        %le3A_1153 = arith.cmpi sle, %add3A_1095, %le3A_1152 : vector<16xi32>
        %and3A_1154 = arith.andi %ge3A_1151, %le3A_1153 : vector<16xi1>
        %jit3A_1155 = arith.constant 0.000000e+00 : f32
        %broadcast_in_dim3A_1156 = vector.broadcast %jit3A_1155 : f32 to vector<16xf32>
        %select_n3A_1157 = arith.select %and3A_1154, %mul3A_1149, %broadcast_in_dim3A_1156 : vector<16xi1>, vector<16xf32>
        %swap3A_1158 = arith.constant 64 : index
        %swap3A_1159 = tpu.vector_load %arg8[%swap3A_1158] {strides = array<i32>} : memref<80xf32, #tpu.memory_space<vmem>>, vector<16xf32>,
        %swap3A_1160 = vector.shape_cast %swap3A_1159 : vector<16xf32> to vector<16xf32>
        %swap3A_1161 = vector.shape_cast %select_n3A_1157 : vector<16xf32> to vector<16xf32>
        tpu.vector_store %arg8[%swap3A_1158], %swap3A_1161 {strides = array<i32>} : memref<80xf32, #tpu.memory_space<vmem>>, vector<16xf32>,
        %max3A_1162 = arith.maxsi %max3A_750, %mul3A_36 : i32
        %add3A_1163 = arith.constant 20 : i32
        %add3A_1164 = arith.addi %mul3A_36, %add3A_1163 : i32
        %sub3A_1165 = arith.constant 1 : i32
        %sub3A_1166 = arith.subi %add3A_1164, %sub3A_1165 : i32
        %min3A_1167 = arith.minsi %min3A_803, %sub3A_1166 : i32
        %add3A_1168 = arith.constant 1 : i32
        %add3A_1169 = arith.addi %min3A_1167, %add3A_1168 : i32
        %while3A = arith.constant 0 : i32
        %while3A_1170 = arith.subi %add3A_1169, %max3A_1162 : i32
        %while3A_1171 = arith.addi %max3A_1162, %while3A_1170 : i32
        %while3A_1172 = arith.constant 1 : i32
        %while3A_1173 = arith.divsi %while3A_1170, %while3A_1172 : i32
        %while3A_1174 = arith.muli %while3A_1173, %while3A_1172 : i32
        %while3A_1175 = arith.addi %max3A_1162, %while3A_1174 : i32
        %while3A_1176 = arith.constant 1 : i32
        scf.for %while3A_1178 = %max3A_1162 to %while3A_1175 step %while3A_1176  : i32 {
          %convert_element_type3A_1179 = arith.sitofp %while3A_1178 : i32 to f32
          %sub3A_1180 = arith.subf %convert_element_type3A_1179, %convert_element_type3A_813 : f32
          %broadcast_in_dim3A_1181 = vector.broadcast %sub3A_1180 : f32 to vector<16xf32>
          %mul3A_1182 = arith.mulf %broadcast_in_dim3A_1181, %broadcast_in_dim3A_1181 : vector<16xf32>
          %neg3A_1183 = arith.constant 0.000000e+00 : f32
          %neg3A_1184 = vector.broadcast %neg3A_1183 : f32 to vector<16xf32>
          %neg3A_1185 = arith.subf %neg3A_1184, %mul3A_1182 : vector<16xf32>
          %div3A_1186 = arith.divf %neg3A_1185, %mul3A_819 : vector<16xf32>
          %max3A_1187 = arith.constant -1.000000e+00 : f32
          %max3A_1188 = vector.broadcast %max3A_1187 : f32 to vector<16xf32>
          %max3A_1189 = arith.maximumf %div3A_1186, %max3A_1188 : vector<16xf32>
          %mul3A_1190 = arith.constant 2.500000e-01 : f32
          %mul3A_1191 = vector.broadcast %mul3A_1190 : f32 to vector<16xf32>
          %mul3A_1192 = arith.mulf %max3A_1189, %mul3A_1191 : vector<16xf32>
          %mul3A_1193 = arith.constant 0.166666672 : f32
          %mul3A_1194 = vector.broadcast %mul3A_1193 : f32 to vector<16xf32>
          %mul3A_1195 = arith.mulf %mul3A_1192, %mul3A_1194 : vector<16xf32>
          %add3A_1196 = arith.constant 1.000000e+00 : f32
          %add3A_1197 = vector.broadcast %add3A_1196 : f32 to vector<16xf32>
          %add3A_1198 = arith.addf %add3A_1197, %mul3A_1195 : vector<16xf32>
          %mul3A_1199 = arith.constant 2.000000e-01 : f32
          %mul3A_1200 = vector.broadcast %mul3A_1199 : f32 to vector<16xf32>
          %mul3A_1201 = arith.mulf %mul3A_1192, %mul3A_1200 : vector<16xf32>
          %mul3A_1202 = arith.mulf %mul3A_1201, %add3A_1198 : vector<16xf32>
          %add3A_1203 = arith.constant 1.000000e+00 : f32
          %add3A_1204 = vector.broadcast %add3A_1203 : f32 to vector<16xf32>
          %add3A_1205 = arith.addf %add3A_1204, %mul3A_1202 : vector<16xf32>
          %mul3A_1206 = arith.constant 2.500000e-01 : f32
          %mul3A_1207 = vector.broadcast %mul3A_1206 : f32 to vector<16xf32>
          %mul3A_1208 = arith.mulf %mul3A_1192, %mul3A_1207 : vector<16xf32>
          %mul3A_1209 = arith.mulf %mul3A_1208, %add3A_1205 : vector<16xf32>
          %add3A_1210 = arith.constant 1.000000e+00 : f32
          %add3A_1211 = vector.broadcast %add3A_1210 : f32 to vector<16xf32>
          %add3A_1212 = arith.addf %add3A_1211, %mul3A_1209 : vector<16xf32>
          %mul3A_1213 = arith.constant 0.333333343 : f32
          %mul3A_1214 = vector.broadcast %mul3A_1213 : f32 to vector<16xf32>
          %mul3A_1215 = arith.mulf %mul3A_1192, %mul3A_1214 : vector<16xf32>
          %mul3A_1216 = arith.mulf %mul3A_1215, %add3A_1212 : vector<16xf32>
          %add3A_1217 = arith.constant 1.000000e+00 : f32
          %add3A_1218 = vector.broadcast %add3A_1217 : f32 to vector<16xf32>
          %add3A_1219 = arith.addf %add3A_1218, %mul3A_1216 : vector<16xf32>
          %mul3A_1220 = arith.constant 5.000000e-01 : f32
          %mul3A_1221 = vector.broadcast %mul3A_1220 : f32 to vector<16xf32>
          %mul3A_1222 = arith.mulf %mul3A_1192, %mul3A_1221 : vector<16xf32>
          %mul3A_1223 = arith.mulf %mul3A_1222, %add3A_1219 : vector<16xf32>
          %add3A_1224 = arith.constant 1.000000e+00 : f32
          %add3A_1225 = vector.broadcast %add3A_1224 : f32 to vector<16xf32>
          %add3A_1226 = arith.addf %add3A_1225, %mul3A_1223 : vector<16xf32>
          %mul3A_1227 = arith.mulf %mul3A_1192, %add3A_1226 : vector<16xf32>
          %add3A_1228 = arith.constant 1.000000e+00 : f32
          %add3A_1229 = vector.broadcast %add3A_1228 : f32 to vector<16xf32>
          %add3A_1230 = arith.addf %add3A_1229, %mul3A_1227 : vector<16xf32>
          %mul3A_1231 = arith.mulf %add3A_1230, %add3A_1230 : vector<16xf32>
          %mul3A_1232 = arith.mulf %mul3A_1231, %mul3A_1231 : vector<16xf32>
          %sub3A_1233 = arith.subi %while3A_1178, %mul3A_36 : i32
          %mul3A_1234 = arith.constant 80 : i32
          %mul3A_1235 = arith.muli %sub3A_1233, %mul3A_1234 : i32
          %add3A_1236 = arith.constant 0 : i32
          %add3A_1237 = arith.addi %mul3A_1235, %add3A_1236 : i32
          %get3A_1238 = arith.index_cast %add3A_1237 : i32 to index
          %get3A_1239 = tpu.vector_load %arg9[%get3A_1238] {strides = array<i32>} : memref<3200xf32, #tpu.memory_space<vmem>>, vector<16xf32>,
          %get3A_1240 = vector.shape_cast %get3A_1239 : vector<16xf32> to vector<16xf32>
          %get3A_1241 = arith.constant 0 : index
          %get3A_1242 = tpu.vector_load %arg8[%get3A_1241] {strides = array<i32>} : memref<80xf32, #tpu.memory_space<vmem>>, vector<16xf32>,
          %get3A_1243 = vector.shape_cast %get3A_1242 : vector<16xf32> to vector<16xf32>
          %mul3A_1244 = arith.mulf %mul3A_1232, %get3A_1243 : vector<16xf32>
          %max3A_1245 = arith.maximumf %get3A_1240, %mul3A_1244 : vector<16xf32>
          %add3A_1246 = arith.constant 0 : i32
          %add3A_1247 = arith.addi %mul3A_1235, %add3A_1246 : i32
          %swap3A_1248 = arith.index_cast %add3A_1247 : i32 to index
          %swap3A_1249 = tpu.vector_load %arg9[%swap3A_1248] {strides = array<i32>} : memref<3200xf32, #tpu.memory_space<vmem>>, vector<16xf32>,
          %swap3A_1250 = vector.shape_cast %swap3A_1249 : vector<16xf32> to vector<16xf32>
          %swap3A_1251 = vector.shape_cast %max3A_1245 : vector<16xf32> to vector<16xf32>
          tpu.vector_store %arg9[%swap3A_1248], %swap3A_1251 {strides = array<i32>} : memref<3200xf32, #tpu.memory_space<vmem>>, vector<16xf32>,
          %add3A_1252 = arith.constant 16 : i32
          %add3A_1253 = arith.addi %mul3A_1235, %add3A_1252 : i32
          %get3A_1254 = arith.index_cast %add3A_1253 : i32 to index
          %get3A_1255 = tpu.vector_load %arg9[%get3A_1254] {strides = array<i32>} : memref<3200xf32, #tpu.memory_space<vmem>>, vector<16xf32>,
          %get3A_1256 = vector.shape_cast %get3A_1255 : vector<16xf32> to vector<16xf32>
          %get3A_1257 = arith.constant 16 : index
          %get3A_1258 = tpu.vector_load %arg8[%get3A_1257] {strides = array<i32>} : memref<80xf32, #tpu.memory_space<vmem>>, vector<16xf32>,
          %get3A_1259 = vector.shape_cast %get3A_1258 : vector<16xf32> to vector<16xf32>
          %mul3A_1260 = arith.mulf %mul3A_1232, %get3A_1259 : vector<16xf32>
          %max3A_1261 = arith.maximumf %get3A_1256, %mul3A_1260 : vector<16xf32>
          %add3A_1262 = arith.constant 16 : i32
          %add3A_1263 = arith.addi %mul3A_1235, %add3A_1262 : i32
          %swap3A_1264 = arith.index_cast %add3A_1263 : i32 to index
          %swap3A_1265 = tpu.vector_load %arg9[%swap3A_1264] {strides = array<i32>} : memref<3200xf32, #tpu.memory_space<vmem>>, vector<16xf32>,
          %swap3A_1266 = vector.shape_cast %swap3A_1265 : vector<16xf32> to vector<16xf32>
          %swap3A_1267 = vector.shape_cast %max3A_1261 : vector<16xf32> to vector<16xf32>
          tpu.vector_store %arg9[%swap3A_1264], %swap3A_1267 {strides = array<i32>} : memref<3200xf32, #tpu.memory_space<vmem>>, vector<16xf32>,
          %add3A_1268 = arith.constant 32 : i32
          %add3A_1269 = arith.addi %mul3A_1235, %add3A_1268 : i32
          %get3A_1270 = arith.index_cast %add3A_1269 : i32 to index
          %get3A_1271 = tpu.vector_load %arg9[%get3A_1270] {strides = array<i32>} : memref<3200xf32, #tpu.memory_space<vmem>>, vector<16xf32>,
          %get3A_1272 = vector.shape_cast %get3A_1271 : vector<16xf32> to vector<16xf32>
          %get3A_1273 = arith.constant 32 : index
          %get3A_1274 = tpu.vector_load %arg8[%get3A_1273] {strides = array<i32>} : memref<80xf32, #tpu.memory_space<vmem>>, vector<16xf32>,
          %get3A_1275 = vector.shape_cast %get3A_1274 : vector<16xf32> to vector<16xf32>
          %mul3A_1276 = arith.mulf %mul3A_1232, %get3A_1275 : vector<16xf32>
          %max3A_1277 = arith.maximumf %get3A_1272, %mul3A_1276 : vector<16xf32>
          %add3A_1278 = arith.constant 32 : i32
          %add3A_1279 = arith.addi %mul3A_1235, %add3A_1278 : i32
          %swap3A_1280 = arith.index_cast %add3A_1279 : i32 to index
          %swap3A_1281 = tpu.vector_load %arg9[%swap3A_1280] {strides = array<i32>} : memref<3200xf32, #tpu.memory_space<vmem>>, vector<16xf32>,
          %swap3A_1282 = vector.shape_cast %swap3A_1281 : vector<16xf32> to vector<16xf32>
          %swap3A_1283 = vector.shape_cast %max3A_1277 : vector<16xf32> to vector<16xf32>
          tpu.vector_store %arg9[%swap3A_1280], %swap3A_1283 {strides = array<i32>} : memref<3200xf32, #tpu.memory_space<vmem>>, vector<16xf32>,
          %add3A_1284 = arith.constant 48 : i32
          %add3A_1285 = arith.addi %mul3A_1235, %add3A_1284 : i32
          %get3A_1286 = arith.index_cast %add3A_1285 : i32 to index
          %get3A_1287 = tpu.vector_load %arg9[%get3A_1286] {strides = array<i32>} : memref<3200xf32, #tpu.memory_space<vmem>>, vector<16xf32>,
          %get3A_1288 = vector.shape_cast %get3A_1287 : vector<16xf32> to vector<16xf32>
          %get3A_1289 = arith.constant 48 : index
          %get3A_1290 = tpu.vector_load %arg8[%get3A_1289] {strides = array<i32>} : memref<80xf32, #tpu.memory_space<vmem>>, vector<16xf32>,
          %get3A_1291 = vector.shape_cast %get3A_1290 : vector<16xf32> to vector<16xf32>
          %mul3A_1292 = arith.mulf %mul3A_1232, %get3A_1291 : vector<16xf32>
          %max3A_1293 = arith.maximumf %get3A_1288, %mul3A_1292 : vector<16xf32>
          %add3A_1294 = arith.constant 48 : i32
          %add3A_1295 = arith.addi %mul3A_1235, %add3A_1294 : i32
          %swap3A_1296 = arith.index_cast %add3A_1295 : i32 to index
          %swap3A_1297 = tpu.vector_load %arg9[%swap3A_1296] {strides = array<i32>} : memref<3200xf32, #tpu.memory_space<vmem>>, vector<16xf32>,
          %swap3A_1298 = vector.shape_cast %swap3A_1297 : vector<16xf32> to vector<16xf32>
          %swap3A_1299 = vector.shape_cast %max3A_1293 : vector<16xf32> to vector<16xf32>
          tpu.vector_store %arg9[%swap3A_1296], %swap3A_1299 {strides = array<i32>} : memref<3200xf32, #tpu.memory_space<vmem>>, vector<16xf32>,
          %add3A_1300 = arith.constant 64 : i32
          %add3A_1301 = arith.addi %mul3A_1235, %add3A_1300 : i32
          %get3A_1302 = arith.index_cast %add3A_1301 : i32 to index
          %get3A_1303 = tpu.vector_load %arg9[%get3A_1302] {strides = array<i32>} : memref<3200xf32, #tpu.memory_space<vmem>>, vector<16xf32>,
          %get3A_1304 = vector.shape_cast %get3A_1303 : vector<16xf32> to vector<16xf32>
          %get3A_1305 = arith.constant 64 : index
          %get3A_1306 = tpu.vector_load %arg8[%get3A_1305] {strides = array<i32>} : memref<80xf32, #tpu.memory_space<vmem>>, vector<16xf32>,
          %get3A_1307 = vector.shape_cast %get3A_1306 : vector<16xf32> to vector<16xf32>
          %mul3A_1308 = arith.mulf %mul3A_1232, %get3A_1307 : vector<16xf32>
          %max3A_1309 = arith.maximumf %get3A_1304, %mul3A_1308 : vector<16xf32>
          %add3A_1310 = arith.constant 64 : i32
          %add3A_1311 = arith.addi %mul3A_1235, %add3A_1310 : i32
          %swap3A_1312 = arith.index_cast %add3A_1311 : i32 to index
          %swap3A_1313 = tpu.vector_load %arg9[%swap3A_1312] {strides = array<i32>} : memref<3200xf32, #tpu.memory_space<vmem>>, vector<16xf32>,
          %swap3A_1314 = vector.shape_cast %swap3A_1313 : vector<16xf32> to vector<16xf32>
          %swap3A_1315 = vector.shape_cast %max3A_1309 : vector<16xf32> to vector<16xf32>
          tpu.vector_store %arg9[%swap3A_1312], %swap3A_1315 {strides = array<i32>} : memref<3200xf32, #tpu.memory_space<vmem>>, vector<16xf32>,
        }
        %while3A_1177 = arith.constant 1 : i32
        scf.for %while3A_1178 = %while3A_1175 to %while3A_1171 step %while3A_1177  : i32 {
          %convert_element_type3A_1179 = arith.sitofp %while3A_1178 : i32 to f32
          %sub3A_1180 = arith.subf %convert_element_type3A_1179, %convert_element_type3A_813 : f32
          %broadcast_in_dim3A_1181 = vector.broadcast %sub3A_1180 : f32 to vector<16xf32>
          %mul3A_1182 = arith.mulf %broadcast_in_dim3A_1181, %broadcast_in_dim3A_1181 : vector<16xf32>
          %neg3A_1183 = arith.constant 0.000000e+00 : f32
          %neg3A_1184 = vector.broadcast %neg3A_1183 : f32 to vector<16xf32>
          %neg3A_1185 = arith.subf %neg3A_1184, %mul3A_1182 : vector<16xf32>
          %div3A_1186 = arith.divf %neg3A_1185, %mul3A_819 : vector<16xf32>
          %max3A_1187 = arith.constant -1.000000e+00 : f32
          %max3A_1188 = vector.broadcast %max3A_1187 : f32 to vector<16xf32>
          %max3A_1189 = arith.maximumf %div3A_1186, %max3A_1188 : vector<16xf32>
          %mul3A_1190 = arith.constant 2.500000e-01 : f32
          %mul3A_1191 = vector.broadcast %mul3A_1190 : f32 to vector<16xf32>
          %mul3A_1192 = arith.mulf %max3A_1189, %mul3A_1191 : vector<16xf32>
          %mul3A_1193 = arith.constant 0.166666672 : f32
          %mul3A_1194 = vector.broadcast %mul3A_1193 : f32 to vector<16xf32>
          %mul3A_1195 = arith.mulf %mul3A_1192, %mul3A_1194 : vector<16xf32>
          %add3A_1196 = arith.constant 1.000000e+00 : f32
          %add3A_1197 = vector.broadcast %add3A_1196 : f32 to vector<16xf32>
          %add3A_1198 = arith.addf %add3A_1197, %mul3A_1195 : vector<16xf32>
          %mul3A_1199 = arith.constant 2.000000e-01 : f32
          %mul3A_1200 = vector.broadcast %mul3A_1199 : f32 to vector<16xf32>
          %mul3A_1201 = arith.mulf %mul3A_1192, %mul3A_1200 : vector<16xf32>
          %mul3A_1202 = arith.mulf %mul3A_1201, %add3A_1198 : vector<16xf32>
          %add3A_1203 = arith.constant 1.000000e+00 : f32
          %add3A_1204 = vector.broadcast %add3A_1203 : f32 to vector<16xf32>
          %add3A_1205 = arith.addf %add3A_1204, %mul3A_1202 : vector<16xf32>
          %mul3A_1206 = arith.constant 2.500000e-01 : f32
          %mul3A_1207 = vector.broadcast %mul3A_1206 : f32 to vector<16xf32>
          %mul3A_1208 = arith.mulf %mul3A_1192, %mul3A_1207 : vector<16xf32>
          %mul3A_1209 = arith.mulf %mul3A_1208, %add3A_1205 : vector<16xf32>
          %add3A_1210 = arith.constant 1.000000e+00 : f32
          %add3A_1211 = vector.broadcast %add3A_1210 : f32 to vector<16xf32>
          %add3A_1212 = arith.addf %add3A_1211, %mul3A_1209 : vector<16xf32>
          %mul3A_1213 = arith.constant 0.333333343 : f32
          %mul3A_1214 = vector.broadcast %mul3A_1213 : f32 to vector<16xf32>
          %mul3A_1215 = arith.mulf %mul3A_1192, %mul3A_1214 : vector<16xf32>
          %mul3A_1216 = arith.mulf %mul3A_1215, %add3A_1212 : vector<16xf32>
          %add3A_1217 = arith.constant 1.000000e+00 : f32
          %add3A_1218 = vector.broadcast %add3A_1217 : f32 to vector<16xf32>
          %add3A_1219 = arith.addf %add3A_1218, %mul3A_1216 : vector<16xf32>
          %mul3A_1220 = arith.constant 5.000000e-01 : f32
          %mul3A_1221 = vector.broadcast %mul3A_1220 : f32 to vector<16xf32>
          %mul3A_1222 = arith.mulf %mul3A_1192, %mul3A_1221 : vector<16xf32>
          %mul3A_1223 = arith.mulf %mul3A_1222, %add3A_1219 : vector<16xf32>
          %add3A_1224 = arith.constant 1.000000e+00 : f32
          %add3A_1225 = vector.broadcast %add3A_1224 : f32 to vector<16xf32>
          %add3A_1226 = arith.addf %add3A_1225, %mul3A_1223 : vector<16xf32>
          %mul3A_1227 = arith.mulf %mul3A_1192, %add3A_1226 : vector<16xf32>
          %add3A_1228 = arith.constant 1.000000e+00 : f32
          %add3A_1229 = vector.broadcast %add3A_1228 : f32 to vector<16xf32>
          %add3A_1230 = arith.addf %add3A_1229, %mul3A_1227 : vector<16xf32>
          %mul3A_1231 = arith.mulf %add3A_1230, %add3A_1230 : vector<16xf32>
          %mul3A_1232 = arith.mulf %mul3A_1231, %mul3A_1231 : vector<16xf32>
          %sub3A_1233 = arith.subi %while3A_1178, %mul3A_36 : i32
          %mul3A_1234 = arith.constant 80 : i32
          %mul3A_1235 = arith.muli %sub3A_1233, %mul3A_1234 : i32
          %add3A_1236 = arith.constant 0 : i32
          %add3A_1237 = arith.addi %mul3A_1235, %add3A_1236 : i32
          %get3A_1238 = arith.index_cast %add3A_1237 : i32 to index
          %get3A_1239 = tpu.vector_load %arg9[%get3A_1238] {strides = array<i32>} : memref<3200xf32, #tpu.memory_space<vmem>>, vector<16xf32>,
          %get3A_1240 = vector.shape_cast %get3A_1239 : vector<16xf32> to vector<16xf32>
          %get3A_1241 = arith.constant 0 : index
          %get3A_1242 = tpu.vector_load %arg8[%get3A_1241] {strides = array<i32>} : memref<80xf32, #tpu.memory_space<vmem>>, vector<16xf32>,
          %get3A_1243 = vector.shape_cast %get3A_1242 : vector<16xf32> to vector<16xf32>
          %mul3A_1244 = arith.mulf %mul3A_1232, %get3A_1243 : vector<16xf32>
          %max3A_1245 = arith.maximumf %get3A_1240, %mul3A_1244 : vector<16xf32>
          %add3A_1246 = arith.constant 0 : i32
          %add3A_1247 = arith.addi %mul3A_1235, %add3A_1246 : i32
          %swap3A_1248 = arith.index_cast %add3A_1247 : i32 to index
          %swap3A_1249 = tpu.vector_load %arg9[%swap3A_1248] {strides = array<i32>} : memref<3200xf32, #tpu.memory_space<vmem>>, vector<16xf32>,
          %swap3A_1250 = vector.shape_cast %swap3A_1249 : vector<16xf32> to vector<16xf32>
          %swap3A_1251 = vector.shape_cast %max3A_1245 : vector<16xf32> to vector<16xf32>
          tpu.vector_store %arg9[%swap3A_1248], %swap3A_1251 {strides = array<i32>} : memref<3200xf32, #tpu.memory_space<vmem>>, vector<16xf32>,
          %add3A_1252 = arith.constant 16 : i32
          %add3A_1253 = arith.addi %mul3A_1235, %add3A_1252 : i32
          %get3A_1254 = arith.index_cast %add3A_1253 : i32 to index
          %get3A_1255 = tpu.vector_load %arg9[%get3A_1254] {strides = array<i32>} : memref<3200xf32, #tpu.memory_space<vmem>>, vector<16xf32>,
          %get3A_1256 = vector.shape_cast %get3A_1255 : vector<16xf32> to vector<16xf32>
          %get3A_1257 = arith.constant 16 : index
          %get3A_1258 = tpu.vector_load %arg8[%get3A_1257] {strides = array<i32>} : memref<80xf32, #tpu.memory_space<vmem>>, vector<16xf32>,
          %get3A_1259 = vector.shape_cast %get3A_1258 : vector<16xf32> to vector<16xf32>
          %mul3A_1260 = arith.mulf %mul3A_1232, %get3A_1259 : vector<16xf32>
          %max3A_1261 = arith.maximumf %get3A_1256, %mul3A_1260 : vector<16xf32>
          %add3A_1262 = arith.constant 16 : i32
          %add3A_1263 = arith.addi %mul3A_1235, %add3A_1262 : i32
          %swap3A_1264 = arith.index_cast %add3A_1263 : i32 to index
          %swap3A_1265 = tpu.vector_load %arg9[%swap3A_1264] {strides = array<i32>} : memref<3200xf32, #tpu.memory_space<vmem>>, vector<16xf32>,
          %swap3A_1266 = vector.shape_cast %swap3A_1265 : vector<16xf32> to vector<16xf32>
          %swap3A_1267 = vector.shape_cast %max3A_1261 : vector<16xf32> to vector<16xf32>
          tpu.vector_store %arg9[%swap3A_1264], %swap3A_1267 {strides = array<i32>} : memref<3200xf32, #tpu.memory_space<vmem>>, vector<16xf32>,
          %add3A_1268 = arith.constant 32 : i32
          %add3A_1269 = arith.addi %mul3A_1235, %add3A_1268 : i32
          %get3A_1270 = arith.index_cast %add3A_1269 : i32 to index
          %get3A_1271 = tpu.vector_load %arg9[%get3A_1270] {strides = array<i32>} : memref<3200xf32, #tpu.memory_space<vmem>>, vector<16xf32>,
          %get3A_1272 = vector.shape_cast %get3A_1271 : vector<16xf32> to vector<16xf32>
          %get3A_1273 = arith.constant 32 : index
          %get3A_1274 = tpu.vector_load %arg8[%get3A_1273] {strides = array<i32>} : memref<80xf32, #tpu.memory_space<vmem>>, vector<16xf32>,
          %get3A_1275 = vector.shape_cast %get3A_1274 : vector<16xf32> to vector<16xf32>
          %mul3A_1276 = arith.mulf %mul3A_1232, %get3A_1275 : vector<16xf32>
          %max3A_1277 = arith.maximumf %get3A_1272, %mul3A_1276 : vector<16xf32>
          %add3A_1278 = arith.constant 32 : i32
          %add3A_1279 = arith.addi %mul3A_1235, %add3A_1278 : i32
          %swap3A_1280 = arith.index_cast %add3A_1279 : i32 to index
          %swap3A_1281 = tpu.vector_load %arg9[%swap3A_1280] {strides = array<i32>} : memref<3200xf32, #tpu.memory_space<vmem>>, vector<16xf32>,
          %swap3A_1282 = vector.shape_cast %swap3A_1281 : vector<16xf32> to vector<16xf32>
          %swap3A_1283 = vector.shape_cast %max3A_1277 : vector<16xf32> to vector<16xf32>
          tpu.vector_store %arg9[%swap3A_1280], %swap3A_1283 {strides = array<i32>} : memref<3200xf32, #tpu.memory_space<vmem>>, vector<16xf32>,
          %add3A_1284 = arith.constant 48 : i32
          %add3A_1285 = arith.addi %mul3A_1235, %add3A_1284 : i32
          %get3A_1286 = arith.index_cast %add3A_1285 : i32 to index
          %get3A_1287 = tpu.vector_load %arg9[%get3A_1286] {strides = array<i32>} : memref<3200xf32, #tpu.memory_space<vmem>>, vector<16xf32>,
          %get3A_1288 = vector.shape_cast %get3A_1287 : vector<16xf32> to vector<16xf32>
          %get3A_1289 = arith.constant 48 : index
          %get3A_1290 = tpu.vector_load %arg8[%get3A_1289] {strides = array<i32>} : memref<80xf32, #tpu.memory_space<vmem>>, vector<16xf32>,
          %get3A_1291 = vector.shape_cast %get3A_1290 : vector<16xf32> to vector<16xf32>
          %mul3A_1292 = arith.mulf %mul3A_1232, %get3A_1291 : vector<16xf32>
          %max3A_1293 = arith.maximumf %get3A_1288, %mul3A_1292 : vector<16xf32>
          %add3A_1294 = arith.constant 48 : i32
          %add3A_1295 = arith.addi %mul3A_1235, %add3A_1294 : i32
          %swap3A_1296 = arith.index_cast %add3A_1295 : i32 to index
          %swap3A_1297 = tpu.vector_load %arg9[%swap3A_1296] {strides = array<i32>} : memref<3200xf32, #tpu.memory_space<vmem>>, vector<16xf32>,
          %swap3A_1298 = vector.shape_cast %swap3A_1297 : vector<16xf32> to vector<16xf32>
          %swap3A_1299 = vector.shape_cast %max3A_1293 : vector<16xf32> to vector<16xf32>
          tpu.vector_store %arg9[%swap3A_1296], %swap3A_1299 {strides = array<i32>} : memref<3200xf32, #tpu.memory_space<vmem>>, vector<16xf32>,
          %add3A_1300 = arith.constant 64 : i32
          %add3A_1301 = arith.addi %mul3A_1235, %add3A_1300 : i32
          %get3A_1302 = arith.index_cast %add3A_1301 : i32 to index
          %get3A_1303 = tpu.vector_load %arg9[%get3A_1302] {strides = array<i32>} : memref<3200xf32, #tpu.memory_space<vmem>>, vector<16xf32>,
          %get3A_1304 = vector.shape_cast %get3A_1303 : vector<16xf32> to vector<16xf32>
          %get3A_1305 = arith.constant 64 : index
          %get3A_1306 = tpu.vector_load %arg8[%get3A_1305] {strides = array<i32>} : memref<80xf32, #tpu.memory_space<vmem>>, vector<16xf32>,
          %get3A_1307 = vector.shape_cast %get3A_1306 : vector<16xf32> to vector<16xf32>
          %mul3A_1308 = arith.mulf %mul3A_1232, %get3A_1307 : vector<16xf32>
          %max3A_1309 = arith.maximumf %get3A_1304, %mul3A_1308 : vector<16xf32>
          %add3A_1310 = arith.constant 64 : i32
          %add3A_1311 = arith.addi %mul3A_1235, %add3A_1310 : i32
          %swap3A_1312 = arith.index_cast %add3A_1311 : i32 to index
          %swap3A_1313 = tpu.vector_load %arg9[%swap3A_1312] {strides = array<i32>} : memref<3200xf32, #tpu.memory_space<vmem>>, vector<16xf32>,
          %swap3A_1314 = vector.shape_cast %swap3A_1313 : vector<16xf32> to vector<16xf32>
          %swap3A_1315 = vector.shape_cast %max3A_1309 : vector<16xf32> to vector<16xf32>
          tpu.vector_store %arg9[%swap3A_1312], %swap3A_1315 {strides = array<i32>} : memref<3200xf32, #tpu.memory_space<vmem>>, vector<16xf32>,
        }
      } else {
      }
    }
    %scan3A_640 = arith.constant 64 : i32
    %mul3A_641 = arith.constant 6400 : i32
    %mul3A_642 = arith.muli %select_n3A, %mul3A_641 : i32
    %mul3A_643 = arith.constant 1600 : i32
    %mul3A_644 = arith.muli %select_n3A_34, %mul3A_643 : i32
    %add3A_645 = arith.addi %mul3A_642, %mul3A_644 : i32
    "tpu.region"() ({
      %run_scoped3A = tpu.sem_alloc : memref<!tpu.dma_semaphore, #tpu.memory_space<semaphore_mem>>
      %dma_start3A = arith.constant 0 : i32
      %dma_start3A_649 = tpu.memref_slice %arg9[%dma_start3A] : memref<3200xf32, #tpu.memory_space<vmem>> -> memref<1600xf32, #tpu.memory_space<vmem>>
      %dma_start3A_650 = tpu.memref_slice %arg4[%add3A_645] : memref<51200xf32, #tpu.memory_space<hbm>> -> memref<1600xf32, #tpu.memory_space<hbm>>
      %dma_start3A_651 = tpu.memref_slice %arg4[%add3A_645] : memref<51200xf32, #tpu.memory_space<hbm>> -> memref<1600xf32, #tpu.memory_space<hbm>>
      %dma_start3A_652 = arith.constant 0 : i32
      %dma_start3A_653 = tpu.memref_slice %arg9[%dma_start3A_652] : memref<3200xf32, #tpu.memory_space<vmem>> -> memref<1600xf32, #tpu.memory_space<vmem>>
      tpu.enqueue_dma source(%dma_start3A_653 : memref<1600xf32, #tpu.memory_space<vmem>>) target(%dma_start3A_651 : memref<1600xf32, #tpu.memory_space<hbm>>) target_semaphore(%run_scoped3A : memref<!tpu.dma_semaphore, #tpu.memory_space<semaphore_mem>>)
      %dma_wait3A = arith.constant 0 : i32
      %dma_wait3A_654 = tpu.memref_slice %arg9[%dma_wait3A] : memref<3200xf32, #tpu.memory_space<vmem>> -> memref<1600xf32, #tpu.memory_space<vmem>>
      %dma_wait3A_655 = tpu.memref_slice %arg4[%add3A_645] : memref<51200xf32, #tpu.memory_space<hbm>> -> memref<1600xf32, #tpu.memory_space<hbm>>
      %dma_wait3A_656 = tpu.memref_slice %arg4[%add3A_645] : memref<51200xf32, #tpu.memory_space<hbm>> -> memref<1600xf32, #tpu.memory_space<hbm>>
      %dma_wait3A_657 = arith.constant 0 : i32
      %dma_wait3A_658 = tpu.memref_slice %arg9[%dma_wait3A_657] : memref<3200xf32, #tpu.memory_space<vmem>> -> memref<1600xf32, #tpu.memory_space<vmem>>
      tpu.wait_dma2 semaphore(%run_scoped3A : memref<!tpu.dma_semaphore, #tpu.memory_space<semaphore_mem>>) src(%dma_wait3A_658 : memref<1600xf32, #tpu.memory_space<vmem>>) dst(%dma_wait3A_656 : memref<1600xf32, #tpu.memory_space<hbm>>)
      tpu.yield
    }) : () -> ()
    %lt3A_646 = arith.constant 16 : i32
    %lt3A_647 = arith.cmpi slt, %add3A, %lt3A_646 : i32
    %convert_element_type3A = arith.extui %lt3A_647 : i1 to i32
    %cond3A = arith.constant 0 : i32
    %cond3A_648 = arith.cmpi ne, %convert_element_type3A, %cond3A : i32
    scf.if %cond3A_648 {
      %sub3A_649 = arith.constant 0 : i32
      %sub3A_650 = arith.subi %add3A, %sub3A_649 : i32
      %jit3A_651 = arith.constant 2 : i32
      %div3A_652 = arith.divsi %sub3A_650, %jit3A_651 : i32
      %sign3A_653 = arith.constant 0 : i32
      %sign3A_654 = arith.cmpi sgt, %sub3A_650, %sign3A_653 : i32
      %sign3A_655 = arith.extui %sign3A_654 : i1 to i32
      %sign3A_656 = arith.constant 0 : i32
      %sign3A_657 = arith.cmpi slt, %sub3A_650, %sign3A_656 : i32
      %sign3A_658 = arith.extui %sign3A_657 : i1 to i32
      %sign3A_659 = arith.subi %sign3A_655, %sign3A_658 : i32
      %sign3A_660 = arith.constant 0 : i32
      %sign3A_661 = arith.cmpi sgt, %jit3A_651, %sign3A_660 : i32
      %sign3A_662 = arith.extui %sign3A_661 : i1 to i32
      %sign3A_663 = arith.constant 0 : i32
      %sign3A_664 = arith.cmpi slt, %jit3A_651, %sign3A_663 : i32
      %sign3A_665 = arith.extui %sign3A_664 : i1 to i32
      %sign3A_666 = arith.subi %sign3A_662, %sign3A_665 : i32
      %ne3A_667 = arith.cmpi ne, %sign3A_659, %sign3A_666 : i32
      %rem3A_668 = arith.remsi %sub3A_650, %jit3A_651 : i32
      %ne3A_669 = arith.constant 0 : i32
      %ne3A_670 = arith.cmpi ne, %rem3A_668, %ne3A_669 : i32
      %and3A_671 = arith.andi %ne3A_667, %ne3A_670 : i1
      %sub3A_672 = arith.constant 1 : i32
      %sub3A_673 = arith.subi %div3A_652, %sub3A_672 : i32
      %select_n3A_674 = arith.select %and3A_671, %sub3A_673, %div3A_652 : i32
      %sub3A_675 = arith.constant 0 : i32
      %sub3A_676 = arith.subi %add3A, %sub3A_675 : i32
      %jit3A_677 = arith.constant 2 : i32
      %eq3A_678 = arith.constant 0 : i32
      %eq3A_679 = arith.cmpi eq, %jit3A_677, %eq3A_678 : i32
      %jit3A_680 = arith.constant 1 : i32
      %select_n3A_681 = arith.select %eq3A_679, %jit3A_680, %jit3A_677 : i32
      %rem3A_682 = arith.remsi %sub3A_676, %select_n3A_681 : i32
      %ne3A_683 = arith.constant 0 : i32
      %ne3A_684 = arith.cmpi ne, %rem3A_682, %ne3A_683 : i32
      %lt3A_685 = arith.constant 0 : i32
      %lt3A_686 = arith.cmpi slt, %rem3A_682, %lt3A_685 : i32
      %lt3A_687 = arith.constant 0 : i32
      %lt3A_688 = arith.cmpi slt, %select_n3A_681, %lt3A_687 : i32
      %ne3A_689 = arith.xori %lt3A_686, %lt3A_688 : i1
      %and3A_690 = arith.andi %ne3A_689, %ne3A_684 : i1
      %add3A_691 = arith.addi %rem3A_682, %select_n3A_681 : i32
      %select_n3A_692 = arith.select %and3A_690, %add3A_691, %rem3A_682 : i32
      %mul3A_693 = arith.constant 20 : i32
      %mul3A_694 = arith.muli %select_n3A_692, %mul3A_693 : i32
      %broadcast_in_dim3A_695 = arith.constant 0.000000e+00 : f32
      %broadcast_in_dim3A_696 = vector.broadcast %broadcast_in_dim3A_695 : f32 to vector<16xf32>
      %swap3A_697 = arith.constant 0 : index
      %swap3A_698 = tpu.vector_load %arg9[%swap3A_697] {strides = array<i32>} : memref<3200xf32, #tpu.memory_space<vmem>>, vector<16xf32>,
      %swap3A_699 = vector.shape_cast %swap3A_698 : vector<16xf32> to vector<16xf32>
      %swap3A_700 = vector.shape_cast %broadcast_in_dim3A_696 : vector<16xf32> to vector<16xf32>
      tpu.vector_store %arg9[%swap3A_697], %swap3A_700 {strides = array<i32>} : memref<3200xf32, #tpu.memory_space<vmem>>, vector<16xf32>,
      %broadcast_in_dim3A_701 = arith.constant 0.000000e+00 : f32
      %broadcast_in_dim3A_702 = vector.broadcast %broadcast_in_dim3A_701 : f32 to vector<16xf32>
      %swap3A_703 = arith.constant 16 : index
      %swap3A_704 = tpu.vector_load %arg9[%swap3A_703] {strides = array<i32>} : memref<3200xf32, #tpu.memory_space<vmem>>, vector<16xf32>,
      %swap3A_705 = vector.shape_cast %swap3A_704 : vector<16xf32> to vector<16xf32>
      %swap3A_706 = vector.shape_cast %broadcast_in_dim3A_702 : vector<16xf32> to vector<16xf32>
      tpu.vector_store %arg9[%swap3A_703], %swap3A_706 {strides = array<i32>} : memref<3200xf32, #tpu.memory_space<vmem>>, vector<16xf32>,
      %broadcast_in_dim3A_707 = arith.constant 0.000000e+00 : f32
      %broadcast_in_dim3A_708 = vector.broadcast %broadcast_in_dim3A_707 : f32 to vector<16xf32>
      %swap3A_709 = arith.constant 32 : index
      %swap3A_710 = tpu.vector_load %arg9[%swap3A_709] {strides = array<i32>} : memref<3200xf32, #tpu.memory_space<vmem>>, vector<16xf32>,
      %swap3A_711 = vector.shape_cast %swap3A_710 : vector<16xf32> to vector<16xf32>
      %swap3A_712 = vector.shape_cast %broadcast_in_dim3A_708 : vector<16xf32> to vector<16xf32>
      tpu.vector_store %arg9[%swap3A_709], %swap3A_712 {strides = array<i32>} : memref<3200xf32, #tpu.memory_space<vmem>>, vector<16xf32>,
      %broadcast_in_dim3A_713 = arith.constant 0.000000e+00 : f32
      %broadcast_in_dim3A_714 = vector.broadcast %broadcast_in_dim3A_713 : f32 to vector<16xf32>
      %swap3A_715 = arith.constant 48 : index
      %swap3A_716 = tpu.vector_load %arg9[%swap3A_715] {strides = array<i32>} : memref<3200xf32, #tpu.memory_space<vmem>>, vector<16xf32>,
      %swap3A_717 = vector.shape_cast %swap3A_716 : vector<16xf32> to vector<16xf32>
      %swap3A_718 = vector.shape_cast %broadcast_in_dim3A_714 : vector<16xf32> to vector<16xf32>
      tpu.vector_store %arg9[%swap3A_715], %swap3A_718 {strides = array<i32>} : memref<3200xf32, #tpu.memory_space<vmem>>, vector<16xf32>,
      %broadcast_in_dim3A_719 = arith.constant 0.000000e+00 : f32
      %broadcast_in_dim3A_720 = vector.broadcast %broadcast_in_dim3A_719 : f32 to vector<16xf32>
      %swap3A_721 = arith.constant 64 : index
      %swap3A_722 = tpu.vector_load %arg9[%swap3A_721] {strides = array<i32>} : memref<3200xf32, #tpu.memory_space<vmem>>, vector<16xf32>,
      %swap3A_723 = vector.shape_cast %swap3A_722 : vector<16xf32> to vector<16xf32>
      %swap3A_724 = vector.shape_cast %broadcast_in_dim3A_720 : vector<16xf32> to vector<16xf32>
      tpu.vector_store %arg9[%swap3A_721], %swap3A_724 {strides = array<i32>} : memref<3200xf32, #tpu.memory_space<vmem>>, vector<16xf32>,
      %broadcast_in_dim3A_725 = arith.constant 0.000000e+00 : f32
      %broadcast_in_dim3A_726 = vector.broadcast %broadcast_in_dim3A_725 : f32 to vector<16xf32>
      %swap3A_727 = arith.constant 80 : index
      %swap3A_728 = tpu.vector_load %arg9[%swap3A_727] {strides = array<i32>} : memref<3200xf32, #tpu.memory_space<vmem>>, vector<16xf32>,
      %swap3A_729 = vector.shape_cast %swap3A_728 : vector<16xf32> to vector<16xf32>
      %swap3A_730 = vector.shape_cast %broadcast_in_dim3A_726 : vector<16xf32> to vector<16xf32>
      tpu.vector_store %arg9[%swap3A_727], %swap3A_730 {strides = array<i32>} : memref<3200xf32, #tpu.memory_space<vmem>>, vector<16xf32>,
      %broadcast_in_dim3A_731 = arith.constant 0.000000e+00 : f32
      %broadcast_in_dim3A_732 = vector.broadcast %broadcast_in_dim3A_731 : f32 to vector<16xf32>
      %swap3A_733 = arith.constant 96 : index
      %swap3A_734 = tpu.vector_load %arg9[%swap3A_733] {strides = array<i32>} : memref<3200xf32, #tpu.memory_space<vmem>>, vector<16xf32>,
      %swap3A_735 = vector.shape_cast %swap3A_734 : vector<16xf32> to vector<16xf32>
      %swap3A_736 = vector.shape_cast %broadcast_in_dim3A_732 : vector<16xf32> to vector<16xf32>
      tpu.vector_store %arg9[%swap3A_733], %swap3A_736 {strides = array<i32>} : memref<3200xf32, #tpu.memory_space<vmem>>, vector<16xf32>,
      %broadcast_in_dim3A_737 = arith.constant 0.000000e+00 : f32
      %broadcast_in_dim3A_738 = vector.broadcast %broadcast_in_dim3A_737 : f32 to vector<16xf32>
      %swap3A_739 = arith.constant 112 : index
      %swap3A_740 = tpu.vector_load %arg9[%swap3A_739] {strides = array<i32>} : memref<3200xf32, #tpu.memory_space<vmem>>, vector<16xf32>,
      %swap3A_741 = vector.shape_cast %swap3A_740 : vector<16xf32> to vector<16xf32>
      %swap3A_742 = vector.shape_cast %broadcast_in_dim3A_738 : vector<16xf32> to vector<16xf32>
      tpu.vector_store %arg9[%swap3A_739], %swap3A_742 {strides = array<i32>} : memref<3200xf32, #tpu.memory_space<vmem>>, vector<16xf32>,
      %broadcast_in_dim3A_743 = arith.constant 0.000000e+00 : f32
      %broadcast_in_dim3A_744 = vector.broadcast %broadcast_in_dim3A_743 : f32 to vector<16xf32>
      %swap3A_745 = arith.constant 128 : index
      %swap3A_746 = tpu.vector_load %arg9[%swap3A_745] {strides = array<i32>} : memref<3200xf32, #tpu.memory_space<vmem>>, vector<16xf32>,
      %swap3A_747 = vector.shape_cast %swap3A_746 : vector<16xf32> to vector<16xf32>
      %swap3A_748 = vector.shape_cast %broadcast_in_dim3A_744 : vector<16xf32> to vector<16xf32>
      tpu.vector_store %arg9[%swap3A_745], %swap3A_748 {strides = array<i32>} : memref<3200xf32, #tpu.memory_space<vmem>>, vector<16xf32>,
      %broadcast_in_dim3A_749 = arith.constant 0.000000e+00 : f32
      %broadcast_in_dim3A_750 = vector.broadcast %broadcast_in_dim3A_749 : f32 to vector<16xf32>
      %swap3A_751 = arith.constant 144 : index
      %swap3A_752 = tpu.vector_load %arg9[%swap3A_751] {strides = array<i32>} : memref<3200xf32, #tpu.memory_space<vmem>>, vector<16xf32>,
      %swap3A_753 = vector.shape_cast %swap3A_752 : vector<16xf32> to vector<16xf32>
      %swap3A_754 = vector.shape_cast %broadcast_in_dim3A_750 : vector<16xf32> to vector<16xf32>
      tpu.vector_store %arg9[%swap3A_751], %swap3A_754 {strides = array<i32>} : memref<3200xf32, #tpu.memory_space<vmem>>, vector<16xf32>,
      %broadcast_in_dim3A_755 = arith.constant 0.000000e+00 : f32
      %broadcast_in_dim3A_756 = vector.broadcast %broadcast_in_dim3A_755 : f32 to vector<16xf32>
      %swap3A_757 = arith.constant 160 : index
      %swap3A_758 = tpu.vector_load %arg9[%swap3A_757] {strides = array<i32>} : memref<3200xf32, #tpu.memory_space<vmem>>, vector<16xf32>,
      %swap3A_759 = vector.shape_cast %swap3A_758 : vector<16xf32> to vector<16xf32>
      %swap3A_760 = vector.shape_cast %broadcast_in_dim3A_756 : vector<16xf32> to vector<16xf32>
      tpu.vector_store %arg9[%swap3A_757], %swap3A_760 {strides = array<i32>} : memref<3200xf32, #tpu.memory_space<vmem>>, vector<16xf32>,
      %broadcast_in_dim3A_761 = arith.constant 0.000000e+00 : f32
      %broadcast_in_dim3A_762 = vector.broadcast %broadcast_in_dim3A_761 : f32 to vector<16xf32>
      %swap3A_763 = arith.constant 176 : index
      %swap3A_764 = tpu.vector_load %arg9[%swap3A_763] {strides = array<i32>} : memref<3200xf32, #tpu.memory_space<vmem>>, vector<16xf32>,
      %swap3A_765 = vector.shape_cast %swap3A_764 : vector<16xf32> to vector<16xf32>
      %swap3A_766 = vector.shape_cast %broadcast_in_dim3A_762 : vector<16xf32> to vector<16xf32>
      tpu.vector_store %arg9[%swap3A_763], %swap3A_766 {strides = array<i32>} : memref<3200xf32, #tpu.memory_space<vmem>>, vector<16xf32>,
      %broadcast_in_dim3A_767 = arith.constant 0.000000e+00 : f32
      %broadcast_in_dim3A_768 = vector.broadcast %broadcast_in_dim3A_767 : f32 to vector<16xf32>
      %swap3A_769 = arith.constant 192 : index
      %swap3A_770 = tpu.vector_load %arg9[%swap3A_769] {strides = array<i32>} : memref<3200xf32, #tpu.memory_space<vmem>>, vector<16xf32>,
      %swap3A_771 = vector.shape_cast %swap3A_770 : vector<16xf32> to vector<16xf32>
      %swap3A_772 = vector.shape_cast %broadcast_in_dim3A_768 : vector<16xf32> to vector<16xf32>
      tpu.vector_store %arg9[%swap3A_769], %swap3A_772 {strides = array<i32>} : memref<3200xf32, #tpu.memory_space<vmem>>, vector<16xf32>,
      %broadcast_in_dim3A_773 = arith.constant 0.000000e+00 : f32
      %broadcast_in_dim3A_774 = vector.broadcast %broadcast_in_dim3A_773 : f32 to vector<16xf32>
      %swap3A_775 = arith.constant 208 : index
      %swap3A_776 = tpu.vector_load %arg9[%swap3A_775] {strides = array<i32>} : memref<3200xf32, #tpu.memory_space<vmem>>, vector<16xf32>,
      %swap3A_777 = vector.shape_cast %swap3A_776 : vector<16xf32> to vector<16xf32>
      %swap3A_778 = vector.shape_cast %broadcast_in_dim3A_774 : vector<16xf32> to vector<16xf32>
      tpu.vector_store %arg9[%swap3A_775], %swap3A_778 {strides = array<i32>} : memref<3200xf32, #tpu.memory_space<vmem>>, vector<16xf32>,
      %broadcast_in_dim3A_779 = arith.constant 0.000000e+00 : f32
      %broadcast_in_dim3A_780 = vector.broadcast %broadcast_in_dim3A_779 : f32 to vector<16xf32>
      %swap3A_781 = arith.constant 224 : index
      %swap3A_782 = tpu.vector_load %arg9[%swap3A_781] {strides = array<i32>} : memref<3200xf32, #tpu.memory_space<vmem>>, vector<16xf32>,
      %swap3A_783 = vector.shape_cast %swap3A_782 : vector<16xf32> to vector<16xf32>
      %swap3A_784 = vector.shape_cast %broadcast_in_dim3A_780 : vector<16xf32> to vector<16xf32>
      tpu.vector_store %arg9[%swap3A_781], %swap3A_784 {strides = array<i32>} : memref<3200xf32, #tpu.memory_space<vmem>>, vector<16xf32>,
      %broadcast_in_dim3A_785 = arith.constant 0.000000e+00 : f32
      %broadcast_in_dim3A_786 = vector.broadcast %broadcast_in_dim3A_785 : f32 to vector<16xf32>
      %swap3A_787 = arith.constant 240 : index
      %swap3A_788 = tpu.vector_load %arg9[%swap3A_787] {strides = array<i32>} : memref<3200xf32, #tpu.memory_space<vmem>>, vector<16xf32>,
      %swap3A_789 = vector.shape_cast %swap3A_788 : vector<16xf32> to vector<16xf32>
      %swap3A_790 = vector.shape_cast %broadcast_in_dim3A_786 : vector<16xf32> to vector<16xf32>
      tpu.vector_store %arg9[%swap3A_787], %swap3A_790 {strides = array<i32>} : memref<3200xf32, #tpu.memory_space<vmem>>, vector<16xf32>,
      %broadcast_in_dim3A_791 = arith.constant 0.000000e+00 : f32
      %broadcast_in_dim3A_792 = vector.broadcast %broadcast_in_dim3A_791 : f32 to vector<16xf32>
      %swap3A_793 = arith.constant 256 : index
      %swap3A_794 = tpu.vector_load %arg9[%swap3A_793] {strides = array<i32>} : memref<3200xf32, #tpu.memory_space<vmem>>, vector<16xf32>,
      %swap3A_795 = vector.shape_cast %swap3A_794 : vector<16xf32> to vector<16xf32>
      %swap3A_796 = vector.shape_cast %broadcast_in_dim3A_792 : vector<16xf32> to vector<16xf32>
      tpu.vector_store %arg9[%swap3A_793], %swap3A_796 {strides = array<i32>} : memref<3200xf32, #tpu.memory_space<vmem>>, vector<16xf32>,
      %broadcast_in_dim3A_797 = arith.constant 0.000000e+00 : f32
      %broadcast_in_dim3A_798 = vector.broadcast %broadcast_in_dim3A_797 : f32 to vector<16xf32>
      %swap3A_799 = arith.constant 272 : index
      %swap3A_800 = tpu.vector_load %arg9[%swap3A_799] {strides = array<i32>} : memref<3200xf32, #tpu.memory_space<vmem>>, vector<16xf32>,
      %swap3A_801 = vector.shape_cast %swap3A_800 : vector<16xf32> to vector<16xf32>
      %swap3A_802 = vector.shape_cast %broadcast_in_dim3A_798 : vector<16xf32> to vector<16xf32>
      tpu.vector_store %arg9[%swap3A_799], %swap3A_802 {strides = array<i32>} : memref<3200xf32, #tpu.memory_space<vmem>>, vector<16xf32>,
      %broadcast_in_dim3A_803 = arith.constant 0.000000e+00 : f32
      %broadcast_in_dim3A_804 = vector.broadcast %broadcast_in_dim3A_803 : f32 to vector<16xf32>
      %swap3A_805 = arith.constant 288 : index
      %swap3A_806 = tpu.vector_load %arg9[%swap3A_805] {strides = array<i32>} : memref<3200xf32, #tpu.memory_space<vmem>>, vector<16xf32>,
      %swap3A_807 = vector.shape_cast %swap3A_806 : vector<16xf32> to vector<16xf32>
      %swap3A_808 = vector.shape_cast %broadcast_in_dim3A_804 : vector<16xf32> to vector<16xf32>
      tpu.vector_store %arg9[%swap3A_805], %swap3A_808 {strides = array<i32>} : memref<3200xf32, #tpu.memory_space<vmem>>, vector<16xf32>,
      %broadcast_in_dim3A_809 = arith.constant 0.000000e+00 : f32
      %broadcast_in_dim3A_810 = vector.broadcast %broadcast_in_dim3A_809 : f32 to vector<16xf32>
      %swap3A_811 = arith.constant 304 : index
      %swap3A_812 = tpu.vector_load %arg9[%swap3A_811] {strides = array<i32>} : memref<3200xf32, #tpu.memory_space<vmem>>, vector<16xf32>,
      %swap3A_813 = vector.shape_cast %swap3A_812 : vector<16xf32> to vector<16xf32>
      %swap3A_814 = vector.shape_cast %broadcast_in_dim3A_810 : vector<16xf32> to vector<16xf32>
      tpu.vector_store %arg9[%swap3A_811], %swap3A_814 {strides = array<i32>} : memref<3200xf32, #tpu.memory_space<vmem>>, vector<16xf32>,
      %broadcast_in_dim3A_815 = arith.constant 0.000000e+00 : f32
      %broadcast_in_dim3A_816 = vector.broadcast %broadcast_in_dim3A_815 : f32 to vector<16xf32>
      %swap3A_817 = arith.constant 320 : index
      %swap3A_818 = tpu.vector_load %arg9[%swap3A_817] {strides = array<i32>} : memref<3200xf32, #tpu.memory_space<vmem>>, vector<16xf32>,
      %swap3A_819 = vector.shape_cast %swap3A_818 : vector<16xf32> to vector<16xf32>
      %swap3A_820 = vector.shape_cast %broadcast_in_dim3A_816 : vector<16xf32> to vector<16xf32>
      tpu.vector_store %arg9[%swap3A_817], %swap3A_820 {strides = array<i32>} : memref<3200xf32, #tpu.memory_space<vmem>>, vector<16xf32>,
      %broadcast_in_dim3A_821 = arith.constant 0.000000e+00 : f32
      %broadcast_in_dim3A_822 = vector.broadcast %broadcast_in_dim3A_821 : f32 to vector<16xf32>
      %swap3A_823 = arith.constant 336 : index
      %swap3A_824 = tpu.vector_load %arg9[%swap3A_823] {strides = array<i32>} : memref<3200xf32, #tpu.memory_space<vmem>>, vector<16xf32>,
      %swap3A_825 = vector.shape_cast %swap3A_824 : vector<16xf32> to vector<16xf32>
      %swap3A_826 = vector.shape_cast %broadcast_in_dim3A_822 : vector<16xf32> to vector<16xf32>
      tpu.vector_store %arg9[%swap3A_823], %swap3A_826 {strides = array<i32>} : memref<3200xf32, #tpu.memory_space<vmem>>, vector<16xf32>,
      %broadcast_in_dim3A_827 = arith.constant 0.000000e+00 : f32
      %broadcast_in_dim3A_828 = vector.broadcast %broadcast_in_dim3A_827 : f32 to vector<16xf32>
      %swap3A_829 = arith.constant 352 : index
      %swap3A_830 = tpu.vector_load %arg9[%swap3A_829] {strides = array<i32>} : memref<3200xf32, #tpu.memory_space<vmem>>, vector<16xf32>,
      %swap3A_831 = vector.shape_cast %swap3A_830 : vector<16xf32> to vector<16xf32>
      %swap3A_832 = vector.shape_cast %broadcast_in_dim3A_828 : vector<16xf32> to vector<16xf32>
      tpu.vector_store %arg9[%swap3A_829], %swap3A_832 {strides = array<i32>} : memref<3200xf32, #tpu.memory_space<vmem>>, vector<16xf32>,
      %broadcast_in_dim3A_833 = arith.constant 0.000000e+00 : f32
      %broadcast_in_dim3A_834 = vector.broadcast %broadcast_in_dim3A_833 : f32 to vector<16xf32>
      %swap3A_835 = arith.constant 368 : index
      %swap3A_836 = tpu.vector_load %arg9[%swap3A_835] {strides = array<i32>} : memref<3200xf32, #tpu.memory_space<vmem>>, vector<16xf32>,
      %swap3A_837 = vector.shape_cast %swap3A_836 : vector<16xf32> to vector<16xf32>
      %swap3A_838 = vector.shape_cast %broadcast_in_dim3A_834 : vector<16xf32> to vector<16xf32>
      tpu.vector_store %arg9[%swap3A_835], %swap3A_838 {strides = array<i32>} : memref<3200xf32, #tpu.memory_space<vmem>>, vector<16xf32>,
      %broadcast_in_dim3A_839 = arith.constant 0.000000e+00 : f32
      %broadcast_in_dim3A_840 = vector.broadcast %broadcast_in_dim3A_839 : f32 to vector<16xf32>
      %swap3A_841 = arith.constant 384 : index
      %swap3A_842 = tpu.vector_load %arg9[%swap3A_841] {strides = array<i32>} : memref<3200xf32, #tpu.memory_space<vmem>>, vector<16xf32>,
      %swap3A_843 = vector.shape_cast %swap3A_842 : vector<16xf32> to vector<16xf32>
      %swap3A_844 = vector.shape_cast %broadcast_in_dim3A_840 : vector<16xf32> to vector<16xf32>
      tpu.vector_store %arg9[%swap3A_841], %swap3A_844 {strides = array<i32>} : memref<3200xf32, #tpu.memory_space<vmem>>, vector<16xf32>,
      %broadcast_in_dim3A_845 = arith.constant 0.000000e+00 : f32
      %broadcast_in_dim3A_846 = vector.broadcast %broadcast_in_dim3A_845 : f32 to vector<16xf32>
      %swap3A_847 = arith.constant 400 : index
      %swap3A_848 = tpu.vector_load %arg9[%swap3A_847] {strides = array<i32>} : memref<3200xf32, #tpu.memory_space<vmem>>, vector<16xf32>,
      %swap3A_849 = vector.shape_cast %swap3A_848 : vector<16xf32> to vector<16xf32>
      %swap3A_850 = vector.shape_cast %broadcast_in_dim3A_846 : vector<16xf32> to vector<16xf32>
      tpu.vector_store %arg9[%swap3A_847], %swap3A_850 {strides = array<i32>} : memref<3200xf32, #tpu.memory_space<vmem>>, vector<16xf32>,
      %broadcast_in_dim3A_851 = arith.constant 0.000000e+00 : f32
      %broadcast_in_dim3A_852 = vector.broadcast %broadcast_in_dim3A_851 : f32 to vector<16xf32>
      %swap3A_853 = arith.constant 416 : index
      %swap3A_854 = tpu.vector_load %arg9[%swap3A_853] {strides = array<i32>} : memref<3200xf32, #tpu.memory_space<vmem>>, vector<16xf32>,
      %swap3A_855 = vector.shape_cast %swap3A_854 : vector<16xf32> to vector<16xf32>
      %swap3A_856 = vector.shape_cast %broadcast_in_dim3A_852 : vector<16xf32> to vector<16xf32>
      tpu.vector_store %arg9[%swap3A_853], %swap3A_856 {strides = array<i32>} : memref<3200xf32, #tpu.memory_space<vmem>>, vector<16xf32>,
      %broadcast_in_dim3A_857 = arith.constant 0.000000e+00 : f32
      %broadcast_in_dim3A_858 = vector.broadcast %broadcast_in_dim3A_857 : f32 to vector<16xf32>
      %swap3A_859 = arith.constant 432 : index
      %swap3A_860 = tpu.vector_load %arg9[%swap3A_859] {strides = array<i32>} : memref<3200xf32, #tpu.memory_space<vmem>>, vector<16xf32>,
      %swap3A_861 = vector.shape_cast %swap3A_860 : vector<16xf32> to vector<16xf32>
      %swap3A_862 = vector.shape_cast %broadcast_in_dim3A_858 : vector<16xf32> to vector<16xf32>
      tpu.vector_store %arg9[%swap3A_859], %swap3A_862 {strides = array<i32>} : memref<3200xf32, #tpu.memory_space<vmem>>, vector<16xf32>,
      %broadcast_in_dim3A_863 = arith.constant 0.000000e+00 : f32
      %broadcast_in_dim3A_864 = vector.broadcast %broadcast_in_dim3A_863 : f32 to vector<16xf32>
      %swap3A_865 = arith.constant 448 : index
      %swap3A_866 = tpu.vector_load %arg9[%swap3A_865] {strides = array<i32>} : memref<3200xf32, #tpu.memory_space<vmem>>, vector<16xf32>,
      %swap3A_867 = vector.shape_cast %swap3A_866 : vector<16xf32> to vector<16xf32>
      %swap3A_868 = vector.shape_cast %broadcast_in_dim3A_864 : vector<16xf32> to vector<16xf32>
      tpu.vector_store %arg9[%swap3A_865], %swap3A_868 {strides = array<i32>} : memref<3200xf32, #tpu.memory_space<vmem>>, vector<16xf32>,
      %broadcast_in_dim3A_869 = arith.constant 0.000000e+00 : f32
      %broadcast_in_dim3A_870 = vector.broadcast %broadcast_in_dim3A_869 : f32 to vector<16xf32>
      %swap3A_871 = arith.constant 464 : index
      %swap3A_872 = tpu.vector_load %arg9[%swap3A_871] {strides = array<i32>} : memref<3200xf32, #tpu.memory_space<vmem>>, vector<16xf32>,
      %swap3A_873 = vector.shape_cast %swap3A_872 : vector<16xf32> to vector<16xf32>
      %swap3A_874 = vector.shape_cast %broadcast_in_dim3A_870 : vector<16xf32> to vector<16xf32>
      tpu.vector_store %arg9[%swap3A_871], %swap3A_874 {strides = array<i32>} : memref<3200xf32, #tpu.memory_space<vmem>>, vector<16xf32>,
      %broadcast_in_dim3A_875 = arith.constant 0.000000e+00 : f32
      %broadcast_in_dim3A_876 = vector.broadcast %broadcast_in_dim3A_875 : f32 to vector<16xf32>
      %swap3A_877 = arith.constant 480 : index
      %swap3A_878 = tpu.vector_load %arg9[%swap3A_877] {strides = array<i32>} : memref<3200xf32, #tpu.memory_space<vmem>>, vector<16xf32>,
      %swap3A_879 = vector.shape_cast %swap3A_878 : vector<16xf32> to vector<16xf32>
      %swap3A_880 = vector.shape_cast %broadcast_in_dim3A_876 : vector<16xf32> to vector<16xf32>
      tpu.vector_store %arg9[%swap3A_877], %swap3A_880 {strides = array<i32>} : memref<3200xf32, #tpu.memory_space<vmem>>, vector<16xf32>,
      %broadcast_in_dim3A_881 = arith.constant 0.000000e+00 : f32
      %broadcast_in_dim3A_882 = vector.broadcast %broadcast_in_dim3A_881 : f32 to vector<16xf32>
      %swap3A_883 = arith.constant 496 : index
      %swap3A_884 = tpu.vector_load %arg9[%swap3A_883] {strides = array<i32>} : memref<3200xf32, #tpu.memory_space<vmem>>, vector<16xf32>,
      %swap3A_885 = vector.shape_cast %swap3A_884 : vector<16xf32> to vector<16xf32>
      %swap3A_886 = vector.shape_cast %broadcast_in_dim3A_882 : vector<16xf32> to vector<16xf32>
      tpu.vector_store %arg9[%swap3A_883], %swap3A_886 {strides = array<i32>} : memref<3200xf32, #tpu.memory_space<vmem>>, vector<16xf32>,
      %broadcast_in_dim3A_887 = arith.constant 0.000000e+00 : f32
      %broadcast_in_dim3A_888 = vector.broadcast %broadcast_in_dim3A_887 : f32 to vector<16xf32>
      %swap3A_889 = arith.constant 512 : index
      %swap3A_890 = tpu.vector_load %arg9[%swap3A_889] {strides = array<i32>} : memref<3200xf32, #tpu.memory_space<vmem>>, vector<16xf32>,
      %swap3A_891 = vector.shape_cast %swap3A_890 : vector<16xf32> to vector<16xf32>
      %swap3A_892 = vector.shape_cast %broadcast_in_dim3A_888 : vector<16xf32> to vector<16xf32>
      tpu.vector_store %arg9[%swap3A_889], %swap3A_892 {strides = array<i32>} : memref<3200xf32, #tpu.memory_space<vmem>>, vector<16xf32>,
      %broadcast_in_dim3A_893 = arith.constant 0.000000e+00 : f32
      %broadcast_in_dim3A_894 = vector.broadcast %broadcast_in_dim3A_893 : f32 to vector<16xf32>
      %swap3A_895 = arith.constant 528 : index
      %swap3A_896 = tpu.vector_load %arg9[%swap3A_895] {strides = array<i32>} : memref<3200xf32, #tpu.memory_space<vmem>>, vector<16xf32>,
      %swap3A_897 = vector.shape_cast %swap3A_896 : vector<16xf32> to vector<16xf32>
      %swap3A_898 = vector.shape_cast %broadcast_in_dim3A_894 : vector<16xf32> to vector<16xf32>
      tpu.vector_store %arg9[%swap3A_895], %swap3A_898 {strides = array<i32>} : memref<3200xf32, #tpu.memory_space<vmem>>, vector<16xf32>,
      %broadcast_in_dim3A_899 = arith.constant 0.000000e+00 : f32
      %broadcast_in_dim3A_900 = vector.broadcast %broadcast_in_dim3A_899 : f32 to vector<16xf32>
      %swap3A_901 = arith.constant 544 : index
      %swap3A_902 = tpu.vector_load %arg9[%swap3A_901] {strides = array<i32>} : memref<3200xf32, #tpu.memory_space<vmem>>, vector<16xf32>,
      %swap3A_903 = vector.shape_cast %swap3A_902 : vector<16xf32> to vector<16xf32>
      %swap3A_904 = vector.shape_cast %broadcast_in_dim3A_900 : vector<16xf32> to vector<16xf32>
      tpu.vector_store %arg9[%swap3A_901], %swap3A_904 {strides = array<i32>} : memref<3200xf32, #tpu.memory_space<vmem>>, vector<16xf32>,
      %broadcast_in_dim3A_905 = arith.constant 0.000000e+00 : f32
      %broadcast_in_dim3A_906 = vector.broadcast %broadcast_in_dim3A_905 : f32 to vector<16xf32>
      %swap3A_907 = arith.constant 560 : index
      %swap3A_908 = tpu.vector_load %arg9[%swap3A_907] {strides = array<i32>} : memref<3200xf32, #tpu.memory_space<vmem>>, vector<16xf32>,
      %swap3A_909 = vector.shape_cast %swap3A_908 : vector<16xf32> to vector<16xf32>
      %swap3A_910 = vector.shape_cast %broadcast_in_dim3A_906 : vector<16xf32> to vector<16xf32>
      tpu.vector_store %arg9[%swap3A_907], %swap3A_910 {strides = array<i32>} : memref<3200xf32, #tpu.memory_space<vmem>>, vector<16xf32>,
      %broadcast_in_dim3A_911 = arith.constant 0.000000e+00 : f32
      %broadcast_in_dim3A_912 = vector.broadcast %broadcast_in_dim3A_911 : f32 to vector<16xf32>
      %swap3A_913 = arith.constant 576 : index
      %swap3A_914 = tpu.vector_load %arg9[%swap3A_913] {strides = array<i32>} : memref<3200xf32, #tpu.memory_space<vmem>>, vector<16xf32>,
      %swap3A_915 = vector.shape_cast %swap3A_914 : vector<16xf32> to vector<16xf32>
      %swap3A_916 = vector.shape_cast %broadcast_in_dim3A_912 : vector<16xf32> to vector<16xf32>
      tpu.vector_store %arg9[%swap3A_913], %swap3A_916 {strides = array<i32>} : memref<3200xf32, #tpu.memory_space<vmem>>, vector<16xf32>,
      %broadcast_in_dim3A_917 = arith.constant 0.000000e+00 : f32
      %broadcast_in_dim3A_918 = vector.broadcast %broadcast_in_dim3A_917 : f32 to vector<16xf32>
      %swap3A_919 = arith.constant 592 : index
      %swap3A_920 = tpu.vector_load %arg9[%swap3A_919] {strides = array<i32>} : memref<3200xf32, #tpu.memory_space<vmem>>, vector<16xf32>,
      %swap3A_921 = vector.shape_cast %swap3A_920 : vector<16xf32> to vector<16xf32>
      %swap3A_922 = vector.shape_cast %broadcast_in_dim3A_918 : vector<16xf32> to vector<16xf32>
      tpu.vector_store %arg9[%swap3A_919], %swap3A_922 {strides = array<i32>} : memref<3200xf32, #tpu.memory_space<vmem>>, vector<16xf32>,
      %broadcast_in_dim3A_923 = arith.constant 0.000000e+00 : f32
      %broadcast_in_dim3A_924 = vector.broadcast %broadcast_in_dim3A_923 : f32 to vector<16xf32>
      %swap3A_925 = arith.constant 608 : index
      %swap3A_926 = tpu.vector_load %arg9[%swap3A_925] {strides = array<i32>} : memref<3200xf32, #tpu.memory_space<vmem>>, vector<16xf32>,
      %swap3A_927 = vector.shape_cast %swap3A_926 : vector<16xf32> to vector<16xf32>
      %swap3A_928 = vector.shape_cast %broadcast_in_dim3A_924 : vector<16xf32> to vector<16xf32>
      tpu.vector_store %arg9[%swap3A_925], %swap3A_928 {strides = array<i32>} : memref<3200xf32, #tpu.memory_space<vmem>>, vector<16xf32>,
      %broadcast_in_dim3A_929 = arith.constant 0.000000e+00 : f32
      %broadcast_in_dim3A_930 = vector.broadcast %broadcast_in_dim3A_929 : f32 to vector<16xf32>
      %swap3A_931 = arith.constant 624 : index
      %swap3A_932 = tpu.vector_load %arg9[%swap3A_931] {strides = array<i32>} : memref<3200xf32, #tpu.memory_space<vmem>>, vector<16xf32>,
      %swap3A_933 = vector.shape_cast %swap3A_932 : vector<16xf32> to vector<16xf32>
      %swap3A_934 = vector.shape_cast %broadcast_in_dim3A_930 : vector<16xf32> to vector<16xf32>
      tpu.vector_store %arg9[%swap3A_931], %swap3A_934 {strides = array<i32>} : memref<3200xf32, #tpu.memory_space<vmem>>, vector<16xf32>,
      %broadcast_in_dim3A_935 = arith.constant 0.000000e+00 : f32
      %broadcast_in_dim3A_936 = vector.broadcast %broadcast_in_dim3A_935 : f32 to vector<16xf32>
      %swap3A_937 = arith.constant 640 : index
      %swap3A_938 = tpu.vector_load %arg9[%swap3A_937] {strides = array<i32>} : memref<3200xf32, #tpu.memory_space<vmem>>, vector<16xf32>,
      %swap3A_939 = vector.shape_cast %swap3A_938 : vector<16xf32> to vector<16xf32>
      %swap3A_940 = vector.shape_cast %broadcast_in_dim3A_936 : vector<16xf32> to vector<16xf32>
      tpu.vector_store %arg9[%swap3A_937], %swap3A_940 {strides = array<i32>} : memref<3200xf32, #tpu.memory_space<vmem>>, vector<16xf32>,
      %broadcast_in_dim3A_941 = arith.constant 0.000000e+00 : f32
      %broadcast_in_dim3A_942 = vector.broadcast %broadcast_in_dim3A_941 : f32 to vector<16xf32>
      %swap3A_943 = arith.constant 656 : index
      %swap3A_944 = tpu.vector_load %arg9[%swap3A_943] {strides = array<i32>} : memref<3200xf32, #tpu.memory_space<vmem>>, vector<16xf32>,
      %swap3A_945 = vector.shape_cast %swap3A_944 : vector<16xf32> to vector<16xf32>
      %swap3A_946 = vector.shape_cast %broadcast_in_dim3A_942 : vector<16xf32> to vector<16xf32>
      tpu.vector_store %arg9[%swap3A_943], %swap3A_946 {strides = array<i32>} : memref<3200xf32, #tpu.memory_space<vmem>>, vector<16xf32>,
      %broadcast_in_dim3A_947 = arith.constant 0.000000e+00 : f32
      %broadcast_in_dim3A_948 = vector.broadcast %broadcast_in_dim3A_947 : f32 to vector<16xf32>
      %swap3A_949 = arith.constant 672 : index
      %swap3A_950 = tpu.vector_load %arg9[%swap3A_949] {strides = array<i32>} : memref<3200xf32, #tpu.memory_space<vmem>>, vector<16xf32>,
      %swap3A_951 = vector.shape_cast %swap3A_950 : vector<16xf32> to vector<16xf32>
      %swap3A_952 = vector.shape_cast %broadcast_in_dim3A_948 : vector<16xf32> to vector<16xf32>
      tpu.vector_store %arg9[%swap3A_949], %swap3A_952 {strides = array<i32>} : memref<3200xf32, #tpu.memory_space<vmem>>, vector<16xf32>,
      %broadcast_in_dim3A_953 = arith.constant 0.000000e+00 : f32
      %broadcast_in_dim3A_954 = vector.broadcast %broadcast_in_dim3A_953 : f32 to vector<16xf32>
      %swap3A_955 = arith.constant 688 : index
      %swap3A_956 = tpu.vector_load %arg9[%swap3A_955] {strides = array<i32>} : memref<3200xf32, #tpu.memory_space<vmem>>, vector<16xf32>,
      %swap3A_957 = vector.shape_cast %swap3A_956 : vector<16xf32> to vector<16xf32>
      %swap3A_958 = vector.shape_cast %broadcast_in_dim3A_954 : vector<16xf32> to vector<16xf32>
      tpu.vector_store %arg9[%swap3A_955], %swap3A_958 {strides = array<i32>} : memref<3200xf32, #tpu.memory_space<vmem>>, vector<16xf32>,
      %broadcast_in_dim3A_959 = arith.constant 0.000000e+00 : f32
      %broadcast_in_dim3A_960 = vector.broadcast %broadcast_in_dim3A_959 : f32 to vector<16xf32>
      %swap3A_961 = arith.constant 704 : index
      %swap3A_962 = tpu.vector_load %arg9[%swap3A_961] {strides = array<i32>} : memref<3200xf32, #tpu.memory_space<vmem>>, vector<16xf32>,
      %swap3A_963 = vector.shape_cast %swap3A_962 : vector<16xf32> to vector<16xf32>
      %swap3A_964 = vector.shape_cast %broadcast_in_dim3A_960 : vector<16xf32> to vector<16xf32>
      tpu.vector_store %arg9[%swap3A_961], %swap3A_964 {strides = array<i32>} : memref<3200xf32, #tpu.memory_space<vmem>>, vector<16xf32>,
      %broadcast_in_dim3A_965 = arith.constant 0.000000e+00 : f32
      %broadcast_in_dim3A_966 = vector.broadcast %broadcast_in_dim3A_965 : f32 to vector<16xf32>
      %swap3A_967 = arith.constant 720 : index
      %swap3A_968 = tpu.vector_load %arg9[%swap3A_967] {strides = array<i32>} : memref<3200xf32, #tpu.memory_space<vmem>>, vector<16xf32>,
      %swap3A_969 = vector.shape_cast %swap3A_968 : vector<16xf32> to vector<16xf32>
      %swap3A_970 = vector.shape_cast %broadcast_in_dim3A_966 : vector<16xf32> to vector<16xf32>
      tpu.vector_store %arg9[%swap3A_967], %swap3A_970 {strides = array<i32>} : memref<3200xf32, #tpu.memory_space<vmem>>, vector<16xf32>,
      %broadcast_in_dim3A_971 = arith.constant 0.000000e+00 : f32
      %broadcast_in_dim3A_972 = vector.broadcast %broadcast_in_dim3A_971 : f32 to vector<16xf32>
      %swap3A_973 = arith.constant 736 : index
      %swap3A_974 = tpu.vector_load %arg9[%swap3A_973] {strides = array<i32>} : memref<3200xf32, #tpu.memory_space<vmem>>, vector<16xf32>,
      %swap3A_975 = vector.shape_cast %swap3A_974 : vector<16xf32> to vector<16xf32>
      %swap3A_976 = vector.shape_cast %broadcast_in_dim3A_972 : vector<16xf32> to vector<16xf32>
      tpu.vector_store %arg9[%swap3A_973], %swap3A_976 {strides = array<i32>} : memref<3200xf32, #tpu.memory_space<vmem>>, vector<16xf32>,
      %broadcast_in_dim3A_977 = arith.constant 0.000000e+00 : f32
      %broadcast_in_dim3A_978 = vector.broadcast %broadcast_in_dim3A_977 : f32 to vector<16xf32>
      %swap3A_979 = arith.constant 752 : index
      %swap3A_980 = tpu.vector_load %arg9[%swap3A_979] {strides = array<i32>} : memref<3200xf32, #tpu.memory_space<vmem>>, vector<16xf32>,
      %swap3A_981 = vector.shape_cast %swap3A_980 : vector<16xf32> to vector<16xf32>
      %swap3A_982 = vector.shape_cast %broadcast_in_dim3A_978 : vector<16xf32> to vector<16xf32>
      tpu.vector_store %arg9[%swap3A_979], %swap3A_982 {strides = array<i32>} : memref<3200xf32, #tpu.memory_space<vmem>>, vector<16xf32>,
      %broadcast_in_dim3A_983 = arith.constant 0.000000e+00 : f32
      %broadcast_in_dim3A_984 = vector.broadcast %broadcast_in_dim3A_983 : f32 to vector<16xf32>
      %swap3A_985 = arith.constant 768 : index
      %swap3A_986 = tpu.vector_load %arg9[%swap3A_985] {strides = array<i32>} : memref<3200xf32, #tpu.memory_space<vmem>>, vector<16xf32>,
      %swap3A_987 = vector.shape_cast %swap3A_986 : vector<16xf32> to vector<16xf32>
      %swap3A_988 = vector.shape_cast %broadcast_in_dim3A_984 : vector<16xf32> to vector<16xf32>
      tpu.vector_store %arg9[%swap3A_985], %swap3A_988 {strides = array<i32>} : memref<3200xf32, #tpu.memory_space<vmem>>, vector<16xf32>,
      %broadcast_in_dim3A_989 = arith.constant 0.000000e+00 : f32
      %broadcast_in_dim3A_990 = vector.broadcast %broadcast_in_dim3A_989 : f32 to vector<16xf32>
      %swap3A_991 = arith.constant 784 : index
      %swap3A_992 = tpu.vector_load %arg9[%swap3A_991] {strides = array<i32>} : memref<3200xf32, #tpu.memory_space<vmem>>, vector<16xf32>,
      %swap3A_993 = vector.shape_cast %swap3A_992 : vector<16xf32> to vector<16xf32>
      %swap3A_994 = vector.shape_cast %broadcast_in_dim3A_990 : vector<16xf32> to vector<16xf32>
      tpu.vector_store %arg9[%swap3A_991], %swap3A_994 {strides = array<i32>} : memref<3200xf32, #tpu.memory_space<vmem>>, vector<16xf32>,
      %iota3A_995 = tpu.iota {dimensions = array<i32: 0>} : vector<16xi32>
      %scan3A_996 = arith.constant 0 : i32
      %scan3A_997 = arith.constant 4.000000e+01 : f32
      %scan3A_998 = arith.constant 0 : i32
      %scan3A_999 = arith.constant 64 : i32
      %scan3A_1000 = arith.addi %scan3A_998, %scan3A_999 : i32
      %scan3A_1001 = arith.constant 1 : i32
      scf.for %scan3A_1008 = %scan3A_998 to %scan3A_1000 step %scan3A_1001  : i32 {
        %get3A = arith.index_cast %scan3A_1008 : i32 to index
        %get3A_1009 = tpu.vector_load %arg6[%get3A] {strides = array<i32>} : memref<80xi32, #tpu.memory_space<vmem>>, vector<16xi32>,
        %get3A_1010 = vector.shape_cast %get3A_1009 : vector<16xi32> to vector<16xi32>
        %slice3A = vector.extract_strided_slice %get3A_1010 {offsets = [0], sizes = [1], strides = [1]} : vector<16xi32> to vector<1xi32>
        %squeeze3A = vector.extract %slice3A[0] : i32 from vector<1xi32>
        %eq3A_1011 = arith.cmpi eq, %squeeze3A, %select_n3A_674 : i32
        %convert_element_type3A_1012 = arith.extui %eq3A_1011 : i1 to i32
        %cond3A_1013 = arith.constant 0 : i32
        %cond3A_1014 = arith.cmpi ne, %convert_element_type3A_1012, %cond3A_1013 : i32
        scf.if %cond3A_1014 {
          %mul3A_1015 = arith.constant 4 : i32
          %mul3A_1016 = arith.muli %mul3A_1015, %scan3A_1008 : i32
          %get3A_1017 = arith.index_cast %mul3A_1016 : i32 to index
          %get3A_1018 = tpu.vector_load %arg7[%get3A_1017] {strides = array<i32>} : memref<272xf32, #tpu.memory_space<vmem>>, vector<16xf32>,
          %get3A_1019 = vector.shape_cast %get3A_1018 : vector<16xf32> to vector<16xf32>
          %slice3A_1020 = vector.extract_strided_slice %get3A_1019 {offsets = [0], sizes = [1], strides = [1]} : vector<16xf32> to vector<1xf32>
          %squeeze3A_1021 = vector.extract %slice3A_1020[0] : f32 from vector<1xf32>
          %mul3A_1022 = arith.mulf %squeeze3A_1021, %scan3A_997 : f32
          %convert_element_type3A_1023 = arith.fptosi %mul3A_1022 : f32 to i32
          %mul3A_1024 = arith.constant 4 : i32
          %mul3A_1025 = arith.muli %mul3A_1024, %scan3A_1008 : i32
          %add3A_1026 = arith.constant 1 : i32
          %add3A_1027 = arith.addi %mul3A_1025, %add3A_1026 : i32
          %get3A_1028 = arith.index_cast %add3A_1027 : i32 to index
          %get3A_1029 = tpu.vector_load %arg7[%get3A_1028] {strides = array<i32>} : memref<272xf32, #tpu.memory_space<vmem>>, vector<16xf32>,
          %get3A_1030 = vector.shape_cast %get3A_1029 : vector<16xf32> to vector<16xf32>
          %slice3A_1031 = vector.extract_strided_slice %get3A_1030 {offsets = [0], sizes = [1], strides = [1]} : vector<16xf32> to vector<1xf32>
          %squeeze3A_1032 = vector.extract %slice3A_1031[0] : f32 from vector<1xf32>
          %mul3A_1033 = arith.mulf %squeeze3A_1032, %scan3A_997 : f32
          %convert_element_type3A_1034 = arith.fptosi %mul3A_1033 : f32 to i32
          %mul3A_1035 = arith.constant 4 : i32
          %mul3A_1036 = arith.muli %mul3A_1035, %scan3A_1008 : i32
          %add3A_1037 = arith.constant 2 : i32
          %add3A_1038 = arith.addi %mul3A_1036, %add3A_1037 : i32
          %get3A_1039 = arith.index_cast %add3A_1038 : i32 to index
          %get3A_1040 = tpu.vector_load %arg7[%get3A_1039] {strides = array<i32>} : memref<272xf32, #tpu.memory_space<vmem>>, vector<16xf32>,
          %get3A_1041 = vector.shape_cast %get3A_1040 : vector<16xf32> to vector<16xf32>
          %slice3A_1042 = vector.extract_strided_slice %get3A_1041 {offsets = [0], sizes = [1], strides = [1]} : vector<16xf32> to vector<1xf32>
          %squeeze3A_1043 = vector.extract %slice3A_1042[0] : f32 from vector<1xf32>
          %mul3A_1044 = arith.mulf %squeeze3A_1043, %scan3A_997 : f32
          %convert_element_type3A_1045 = arith.fptosi %mul3A_1044 : f32 to i32
          %mul3A_1046 = arith.constant 4 : i32
          %mul3A_1047 = arith.muli %mul3A_1046, %scan3A_1008 : i32
          %add3A_1048 = arith.constant 3 : i32
          %add3A_1049 = arith.addi %mul3A_1047, %add3A_1048 : i32
          %get3A_1050 = arith.index_cast %add3A_1049 : i32 to index
          %get3A_1051 = tpu.vector_load %arg7[%get3A_1050] {strides = array<i32>} : memref<272xf32, #tpu.memory_space<vmem>>, vector<16xf32>,
          %get3A_1052 = vector.shape_cast %get3A_1051 : vector<16xf32> to vector<16xf32>
          %slice3A_1053 = vector.extract_strided_slice %get3A_1052 {offsets = [0], sizes = [1], strides = [1]} : vector<16xf32> to vector<1xf32>
          %squeeze3A_1054 = vector.extract %slice3A_1053[0] : f32 from vector<1xf32>
          %mul3A_1055 = arith.mulf %squeeze3A_1054, %scan3A_997 : f32
          %convert_element_type3A_1056 = arith.fptosi %mul3A_1055 : f32 to i32
          %jit3A_1057 = arith.constant 2 : i32
          %div3A_1058 = arith.divsi %convert_element_type3A_1045, %jit3A_1057 : i32
          %sign3A_1059 = arith.constant 0 : i32
          %sign3A_1060 = arith.cmpi sgt, %convert_element_type3A_1045, %sign3A_1059 : i32
          %sign3A_1061 = arith.extui %sign3A_1060 : i1 to i32
          %sign3A_1062 = arith.constant 0 : i32
          %sign3A_1063 = arith.cmpi slt, %convert_element_type3A_1045, %sign3A_1062 : i32
          %sign3A_1064 = arith.extui %sign3A_1063 : i1 to i32
          %sign3A_1065 = arith.subi %sign3A_1061, %sign3A_1064 : i32
          %sign3A_1066 = arith.constant 0 : i32
          %sign3A_1067 = arith.cmpi sgt, %jit3A_1057, %sign3A_1066 : i32
          %sign3A_1068 = arith.extui %sign3A_1067 : i1 to i32
          %sign3A_1069 = arith.constant 0 : i32
          %sign3A_1070 = arith.cmpi slt, %jit3A_1057, %sign3A_1069 : i32
          %sign3A_1071 = arith.extui %sign3A_1070 : i1 to i32
          %sign3A_1072 = arith.subi %sign3A_1068, %sign3A_1071 : i32
          %ne3A_1073 = arith.cmpi ne, %sign3A_1065, %sign3A_1072 : i32
          %rem3A_1074 = arith.remsi %convert_element_type3A_1045, %jit3A_1057 : i32
          %ne3A_1075 = arith.constant 0 : i32
          %ne3A_1076 = arith.cmpi ne, %rem3A_1074, %ne3A_1075 : i32
          %and3A_1077 = arith.andi %ne3A_1073, %ne3A_1076 : i1
          %sub3A_1078 = arith.constant 1 : i32
          %sub3A_1079 = arith.subi %div3A_1058, %sub3A_1078 : i32
          %select_n3A_1080 = arith.select %and3A_1077, %sub3A_1079, %div3A_1058 : i32
          %sub3A_1081 = arith.subi %convert_element_type3A_1023, %select_n3A_1080 : i32
          %max3A = arith.constant 0 : i32
          %max3A_1082 = arith.maxsi %sub3A_1081, %max3A : i32
          %jit3A_1083 = arith.constant 2 : i32
          %div3A_1084 = arith.divsi %convert_element_type3A_1056, %jit3A_1083 : i32
          %sign3A_1085 = arith.constant 0 : i32
          %sign3A_1086 = arith.cmpi sgt, %convert_element_type3A_1056, %sign3A_1085 : i32
          %sign3A_1087 = arith.extui %sign3A_1086 : i1 to i32
          %sign3A_1088 = arith.constant 0 : i32
          %sign3A_1089 = arith.cmpi slt, %convert_element_type3A_1056, %sign3A_1088 : i32
          %sign3A_1090 = arith.extui %sign3A_1089 : i1 to i32
          %sign3A_1091 = arith.subi %sign3A_1087, %sign3A_1090 : i32
          %sign3A_1092 = arith.constant 0 : i32
          %sign3A_1093 = arith.cmpi sgt, %jit3A_1083, %sign3A_1092 : i32
          %sign3A_1094 = arith.extui %sign3A_1093 : i1 to i32
          %sign3A_1095 = arith.constant 0 : i32
          %sign3A_1096 = arith.cmpi slt, %jit3A_1083, %sign3A_1095 : i32
          %sign3A_1097 = arith.extui %sign3A_1096 : i1 to i32
          %sign3A_1098 = arith.subi %sign3A_1094, %sign3A_1097 : i32
          %ne3A_1099 = arith.cmpi ne, %sign3A_1091, %sign3A_1098 : i32
          %rem3A_1100 = arith.remsi %convert_element_type3A_1056, %jit3A_1083 : i32
          %ne3A_1101 = arith.constant 0 : i32
          %ne3A_1102 = arith.cmpi ne, %rem3A_1100, %ne3A_1101 : i32
          %and3A_1103 = arith.andi %ne3A_1099, %ne3A_1102 : i1
          %sub3A_1104 = arith.constant 1 : i32
          %sub3A_1105 = arith.subi %div3A_1084, %sub3A_1104 : i32
          %select_n3A_1106 = arith.select %and3A_1103, %sub3A_1105, %div3A_1084 : i32
          %sub3A_1107 = arith.subi %convert_element_type3A_1034, %select_n3A_1106 : i32
          %max3A_1108 = arith.constant 0 : i32
          %max3A_1109 = arith.maxsi %sub3A_1107, %max3A_1108 : i32
          %jit3A_1110 = arith.constant 2 : i32
          %div3A_1111 = arith.divsi %convert_element_type3A_1045, %jit3A_1110 : i32
          %sign3A_1112 = arith.constant 0 : i32
          %sign3A_1113 = arith.cmpi sgt, %convert_element_type3A_1045, %sign3A_1112 : i32
          %sign3A_1114 = arith.extui %sign3A_1113 : i1 to i32
          %sign3A_1115 = arith.constant 0 : i32
          %sign3A_1116 = arith.cmpi slt, %convert_element_type3A_1045, %sign3A_1115 : i32
          %sign3A_1117 = arith.extui %sign3A_1116 : i1 to i32
          %sign3A_1118 = arith.subi %sign3A_1114, %sign3A_1117 : i32
          %sign3A_1119 = arith.constant 0 : i32
          %sign3A_1120 = arith.cmpi sgt, %jit3A_1110, %sign3A_1119 : i32
          %sign3A_1121 = arith.extui %sign3A_1120 : i1 to i32
          %sign3A_1122 = arith.constant 0 : i32
          %sign3A_1123 = arith.cmpi slt, %jit3A_1110, %sign3A_1122 : i32
          %sign3A_1124 = arith.extui %sign3A_1123 : i1 to i32
          %sign3A_1125 = arith.subi %sign3A_1121, %sign3A_1124 : i32
          %ne3A_1126 = arith.cmpi ne, %sign3A_1118, %sign3A_1125 : i32
          %rem3A_1127 = arith.remsi %convert_element_type3A_1045, %jit3A_1110 : i32
          %ne3A_1128 = arith.constant 0 : i32
          %ne3A_1129 = arith.cmpi ne, %rem3A_1127, %ne3A_1128 : i32
          %and3A_1130 = arith.andi %ne3A_1126, %ne3A_1129 : i1
          %sub3A_1131 = arith.constant 1 : i32
          %sub3A_1132 = arith.subi %div3A_1111, %sub3A_1131 : i32
          %select_n3A_1133 = arith.select %and3A_1130, %sub3A_1132, %div3A_1111 : i32
          %add3A_1134 = arith.addi %convert_element_type3A_1023, %select_n3A_1133 : i32
          %min3A = arith.constant 39 : i32
          %min3A_1135 = arith.minsi %add3A_1134, %min3A : i32
          %jit3A_1136 = arith.constant 2 : i32
          %div3A_1137 = arith.divsi %convert_element_type3A_1056, %jit3A_1136 : i32
          %sign3A_1138 = arith.constant 0 : i32
          %sign3A_1139 = arith.cmpi sgt, %convert_element_type3A_1056, %sign3A_1138 : i32
          %sign3A_1140 = arith.extui %sign3A_1139 : i1 to i32
          %sign3A_1141 = arith.constant 0 : i32
          %sign3A_1142 = arith.cmpi slt, %convert_element_type3A_1056, %sign3A_1141 : i32
          %sign3A_1143 = arith.extui %sign3A_1142 : i1 to i32
          %sign3A_1144 = arith.subi %sign3A_1140, %sign3A_1143 : i32
          %sign3A_1145 = arith.constant 0 : i32
          %sign3A_1146 = arith.cmpi sgt, %jit3A_1136, %sign3A_1145 : i32
          %sign3A_1147 = arith.extui %sign3A_1146 : i1 to i32
          %sign3A_1148 = arith.constant 0 : i32
          %sign3A_1149 = arith.cmpi slt, %jit3A_1136, %sign3A_1148 : i32
          %sign3A_1150 = arith.extui %sign3A_1149 : i1 to i32
          %sign3A_1151 = arith.subi %sign3A_1147, %sign3A_1150 : i32
          %ne3A_1152 = arith.cmpi ne, %sign3A_1144, %sign3A_1151 : i32
          %rem3A_1153 = arith.remsi %convert_element_type3A_1056, %jit3A_1136 : i32
          %ne3A_1154 = arith.constant 0 : i32
          %ne3A_1155 = arith.cmpi ne, %rem3A_1153, %ne3A_1154 : i32
          %and3A_1156 = arith.andi %ne3A_1152, %ne3A_1155 : i1
          %sub3A_1157 = arith.constant 1 : i32
          %sub3A_1158 = arith.subi %div3A_1137, %sub3A_1157 : i32
          %select_n3A_1159 = arith.select %and3A_1156, %sub3A_1158, %div3A_1137 : i32
          %add3A_1160 = arith.addi %convert_element_type3A_1034, %select_n3A_1159 : i32
          %min3A_1161 = arith.constant 39 : i32
          %min3A_1162 = arith.minsi %add3A_1160, %min3A_1161 : i32
          %sub3A_1163 = arith.subi %min3A_1135, %max3A_1082 : i32
          %add3A_1164 = arith.constant 1 : i32
          %add3A_1165 = arith.addi %sub3A_1163, %add3A_1164 : i32
          %convert_element_type3A_1166 = arith.sitofp %add3A_1165 : i32 to f32
          %sub3A_1167 = arith.subi %min3A_1162, %max3A_1109 : i32
          %add3A_1168 = arith.constant 1 : i32
          %add3A_1169 = arith.addi %sub3A_1167, %add3A_1168 : i32
          %convert_element_type3A_1170 = arith.sitofp %add3A_1169 : i32 to f32
          %convert_element_type3A_1171 = arith.sitofp %convert_element_type3A_1023 : i32 to f32
          %convert_element_type3A_1172 = arith.sitofp %convert_element_type3A_1034 : i32 to f32
          %broadcast_in_dim3A_1173 = vector.broadcast %convert_element_type3A_1166 : f32 to vector<16xf32>
          %mul3A_1174 = vector.broadcast %convert_element_type3A_1166 : f32 to vector<16xf32>
          %mul3A_1175 = arith.mulf %broadcast_in_dim3A_1173, %mul3A_1174 : vector<16xf32>
          %broadcast_in_dim3A_1176 = vector.broadcast %convert_element_type3A_1170 : f32 to vector<16xf32>
          %mul3A_1177 = vector.broadcast %convert_element_type3A_1170 : f32 to vector<16xf32>
          %mul3A_1178 = arith.mulf %broadcast_in_dim3A_1176, %mul3A_1177 : vector<16xf32>
          %add3A_1179 = arith.constant 0 : i32
          %add3A_1180 = vector.broadcast %add3A_1179 : i32 to vector<16xi32>
          %add3A_1181 = arith.addi %iota3A_995, %add3A_1180 : vector<16xi32>
          %convert_element_type3A_1182 = arith.sitofp %add3A_1181 : vector<16xi32> to vector<16xf32>
          %sub3A_1183 = vector.broadcast %convert_element_type3A_1171 : f32 to vector<16xf32>
          %sub3A_1184 = arith.subf %convert_element_type3A_1182, %sub3A_1183 : vector<16xf32>
          %mul3A_1185 = arith.mulf %sub3A_1184, %sub3A_1184 : vector<16xf32>
          %neg3A = arith.constant 0.000000e+00 : f32
          %neg3A_1186 = vector.broadcast %neg3A : f32 to vector<16xf32>
          %neg3A_1187 = arith.subf %neg3A_1186, %mul3A_1185 : vector<16xf32>
          %div3A_1188 = arith.divf %neg3A_1187, %mul3A_1175 : vector<16xf32>
          %max3A_1189 = arith.constant -1.000000e+00 : f32
          %max3A_1190 = vector.broadcast %max3A_1189 : f32 to vector<16xf32>
          %max3A_1191 = arith.maximumf %div3A_1188, %max3A_1190 : vector<16xf32>
          %mul3A_1192 = arith.constant 2.500000e-01 : f32
          %mul3A_1193 = vector.broadcast %mul3A_1192 : f32 to vector<16xf32>
          %mul3A_1194 = arith.mulf %max3A_1191, %mul3A_1193 : vector<16xf32>
          %mul3A_1195 = arith.constant 0.166666672 : f32
          %mul3A_1196 = vector.broadcast %mul3A_1195 : f32 to vector<16xf32>
          %mul3A_1197 = arith.mulf %mul3A_1194, %mul3A_1196 : vector<16xf32>
          %add3A_1198 = arith.constant 1.000000e+00 : f32
          %add3A_1199 = vector.broadcast %add3A_1198 : f32 to vector<16xf32>
          %add3A_1200 = arith.addf %add3A_1199, %mul3A_1197 : vector<16xf32>
          %mul3A_1201 = arith.constant 2.000000e-01 : f32
          %mul3A_1202 = vector.broadcast %mul3A_1201 : f32 to vector<16xf32>
          %mul3A_1203 = arith.mulf %mul3A_1194, %mul3A_1202 : vector<16xf32>
          %mul3A_1204 = arith.mulf %mul3A_1203, %add3A_1200 : vector<16xf32>
          %add3A_1205 = arith.constant 1.000000e+00 : f32
          %add3A_1206 = vector.broadcast %add3A_1205 : f32 to vector<16xf32>
          %add3A_1207 = arith.addf %add3A_1206, %mul3A_1204 : vector<16xf32>
          %mul3A_1208 = arith.constant 2.500000e-01 : f32
          %mul3A_1209 = vector.broadcast %mul3A_1208 : f32 to vector<16xf32>
          %mul3A_1210 = arith.mulf %mul3A_1194, %mul3A_1209 : vector<16xf32>
          %mul3A_1211 = arith.mulf %mul3A_1210, %add3A_1207 : vector<16xf32>
          %add3A_1212 = arith.constant 1.000000e+00 : f32
          %add3A_1213 = vector.broadcast %add3A_1212 : f32 to vector<16xf32>
          %add3A_1214 = arith.addf %add3A_1213, %mul3A_1211 : vector<16xf32>
          %mul3A_1215 = arith.constant 0.333333343 : f32
          %mul3A_1216 = vector.broadcast %mul3A_1215 : f32 to vector<16xf32>
          %mul3A_1217 = arith.mulf %mul3A_1194, %mul3A_1216 : vector<16xf32>
          %mul3A_1218 = arith.mulf %mul3A_1217, %add3A_1214 : vector<16xf32>
          %add3A_1219 = arith.constant 1.000000e+00 : f32
          %add3A_1220 = vector.broadcast %add3A_1219 : f32 to vector<16xf32>
          %add3A_1221 = arith.addf %add3A_1220, %mul3A_1218 : vector<16xf32>
          %mul3A_1222 = arith.constant 5.000000e-01 : f32
          %mul3A_1223 = vector.broadcast %mul3A_1222 : f32 to vector<16xf32>
          %mul3A_1224 = arith.mulf %mul3A_1194, %mul3A_1223 : vector<16xf32>
          %mul3A_1225 = arith.mulf %mul3A_1224, %add3A_1221 : vector<16xf32>
          %add3A_1226 = arith.constant 1.000000e+00 : f32
          %add3A_1227 = vector.broadcast %add3A_1226 : f32 to vector<16xf32>
          %add3A_1228 = arith.addf %add3A_1227, %mul3A_1225 : vector<16xf32>
          %mul3A_1229 = arith.mulf %mul3A_1194, %add3A_1228 : vector<16xf32>
          %add3A_1230 = arith.constant 1.000000e+00 : f32
          %add3A_1231 = vector.broadcast %add3A_1230 : f32 to vector<16xf32>
          %add3A_1232 = arith.addf %add3A_1231, %mul3A_1229 : vector<16xf32>
          %mul3A_1233 = arith.mulf %add3A_1232, %add3A_1232 : vector<16xf32>
          %mul3A_1234 = arith.mulf %mul3A_1233, %mul3A_1233 : vector<16xf32>
          %ge3A = vector.broadcast %max3A_1082 : i32 to vector<16xi32>
          %ge3A_1235 = arith.cmpi sge, %add3A_1181, %ge3A : vector<16xi32>
          %le3A = vector.broadcast %min3A_1135 : i32 to vector<16xi32>
          %le3A_1236 = arith.cmpi sle, %add3A_1181, %le3A : vector<16xi32>
          %and3A_1237 = arith.andi %ge3A_1235, %le3A_1236 : vector<16xi1>
          %jit3A_1238 = arith.constant 0.000000e+00 : f32
          %broadcast_in_dim3A_1239 = vector.broadcast %jit3A_1238 : f32 to vector<16xf32>
          %select_n3A_1240 = arith.select %and3A_1237, %mul3A_1234, %broadcast_in_dim3A_1239 : vector<16xi1>, vector<16xf32>
          %swap3A_1241 = arith.constant 0 : index
          %swap3A_1242 = tpu.vector_load %arg8[%swap3A_1241] {strides = array<i32>} : memref<80xf32, #tpu.memory_space<vmem>>, vector<16xf32>,
          %swap3A_1243 = vector.shape_cast %swap3A_1242 : vector<16xf32> to vector<16xf32>
          %swap3A_1244 = vector.shape_cast %select_n3A_1240 : vector<16xf32> to vector<16xf32>
          tpu.vector_store %arg8[%swap3A_1241], %swap3A_1244 {strides = array<i32>} : memref<80xf32, #tpu.memory_space<vmem>>, vector<16xf32>,
          %add3A_1245 = arith.constant 16 : i32
          %add3A_1246 = vector.broadcast %add3A_1245 : i32 to vector<16xi32>
          %add3A_1247 = arith.addi %iota3A_995, %add3A_1246 : vector<16xi32>
          %convert_element_type3A_1248 = arith.sitofp %add3A_1247 : vector<16xi32> to vector<16xf32>
          %sub3A_1249 = vector.broadcast %convert_element_type3A_1171 : f32 to vector<16xf32>
          %sub3A_1250 = arith.subf %convert_element_type3A_1248, %sub3A_1249 : vector<16xf32>
          %mul3A_1251 = arith.mulf %sub3A_1250, %sub3A_1250 : vector<16xf32>
          %neg3A_1252 = arith.constant 0.000000e+00 : f32
          %neg3A_1253 = vector.broadcast %neg3A_1252 : f32 to vector<16xf32>
          %neg3A_1254 = arith.subf %neg3A_1253, %mul3A_1251 : vector<16xf32>
          %div3A_1255 = arith.divf %neg3A_1254, %mul3A_1175 : vector<16xf32>
          %max3A_1256 = arith.constant -1.000000e+00 : f32
          %max3A_1257 = vector.broadcast %max3A_1256 : f32 to vector<16xf32>
          %max3A_1258 = arith.maximumf %div3A_1255, %max3A_1257 : vector<16xf32>
          %mul3A_1259 = arith.constant 2.500000e-01 : f32
          %mul3A_1260 = vector.broadcast %mul3A_1259 : f32 to vector<16xf32>
          %mul3A_1261 = arith.mulf %max3A_1258, %mul3A_1260 : vector<16xf32>
          %mul3A_1262 = arith.constant 0.166666672 : f32
          %mul3A_1263 = vector.broadcast %mul3A_1262 : f32 to vector<16xf32>
          %mul3A_1264 = arith.mulf %mul3A_1261, %mul3A_1263 : vector<16xf32>
          %add3A_1265 = arith.constant 1.000000e+00 : f32
          %add3A_1266 = vector.broadcast %add3A_1265 : f32 to vector<16xf32>
          %add3A_1267 = arith.addf %add3A_1266, %mul3A_1264 : vector<16xf32>
          %mul3A_1268 = arith.constant 2.000000e-01 : f32
          %mul3A_1269 = vector.broadcast %mul3A_1268 : f32 to vector<16xf32>
          %mul3A_1270 = arith.mulf %mul3A_1261, %mul3A_1269 : vector<16xf32>
          %mul3A_1271 = arith.mulf %mul3A_1270, %add3A_1267 : vector<16xf32>
          %add3A_1272 = arith.constant 1.000000e+00 : f32
          %add3A_1273 = vector.broadcast %add3A_1272 : f32 to vector<16xf32>
          %add3A_1274 = arith.addf %add3A_1273, %mul3A_1271 : vector<16xf32>
          %mul3A_1275 = arith.constant 2.500000e-01 : f32
          %mul3A_1276 = vector.broadcast %mul3A_1275 : f32 to vector<16xf32>
          %mul3A_1277 = arith.mulf %mul3A_1261, %mul3A_1276 : vector<16xf32>
          %mul3A_1278 = arith.mulf %mul3A_1277, %add3A_1274 : vector<16xf32>
          %add3A_1279 = arith.constant 1.000000e+00 : f32
          %add3A_1280 = vector.broadcast %add3A_1279 : f32 to vector<16xf32>
          %add3A_1281 = arith.addf %add3A_1280, %mul3A_1278 : vector<16xf32>
          %mul3A_1282 = arith.constant 0.333333343 : f32
          %mul3A_1283 = vector.broadcast %mul3A_1282 : f32 to vector<16xf32>
          %mul3A_1284 = arith.mulf %mul3A_1261, %mul3A_1283 : vector<16xf32>
          %mul3A_1285 = arith.mulf %mul3A_1284, %add3A_1281 : vector<16xf32>
          %add3A_1286 = arith.constant 1.000000e+00 : f32
          %add3A_1287 = vector.broadcast %add3A_1286 : f32 to vector<16xf32>
          %add3A_1288 = arith.addf %add3A_1287, %mul3A_1285 : vector<16xf32>
          %mul3A_1289 = arith.constant 5.000000e-01 : f32
          %mul3A_1290 = vector.broadcast %mul3A_1289 : f32 to vector<16xf32>
          %mul3A_1291 = arith.mulf %mul3A_1261, %mul3A_1290 : vector<16xf32>
          %mul3A_1292 = arith.mulf %mul3A_1291, %add3A_1288 : vector<16xf32>
          %add3A_1293 = arith.constant 1.000000e+00 : f32
          %add3A_1294 = vector.broadcast %add3A_1293 : f32 to vector<16xf32>
          %add3A_1295 = arith.addf %add3A_1294, %mul3A_1292 : vector<16xf32>
          %mul3A_1296 = arith.mulf %mul3A_1261, %add3A_1295 : vector<16xf32>
          %add3A_1297 = arith.constant 1.000000e+00 : f32
          %add3A_1298 = vector.broadcast %add3A_1297 : f32 to vector<16xf32>
          %add3A_1299 = arith.addf %add3A_1298, %mul3A_1296 : vector<16xf32>
          %mul3A_1300 = arith.mulf %add3A_1299, %add3A_1299 : vector<16xf32>
          %mul3A_1301 = arith.mulf %mul3A_1300, %mul3A_1300 : vector<16xf32>
          %ge3A_1302 = vector.broadcast %max3A_1082 : i32 to vector<16xi32>
          %ge3A_1303 = arith.cmpi sge, %add3A_1247, %ge3A_1302 : vector<16xi32>
          %le3A_1304 = vector.broadcast %min3A_1135 : i32 to vector<16xi32>
          %le3A_1305 = arith.cmpi sle, %add3A_1247, %le3A_1304 : vector<16xi32>
          %and3A_1306 = arith.andi %ge3A_1303, %le3A_1305 : vector<16xi1>
          %jit3A_1307 = arith.constant 0.000000e+00 : f32
          %broadcast_in_dim3A_1308 = vector.broadcast %jit3A_1307 : f32 to vector<16xf32>
          %select_n3A_1309 = arith.select %and3A_1306, %mul3A_1301, %broadcast_in_dim3A_1308 : vector<16xi1>, vector<16xf32>
          %swap3A_1310 = arith.constant 16 : index
          %swap3A_1311 = tpu.vector_load %arg8[%swap3A_1310] {strides = array<i32>} : memref<80xf32, #tpu.memory_space<vmem>>, vector<16xf32>,
          %swap3A_1312 = vector.shape_cast %swap3A_1311 : vector<16xf32> to vector<16xf32>
          %swap3A_1313 = vector.shape_cast %select_n3A_1309 : vector<16xf32> to vector<16xf32>
          tpu.vector_store %arg8[%swap3A_1310], %swap3A_1313 {strides = array<i32>} : memref<80xf32, #tpu.memory_space<vmem>>, vector<16xf32>,
          %max3A_1314 = arith.maxsi %max3A_1109, %mul3A_694 : i32
          %add3A_1315 = arith.constant 20 : i32
          %add3A_1316 = arith.addi %mul3A_694, %add3A_1315 : i32
          %sub3A_1317 = arith.constant 1 : i32
          %sub3A_1318 = arith.subi %add3A_1316, %sub3A_1317 : i32
          %min3A_1319 = arith.minsi %min3A_1162, %sub3A_1318 : i32
          %add3A_1320 = arith.constant 1 : i32
          %add3A_1321 = arith.addi %min3A_1319, %add3A_1320 : i32
          %while3A = arith.constant 0 : i32
          %while3A_1322 = arith.subi %add3A_1321, %max3A_1314 : i32
          %while3A_1323 = arith.addi %max3A_1314, %while3A_1322 : i32
          %while3A_1324 = arith.constant 1 : i32
          %while3A_1325 = arith.divsi %while3A_1322, %while3A_1324 : i32
          %while3A_1326 = arith.muli %while3A_1325, %while3A_1324 : i32
          %while3A_1327 = arith.addi %max3A_1314, %while3A_1326 : i32
          %while3A_1328 = arith.constant 1 : i32
          scf.for %while3A_1330 = %max3A_1314 to %while3A_1327 step %while3A_1328  : i32 {
            %convert_element_type3A_1331 = arith.sitofp %while3A_1330 : i32 to f32
            %sub3A_1332 = arith.subf %convert_element_type3A_1331, %convert_element_type3A_1172 : f32
            %broadcast_in_dim3A_1333 = vector.broadcast %sub3A_1332 : f32 to vector<16xf32>
            %mul3A_1334 = arith.mulf %broadcast_in_dim3A_1333, %broadcast_in_dim3A_1333 : vector<16xf32>
            %neg3A_1335 = arith.constant 0.000000e+00 : f32
            %neg3A_1336 = vector.broadcast %neg3A_1335 : f32 to vector<16xf32>
            %neg3A_1337 = arith.subf %neg3A_1336, %mul3A_1334 : vector<16xf32>
            %div3A_1338 = arith.divf %neg3A_1337, %mul3A_1178 : vector<16xf32>
            %max3A_1339 = arith.constant -1.000000e+00 : f32
            %max3A_1340 = vector.broadcast %max3A_1339 : f32 to vector<16xf32>
            %max3A_1341 = arith.maximumf %div3A_1338, %max3A_1340 : vector<16xf32>
            %mul3A_1342 = arith.constant 2.500000e-01 : f32
            %mul3A_1343 = vector.broadcast %mul3A_1342 : f32 to vector<16xf32>
            %mul3A_1344 = arith.mulf %max3A_1341, %mul3A_1343 : vector<16xf32>
            %mul3A_1345 = arith.constant 0.166666672 : f32
            %mul3A_1346 = vector.broadcast %mul3A_1345 : f32 to vector<16xf32>
            %mul3A_1347 = arith.mulf %mul3A_1344, %mul3A_1346 : vector<16xf32>
            %add3A_1348 = arith.constant 1.000000e+00 : f32
            %add3A_1349 = vector.broadcast %add3A_1348 : f32 to vector<16xf32>
            %add3A_1350 = arith.addf %add3A_1349, %mul3A_1347 : vector<16xf32>
            %mul3A_1351 = arith.constant 2.000000e-01 : f32
            %mul3A_1352 = vector.broadcast %mul3A_1351 : f32 to vector<16xf32>
            %mul3A_1353 = arith.mulf %mul3A_1344, %mul3A_1352 : vector<16xf32>
            %mul3A_1354 = arith.mulf %mul3A_1353, %add3A_1350 : vector<16xf32>
            %add3A_1355 = arith.constant 1.000000e+00 : f32
            %add3A_1356 = vector.broadcast %add3A_1355 : f32 to vector<16xf32>
            %add3A_1357 = arith.addf %add3A_1356, %mul3A_1354 : vector<16xf32>
            %mul3A_1358 = arith.constant 2.500000e-01 : f32
            %mul3A_1359 = vector.broadcast %mul3A_1358 : f32 to vector<16xf32>
            %mul3A_1360 = arith.mulf %mul3A_1344, %mul3A_1359 : vector<16xf32>
            %mul3A_1361 = arith.mulf %mul3A_1360, %add3A_1357 : vector<16xf32>
            %add3A_1362 = arith.constant 1.000000e+00 : f32
            %add3A_1363 = vector.broadcast %add3A_1362 : f32 to vector<16xf32>
            %add3A_1364 = arith.addf %add3A_1363, %mul3A_1361 : vector<16xf32>
            %mul3A_1365 = arith.constant 0.333333343 : f32
            %mul3A_1366 = vector.broadcast %mul3A_1365 : f32 to vector<16xf32>
            %mul3A_1367 = arith.mulf %mul3A_1344, %mul3A_1366 : vector<16xf32>
            %mul3A_1368 = arith.mulf %mul3A_1367, %add3A_1364 : vector<16xf32>
            %add3A_1369 = arith.constant 1.000000e+00 : f32
            %add3A_1370 = vector.broadcast %add3A_1369 : f32 to vector<16xf32>
            %add3A_1371 = arith.addf %add3A_1370, %mul3A_1368 : vector<16xf32>
            %mul3A_1372 = arith.constant 5.000000e-01 : f32
            %mul3A_1373 = vector.broadcast %mul3A_1372 : f32 to vector<16xf32>
            %mul3A_1374 = arith.mulf %mul3A_1344, %mul3A_1373 : vector<16xf32>
            %mul3A_1375 = arith.mulf %mul3A_1374, %add3A_1371 : vector<16xf32>
            %add3A_1376 = arith.constant 1.000000e+00 : f32
            %add3A_1377 = vector.broadcast %add3A_1376 : f32 to vector<16xf32>
            %add3A_1378 = arith.addf %add3A_1377, %mul3A_1375 : vector<16xf32>
            %mul3A_1379 = arith.mulf %mul3A_1344, %add3A_1378 : vector<16xf32>
            %add3A_1380 = arith.constant 1.000000e+00 : f32
            %add3A_1381 = vector.broadcast %add3A_1380 : f32 to vector<16xf32>
            %add3A_1382 = arith.addf %add3A_1381, %mul3A_1379 : vector<16xf32>
            %mul3A_1383 = arith.mulf %add3A_1382, %add3A_1382 : vector<16xf32>
            %mul3A_1384 = arith.mulf %mul3A_1383, %mul3A_1383 : vector<16xf32>
            %sub3A_1385 = arith.subi %while3A_1330, %mul3A_694 : i32
            %mul3A_1386 = arith.constant 40 : i32
            %mul3A_1387 = arith.muli %sub3A_1385, %mul3A_1386 : i32
            %add3A_1388 = arith.constant 0 : i32
            %add3A_1389 = arith.addi %mul3A_1387, %add3A_1388 : i32
            %get3A_1390 = arith.index_cast %add3A_1389 : i32 to index
            %get3A_1391 = tpu.vector_load %arg9[%get3A_1390] {strides = array<i32>} : memref<3200xf32, #tpu.memory_space<vmem>>, vector<16xf32>,
            %get3A_1392 = vector.shape_cast %get3A_1391 : vector<16xf32> to vector<16xf32>
            %get3A_1393 = arith.constant 0 : index
            %get3A_1394 = tpu.vector_load %arg8[%get3A_1393] {strides = array<i32>} : memref<80xf32, #tpu.memory_space<vmem>>, vector<16xf32>,
            %get3A_1395 = vector.shape_cast %get3A_1394 : vector<16xf32> to vector<16xf32>
            %mul3A_1396 = arith.mulf %mul3A_1384, %get3A_1395 : vector<16xf32>
            %max3A_1397 = arith.maximumf %get3A_1392, %mul3A_1396 : vector<16xf32>
            %add3A_1398 = arith.constant 0 : i32
            %add3A_1399 = arith.addi %mul3A_1387, %add3A_1398 : i32
            %swap3A_1400 = arith.index_cast %add3A_1399 : i32 to index
            %swap3A_1401 = tpu.vector_load %arg9[%swap3A_1400] {strides = array<i32>} : memref<3200xf32, #tpu.memory_space<vmem>>, vector<16xf32>,
            %swap3A_1402 = vector.shape_cast %swap3A_1401 : vector<16xf32> to vector<16xf32>
            %swap3A_1403 = vector.shape_cast %max3A_1397 : vector<16xf32> to vector<16xf32>
            tpu.vector_store %arg9[%swap3A_1400], %swap3A_1403 {strides = array<i32>} : memref<3200xf32, #tpu.memory_space<vmem>>, vector<16xf32>,
            %add3A_1404 = arith.constant 16 : i32
            %add3A_1405 = arith.addi %mul3A_1387, %add3A_1404 : i32
            %get3A_1406 = arith.index_cast %add3A_1405 : i32 to index
            %get3A_1407 = tpu.vector_load %arg9[%get3A_1406] {strides = array<i32>} : memref<3200xf32, #tpu.memory_space<vmem>>, vector<16xf32>,
            %get3A_1408 = vector.shape_cast %get3A_1407 : vector<16xf32> to vector<16xf32>
            %get3A_1409 = arith.constant 16 : index
            %get3A_1410 = tpu.vector_load %arg8[%get3A_1409] {strides = array<i32>} : memref<80xf32, #tpu.memory_space<vmem>>, vector<16xf32>,
            %get3A_1411 = vector.shape_cast %get3A_1410 : vector<16xf32> to vector<16xf32>
            %mul3A_1412 = arith.mulf %mul3A_1384, %get3A_1411 : vector<16xf32>
            %max3A_1413 = arith.maximumf %get3A_1408, %mul3A_1412 : vector<16xf32>
            %add3A_1414 = arith.constant 16 : i32
            %add3A_1415 = arith.addi %mul3A_1387, %add3A_1414 : i32
            %swap3A_1416 = arith.index_cast %add3A_1415 : i32 to index
            %swap3A_1417 = tpu.vector_load %arg9[%swap3A_1416] {strides = array<i32>} : memref<3200xf32, #tpu.memory_space<vmem>>, vector<16xf32>,
            %swap3A_1418 = vector.shape_cast %swap3A_1417 : vector<16xf32> to vector<16xf32>
            %swap3A_1419 = vector.shape_cast %max3A_1413 : vector<16xf32> to vector<16xf32>
            tpu.vector_store %arg9[%swap3A_1416], %swap3A_1419 {strides = array<i32>} : memref<3200xf32, #tpu.memory_space<vmem>>, vector<16xf32>,
          }
          %while3A_1329 = arith.constant 1 : i32
          scf.for %while3A_1330 = %while3A_1327 to %while3A_1323 step %while3A_1329  : i32 {
            %convert_element_type3A_1331 = arith.sitofp %while3A_1330 : i32 to f32
            %sub3A_1332 = arith.subf %convert_element_type3A_1331, %convert_element_type3A_1172 : f32
            %broadcast_in_dim3A_1333 = vector.broadcast %sub3A_1332 : f32 to vector<16xf32>
            %mul3A_1334 = arith.mulf %broadcast_in_dim3A_1333, %broadcast_in_dim3A_1333 : vector<16xf32>
            %neg3A_1335 = arith.constant 0.000000e+00 : f32
            %neg3A_1336 = vector.broadcast %neg3A_1335 : f32 to vector<16xf32>
            %neg3A_1337 = arith.subf %neg3A_1336, %mul3A_1334 : vector<16xf32>
            %div3A_1338 = arith.divf %neg3A_1337, %mul3A_1178 : vector<16xf32>
            %max3A_1339 = arith.constant -1.000000e+00 : f32
            %max3A_1340 = vector.broadcast %max3A_1339 : f32 to vector<16xf32>
            %max3A_1341 = arith.maximumf %div3A_1338, %max3A_1340 : vector<16xf32>
            %mul3A_1342 = arith.constant 2.500000e-01 : f32
            %mul3A_1343 = vector.broadcast %mul3A_1342 : f32 to vector<16xf32>
            %mul3A_1344 = arith.mulf %max3A_1341, %mul3A_1343 : vector<16xf32>
            %mul3A_1345 = arith.constant 0.166666672 : f32
            %mul3A_1346 = vector.broadcast %mul3A_1345 : f32 to vector<16xf32>
            %mul3A_1347 = arith.mulf %mul3A_1344, %mul3A_1346 : vector<16xf32>
            %add3A_1348 = arith.constant 1.000000e+00 : f32
            %add3A_1349 = vector.broadcast %add3A_1348 : f32 to vector<16xf32>
            %add3A_1350 = arith.addf %add3A_1349, %mul3A_1347 : vector<16xf32>
            %mul3A_1351 = arith.constant 2.000000e-01 : f32
            %mul3A_1352 = vector.broadcast %mul3A_1351 : f32 to vector<16xf32>
            %mul3A_1353 = arith.mulf %mul3A_1344, %mul3A_1352 : vector<16xf32>
            %mul3A_1354 = arith.mulf %mul3A_1353, %add3A_1350 : vector<16xf32>
            %add3A_1355 = arith.constant 1.000000e+00 : f32
            %add3A_1356 = vector.broadcast %add3A_1355 : f32 to vector<16xf32>
            %add3A_1357 = arith.addf %add3A_1356, %mul3A_1354 : vector<16xf32>
            %mul3A_1358 = arith.constant 2.500000e-01 : f32
            %mul3A_1359 = vector.broadcast %mul3A_1358 : f32 to vector<16xf32>
            %mul3A_1360 = arith.mulf %mul3A_1344, %mul3A_1359 : vector<16xf32>
            %mul3A_1361 = arith.mulf %mul3A_1360, %add3A_1357 : vector<16xf32>
            %add3A_1362 = arith.constant 1.000000e+00 : f32
            %add3A_1363 = vector.broadcast %add3A_1362 : f32 to vector<16xf32>
            %add3A_1364 = arith.addf %add3A_1363, %mul3A_1361 : vector<16xf32>
            %mul3A_1365 = arith.constant 0.333333343 : f32
            %mul3A_1366 = vector.broadcast %mul3A_1365 : f32 to vector<16xf32>
            %mul3A_1367 = arith.mulf %mul3A_1344, %mul3A_1366 : vector<16xf32>
            %mul3A_1368 = arith.mulf %mul3A_1367, %add3A_1364 : vector<16xf32>
            %add3A_1369 = arith.constant 1.000000e+00 : f32
            %add3A_1370 = vector.broadcast %add3A_1369 : f32 to vector<16xf32>
            %add3A_1371 = arith.addf %add3A_1370, %mul3A_1368 : vector<16xf32>
            %mul3A_1372 = arith.constant 5.000000e-01 : f32
            %mul3A_1373 = vector.broadcast %mul3A_1372 : f32 to vector<16xf32>
            %mul3A_1374 = arith.mulf %mul3A_1344, %mul3A_1373 : vector<16xf32>
            %mul3A_1375 = arith.mulf %mul3A_1374, %add3A_1371 : vector<16xf32>
            %add3A_1376 = arith.constant 1.000000e+00 : f32
            %add3A_1377 = vector.broadcast %add3A_1376 : f32 to vector<16xf32>
            %add3A_1378 = arith.addf %add3A_1377, %mul3A_1375 : vector<16xf32>
            %mul3A_1379 = arith.mulf %mul3A_1344, %add3A_1378 : vector<16xf32>
            %add3A_1380 = arith.constant 1.000000e+00 : f32
            %add3A_1381 = vector.broadcast %add3A_1380 : f32 to vector<16xf32>
            %add3A_1382 = arith.addf %add3A_1381, %mul3A_1379 : vector<16xf32>
            %mul3A_1383 = arith.mulf %add3A_1382, %add3A_1382 : vector<16xf32>
            %mul3A_1384 = arith.mulf %mul3A_1383, %mul3A_1383 : vector<16xf32>
            %sub3A_1385 = arith.subi %while3A_1330, %mul3A_694 : i32
            %mul3A_1386 = arith.constant 40 : i32
            %mul3A_1387 = arith.muli %sub3A_1385, %mul3A_1386 : i32
            %add3A_1388 = arith.constant 0 : i32
            %add3A_1389 = arith.addi %mul3A_1387, %add3A_1388 : i32
            %get3A_1390 = arith.index_cast %add3A_1389 : i32 to index
            %get3A_1391 = tpu.vector_load %arg9[%get3A_1390] {strides = array<i32>} : memref<3200xf32, #tpu.memory_space<vmem>>, vector<16xf32>,
            %get3A_1392 = vector.shape_cast %get3A_1391 : vector<16xf32> to vector<16xf32>
            %get3A_1393 = arith.constant 0 : index
            %get3A_1394 = tpu.vector_load %arg8[%get3A_1393] {strides = array<i32>} : memref<80xf32, #tpu.memory_space<vmem>>, vector<16xf32>,
            %get3A_1395 = vector.shape_cast %get3A_1394 : vector<16xf32> to vector<16xf32>
            %mul3A_1396 = arith.mulf %mul3A_1384, %get3A_1395 : vector<16xf32>
            %max3A_1397 = arith.maximumf %get3A_1392, %mul3A_1396 : vector<16xf32>
            %add3A_1398 = arith.constant 0 : i32
            %add3A_1399 = arith.addi %mul3A_1387, %add3A_1398 : i32
            %swap3A_1400 = arith.index_cast %add3A_1399 : i32 to index
            %swap3A_1401 = tpu.vector_load %arg9[%swap3A_1400] {strides = array<i32>} : memref<3200xf32, #tpu.memory_space<vmem>>, vector<16xf32>,
            %swap3A_1402 = vector.shape_cast %swap3A_1401 : vector<16xf32> to vector<16xf32>
            %swap3A_1403 = vector.shape_cast %max3A_1397 : vector<16xf32> to vector<16xf32>
            tpu.vector_store %arg9[%swap3A_1400], %swap3A_1403 {strides = array<i32>} : memref<3200xf32, #tpu.memory_space<vmem>>, vector<16xf32>,
            %add3A_1404 = arith.constant 16 : i32
            %add3A_1405 = arith.addi %mul3A_1387, %add3A_1404 : i32
            %get3A_1406 = arith.index_cast %add3A_1405 : i32 to index
            %get3A_1407 = tpu.vector_load %arg9[%get3A_1406] {strides = array<i32>} : memref<3200xf32, #tpu.memory_space<vmem>>, vector<16xf32>,
            %get3A_1408 = vector.shape_cast %get3A_1407 : vector<16xf32> to vector<16xf32>
            %get3A_1409 = arith.constant 16 : index
            %get3A_1410 = tpu.vector_load %arg8[%get3A_1409] {strides = array<i32>} : memref<80xf32, #tpu.memory_space<vmem>>, vector<16xf32>,
            %get3A_1411 = vector.shape_cast %get3A_1410 : vector<16xf32> to vector<16xf32>
            %mul3A_1412 = arith.mulf %mul3A_1384, %get3A_1411 : vector<16xf32>
            %max3A_1413 = arith.maximumf %get3A_1408, %mul3A_1412 : vector<16xf32>
            %add3A_1414 = arith.constant 16 : i32
            %add3A_1415 = arith.addi %mul3A_1387, %add3A_1414 : i32
            %swap3A_1416 = arith.index_cast %add3A_1415 : i32 to index
            %swap3A_1417 = tpu.vector_load %arg9[%swap3A_1416] {strides = array<i32>} : memref<3200xf32, #tpu.memory_space<vmem>>, vector<16xf32>,
            %swap3A_1418 = vector.shape_cast %swap3A_1417 : vector<16xf32> to vector<16xf32>
            %swap3A_1419 = vector.shape_cast %max3A_1413 : vector<16xf32> to vector<16xf32>
            tpu.vector_store %arg9[%swap3A_1416], %swap3A_1419 {strides = array<i32>} : memref<3200xf32, #tpu.memory_space<vmem>>, vector<16xf32>,
          }
        } else {
        }
      }
      %scan3A_1002 = arith.constant 64 : i32
      %mul3A_1003 = arith.constant 1600 : i32
      %mul3A_1004 = arith.muli %select_n3A_674, %mul3A_1003 : i32
      %mul3A_1005 = arith.constant 800 : i32
      %mul3A_1006 = arith.muli %select_n3A_692, %mul3A_1005 : i32
      %add3A_1007 = arith.addi %mul3A_1004, %mul3A_1006 : i32
      "tpu.region"() ({
        %run_scoped3A = tpu.sem_alloc : memref<!tpu.dma_semaphore, #tpu.memory_space<semaphore_mem>>
        %dma_start3A = arith.constant 0 : i32
        %dma_start3A_1008 = tpu.memref_slice %arg9[%dma_start3A] : memref<3200xf32, #tpu.memory_space<vmem>> -> memref<800xf32, #tpu.memory_space<vmem>>
        %dma_start3A_1009 = tpu.memref_slice %arg5[%add3A_1007] : memref<12800xf32, #tpu.memory_space<hbm>> -> memref<800xf32, #tpu.memory_space<hbm>>
        %dma_start3A_1010 = tpu.memref_slice %arg5[%add3A_1007] : memref<12800xf32, #tpu.memory_space<hbm>> -> memref<800xf32, #tpu.memory_space<hbm>>
        %dma_start3A_1011 = arith.constant 0 : i32
        %dma_start3A_1012 = tpu.memref_slice %arg9[%dma_start3A_1011] : memref<3200xf32, #tpu.memory_space<vmem>> -> memref<800xf32, #tpu.memory_space<vmem>>
        tpu.enqueue_dma source(%dma_start3A_1012 : memref<800xf32, #tpu.memory_space<vmem>>) target(%dma_start3A_1010 : memref<800xf32, #tpu.memory_space<hbm>>) target_semaphore(%run_scoped3A : memref<!tpu.dma_semaphore, #tpu.memory_space<semaphore_mem>>)
        %dma_wait3A = arith.constant 0 : i32
        %dma_wait3A_1013 = tpu.memref_slice %arg9[%dma_wait3A] : memref<3200xf32, #tpu.memory_space<vmem>> -> memref<800xf32, #tpu.memory_space<vmem>>
        %dma_wait3A_1014 = tpu.memref_slice %arg5[%add3A_1007] : memref<12800xf32, #tpu.memory_space<hbm>> -> memref<800xf32, #tpu.memory_space<hbm>>
        %dma_wait3A_1015 = tpu.memref_slice %arg5[%add3A_1007] : memref<12800xf32, #tpu.memory_space<hbm>> -> memref<800xf32, #tpu.memory_space<hbm>>
        %dma_wait3A_1016 = arith.constant 0 : i32
        %dma_wait3A_1017 = tpu.memref_slice %arg9[%dma_wait3A_1016] : memref<3200xf32, #tpu.memory_space<vmem>> -> memref<800xf32, #tpu.memory_space<vmem>>
        tpu.wait_dma2 semaphore(%run_scoped3A : memref<!tpu.dma_semaphore, #tpu.memory_space<semaphore_mem>>) src(%dma_wait3A_1017 : memref<800xf32, #tpu.memory_space<vmem>>) dst(%dma_wait3A_1015 : memref<800xf32, #tpu.memory_space<hbm>>)
        tpu.yield
      }) : () -> ()
    } else {
    }
    return
  }
}

module attributes {stable_mosaic.version = 14 : i64} {
  func.func @_dsum_kernel(%arg0: i32, %arg1: i32, %arg2: memref<1x256x6400xf32, #tpu.memory_space<vmem>>, %arg3: memref<1x256x6400xf32, #tpu.memory_space<vmem>>, %arg4: memref<1x1x6400xf32, #tpu.memory_space<vmem>>) attributes {dimension_semantics = [#tpu.dimension_semantics<arbitrary>, #tpu.dimension_semantics<arbitrary>], iteration_bounds = array<i64: 8, 1>, scalar_prefetch = 0 : i64, scratch_operands = 0 : i64, tpu.core_type = #tpu.core_type<tc>, window_params = [{transform_indices = @transform_0, window_bounds = array<i64: 1, 256, 6400>}, {transform_indices = @transform_1, window_bounds = array<i64: 1, 256, 6400>}, {transform_indices = @transform_2, window_bounds = array<i64: 1, 1, 6400>}]} {
    %get3A = arith.constant 0 : index
    %get3A_0 = arith.constant 0 : index
    %get3A_1 = arith.constant 0 : index
    %get3A_2 = vector.load %arg2[%get3A, %get3A_0, %get3A_1] : memref<1x256x6400xf32, #tpu.memory_space<vmem>>, vector<1x256x6400xf32>
    %get3A_3 = arith.constant 0 : index
    %get3A_4 = arith.constant 0 : index
    %get3A_5 = arith.constant 0 : index
    %get3A_6 = vector.load %arg3[%get3A_3, %get3A_4, %get3A_5] : memref<1x256x6400xf32, #tpu.memory_space<vmem>>, vector<1x256x6400xf32>
    %sub3A = arith.subf %get3A_2, %get3A_6 : vector<1x256x6400xf32>
    %mul3A = arith.mulf %sub3A, %sub3A : vector<1x256x6400xf32>
    %reduce_sum3A = arith.constant dense<0.000000e+00> : vector<1x6400xf32>
    %reduce_sum3A_7 = vector.multi_reduction <add>, %mul3A, %reduce_sum3A [1] : vector<1x256x6400xf32> to vector<1x6400xf32>
    %broadcast_in_dim3A = vector.shape_cast %reduce_sum3A_7 : vector<1x6400xf32> to vector<1x1x6400xf32>
    %eq3A = arith.constant 0 : i32
    %eq3A_8 = arith.cmpi eq, %arg1, %eq3A : i32
    %convert_element_type3A = arith.extui %eq3A_8 : i1 to i32
    %cond3A = arith.constant 0 : i32
    %cond3A_9 = arith.cmpi ne, %convert_element_type3A, %cond3A : i32
    scf.if %cond3A_9 {
      %swap3A = arith.constant 0 : index
      %swap3A_14 = arith.constant 0 : index
      %swap3A_15 = arith.constant 0 : index
      %swap3A_16 = vector.load %arg4[%swap3A, %swap3A_14, %swap3A_15] : memref<1x1x6400xf32, #tpu.memory_space<vmem>>, vector<1x1x6400xf32>
      tpu.vector_store %arg4[%swap3A, %swap3A_14, %swap3A_15], %broadcast_in_dim3A {strides = array<i32>} : memref<1x1x6400xf32, #tpu.memory_space<vmem>>, vector<1x1x6400xf32>,
    } else {
    }
    %ne3A = arith.constant 0 : i32
    %ne3A_10 = arith.cmpi ne, %arg1, %ne3A : i32
    %convert_element_type3A_11 = arith.extui %ne3A_10 : i1 to i32
    %cond3A_12 = arith.constant 0 : i32
    %cond3A_13 = arith.cmpi ne, %convert_element_type3A_11, %cond3A_12 : i32
    scf.if %cond3A_13 {
      %get3A_14 = arith.constant 0 : index
      %get3A_15 = arith.constant 0 : index
      %get3A_16 = arith.constant 0 : index
      %get3A_17 = vector.load %arg4[%get3A_14, %get3A_15, %get3A_16] : memref<1x1x6400xf32, #tpu.memory_space<vmem>>, vector<1x1x6400xf32>
      %add3A = arith.addf %get3A_17, %broadcast_in_dim3A : vector<1x1x6400xf32>
      %swap3A = arith.constant 0 : index
      %swap3A_18 = arith.constant 0 : index
      %swap3A_19 = arith.constant 0 : index
      %swap3A_20 = vector.load %arg4[%swap3A, %swap3A_18, %swap3A_19] : memref<1x1x6400xf32, #tpu.memory_space<vmem>>, vector<1x1x6400xf32>
      tpu.vector_store %arg4[%swap3A, %swap3A_18, %swap3A_19], %add3A {strides = array<i32>} : memref<1x1x6400xf32, #tpu.memory_space<vmem>>, vector<1x1x6400xf32>,
    } else {
    }
    return
  }
  func.func @transform_0(%arg0: i32, %arg1: i32) -> (i32, i32, i32) {
    %c0_i32 = arith.constant 0 : i32
    %c0_i32_0 = arith.constant 0 : i32
    return %arg0, %arg1, %c0_i32 : i32, i32, i32
  }
  func.func @transform_1(%arg0: i32, %arg1: i32) -> (i32, i32, i32) {
    %c0_i32 = arith.constant 0 : i32
    %c0_i32_0 = arith.constant 0 : i32
    return %arg0, %arg1, %c0_i32 : i32, i32, i32
  }
  func.func @transform_2(%arg0: i32, %arg1: i32) -> (i32, i32, i32) {
    %c0_i32 = arith.constant 0 : i32
    %c0_i32_0 = arith.constant 0 : i32
    %c0_i32_1 = arith.constant 0 : i32
    return %arg0, %c0_i32, %c0_i32_0 : i32, i32, i32
  }
}

module attributes {stable_mosaic.version = 14 : i64} {
  func.func @_dsum_kernel(%arg0: i32, %arg1: i32, %arg2: memref<1x256x1600xf32, #tpu.memory_space<vmem>>, %arg3: memref<1x256x1600xf32, #tpu.memory_space<vmem>>, %arg4: memref<1x1x1600xf32, #tpu.memory_space<vmem>>) attributes {dimension_semantics = [#tpu.dimension_semantics<arbitrary>, #tpu.dimension_semantics<arbitrary>], iteration_bounds = array<i64: 8, 1>, scalar_prefetch = 0 : i64, scratch_operands = 0 : i64, tpu.core_type = #tpu.core_type<tc>, window_params = [{transform_indices = @transform_0, window_bounds = array<i64: 1, 256, 1600>}, {transform_indices = @transform_1, window_bounds = array<i64: 1, 256, 1600>}, {transform_indices = @transform_2, window_bounds = array<i64: 1, 1, 1600>}]} {
    %get3A = arith.constant 0 : index
    %get3A_0 = arith.constant 0 : index
    %get3A_1 = arith.constant 0 : index
    %get3A_2 = vector.load %arg2[%get3A, %get3A_0, %get3A_1] : memref<1x256x1600xf32, #tpu.memory_space<vmem>>, vector<1x256x1600xf32>
    %get3A_3 = arith.constant 0 : index
    %get3A_4 = arith.constant 0 : index
    %get3A_5 = arith.constant 0 : index
    %get3A_6 = vector.load %arg3[%get3A_3, %get3A_4, %get3A_5] : memref<1x256x1600xf32, #tpu.memory_space<vmem>>, vector<1x256x1600xf32>
    %sub3A = arith.subf %get3A_2, %get3A_6 : vector<1x256x1600xf32>
    %mul3A = arith.mulf %sub3A, %sub3A : vector<1x256x1600xf32>
    %reduce_sum3A = arith.constant dense<0.000000e+00> : vector<1x1600xf32>
    %reduce_sum3A_7 = vector.multi_reduction <add>, %mul3A, %reduce_sum3A [1] : vector<1x256x1600xf32> to vector<1x1600xf32>
    %broadcast_in_dim3A = vector.shape_cast %reduce_sum3A_7 : vector<1x1600xf32> to vector<1x1x1600xf32>
    %eq3A = arith.constant 0 : i32
    %eq3A_8 = arith.cmpi eq, %arg1, %eq3A : i32
    %convert_element_type3A = arith.extui %eq3A_8 : i1 to i32
    %cond3A = arith.constant 0 : i32
    %cond3A_9 = arith.cmpi ne, %convert_element_type3A, %cond3A : i32
    scf.if %cond3A_9 {
      %swap3A = arith.constant 0 : index
      %swap3A_14 = arith.constant 0 : index
      %swap3A_15 = arith.constant 0 : index
      %swap3A_16 = vector.load %arg4[%swap3A, %swap3A_14, %swap3A_15] : memref<1x1x1600xf32, #tpu.memory_space<vmem>>, vector<1x1x1600xf32>
      tpu.vector_store %arg4[%swap3A, %swap3A_14, %swap3A_15], %broadcast_in_dim3A {strides = array<i32>} : memref<1x1x1600xf32, #tpu.memory_space<vmem>>, vector<1x1x1600xf32>,
    } else {
    }
    %ne3A = arith.constant 0 : i32
    %ne3A_10 = arith.cmpi ne, %arg1, %ne3A : i32
    %convert_element_type3A_11 = arith.extui %ne3A_10 : i1 to i32
    %cond3A_12 = arith.constant 0 : i32
    %cond3A_13 = arith.cmpi ne, %convert_element_type3A_11, %cond3A_12 : i32
    scf.if %cond3A_13 {
      %get3A_14 = arith.constant 0 : index
      %get3A_15 = arith.constant 0 : index
      %get3A_16 = arith.constant 0 : index
      %get3A_17 = vector.load %arg4[%get3A_14, %get3A_15, %get3A_16] : memref<1x1x1600xf32, #tpu.memory_space<vmem>>, vector<1x1x1600xf32>
      %add3A = arith.addf %get3A_17, %broadcast_in_dim3A : vector<1x1x1600xf32>
      %swap3A = arith.constant 0 : index
      %swap3A_18 = arith.constant 0 : index
      %swap3A_19 = arith.constant 0 : index
      %swap3A_20 = vector.load %arg4[%swap3A, %swap3A_18, %swap3A_19] : memref<1x1x1600xf32, #tpu.memory_space<vmem>>, vector<1x1x1600xf32>
      tpu.vector_store %arg4[%swap3A, %swap3A_18, %swap3A_19], %add3A {strides = array<i32>} : memref<1x1x1600xf32, #tpu.memory_space<vmem>>, vector<1x1x1600xf32>,
    } else {
    }
    return
  }
  func.func @transform_0(%arg0: i32, %arg1: i32) -> (i32, i32, i32) {
    %c0_i32 = arith.constant 0 : i32
    %c0_i32_0 = arith.constant 0 : i32
    return %arg0, %arg1, %c0_i32 : i32, i32, i32
  }
  func.func @transform_1(%arg0: i32, %arg1: i32) -> (i32, i32, i32) {
    %c0_i32 = arith.constant 0 : i32
    %c0_i32_0 = arith.constant 0 : i32
    return %arg0, %arg1, %c0_i32 : i32, i32, i32
  }
  func.func @transform_2(%arg0: i32, %arg1: i32) -> (i32, i32, i32) {
    %c0_i32 = arith.constant 0 : i32
    %c0_i32_0 = arith.constant 0 : i32
    %c0_i32_1 = arith.constant 0 : i32
    return %arg0, %c0_i32, %c0_i32_0 : i32, i32, i32
  }
}

module attributes {stable_mosaic.version = 14 : i64} {
  func.func @_combine_kernel(%arg0: memref<8x1x6400xf32, #tpu.memory_space<vmem>>, %arg1: memref<8x1x6400xf32, #tpu.memory_space<vmem>>, %arg2: memref<8x1x1600xf32, #tpu.memory_space<vmem>>, %arg3: memref<8x1x1600xf32, #tpu.memory_space<vmem>>, %arg4: memref<1x1xf32, #tpu.memory_space<smem>>) attributes {dimension_semantics = [], scalar_prefetch = 0 : i64, scratch_operands = 0 : i64, tpu.core_type = #tpu.core_type<tc>} {
    %get3A = arith.constant 0 : index
    %get3A_0 = arith.constant 0 : index
    %get3A_1 = arith.constant 0 : index
    %get3A_2 = vector.load %arg0[%get3A, %get3A_0, %get3A_1] : memref<8x1x6400xf32, #tpu.memory_space<vmem>>, vector<8x1x6400xf32>
    %mul3A = arith.mulf %get3A_2, %get3A_2 : vector<8x1x6400xf32>
    %get3A_3 = arith.constant 0 : index
    %get3A_4 = arith.constant 0 : index
    %get3A_5 = arith.constant 0 : index
    %get3A_6 = vector.load %arg1[%get3A_3, %get3A_4, %get3A_5] : memref<8x1x6400xf32, #tpu.memory_space<vmem>>, vector<8x1x6400xf32>
    %mul3A_7 = arith.mulf %mul3A, %get3A_6 : vector<8x1x6400xf32>
    %reduce_sum3A = vector.shape_cast %mul3A_7 : vector<8x1x6400xf32> to vector<1x8x1x6400xf32>
    %reduce_sum3A_8 = arith.constant dense<0.000000e+00> : vector<1xf32>
    %reduce_sum3A_9 = vector.multi_reduction <add>, %reduce_sum3A, %reduce_sum3A_8 [1, 2, 3] : vector<1x8x1x6400xf32> to vector<1xf32>
    %reduce_sum3A_10 = vector.shape_cast %reduce_sum3A_9 : vector<1xf32> to vector<1x1x1x1xf32>
    %reduce_sum3A_11 = vector.extract %reduce_sum3A_10[0, 0, 0, 0] : f32 from vector<1x1x1x1xf32>
    %reduce_sum3A_12 = vector.shape_cast %get3A_2 : vector<8x1x6400xf32> to vector<1x8x1x6400xf32>
    %reduce_sum3A_13 = arith.constant dense<0.000000e+00> : vector<1xf32>
    %reduce_sum3A_14 = vector.multi_reduction <add>, %reduce_sum3A_12, %reduce_sum3A_13 [1, 2, 3] : vector<1x8x1x6400xf32> to vector<1xf32>
    %reduce_sum3A_15 = vector.shape_cast %reduce_sum3A_14 : vector<1xf32> to vector<1x1x1x1xf32>
    %reduce_sum3A_16 = vector.extract %reduce_sum3A_15[0, 0, 0, 0] : f32 from vector<1x1x1x1xf32>
    %get3A_17 = arith.constant 0 : index
    %get3A_18 = arith.constant 0 : index
    %get3A_19 = arith.constant 0 : index
    %get3A_20 = vector.load %arg2[%get3A_17, %get3A_18, %get3A_19] : memref<8x1x1600xf32, #tpu.memory_space<vmem>>, vector<8x1x1600xf32>
    %mul3A_21 = arith.mulf %get3A_20, %get3A_20 : vector<8x1x1600xf32>
    %get3A_22 = arith.constant 0 : index
    %get3A_23 = arith.constant 0 : index
    %get3A_24 = arith.constant 0 : index
    %get3A_25 = vector.load %arg3[%get3A_22, %get3A_23, %get3A_24] : memref<8x1x1600xf32, #tpu.memory_space<vmem>>, vector<8x1x1600xf32>
    %mul3A_26 = arith.mulf %mul3A_21, %get3A_25 : vector<8x1x1600xf32>
    %reduce_sum3A_27 = vector.shape_cast %mul3A_26 : vector<8x1x1600xf32> to vector<1x8x1x1600xf32>
    %reduce_sum3A_28 = arith.constant dense<0.000000e+00> : vector<1xf32>
    %reduce_sum3A_29 = vector.multi_reduction <add>, %reduce_sum3A_27, %reduce_sum3A_28 [1, 2, 3] : vector<1x8x1x1600xf32> to vector<1xf32>
    %reduce_sum3A_30 = vector.shape_cast %reduce_sum3A_29 : vector<1xf32> to vector<1x1x1x1xf32>
    %reduce_sum3A_31 = vector.extract %reduce_sum3A_30[0, 0, 0, 0] : f32 from vector<1x1x1x1xf32>
    %reduce_sum3A_32 = vector.shape_cast %get3A_20 : vector<8x1x1600xf32> to vector<1x8x1x1600xf32>
    %reduce_sum3A_33 = arith.constant dense<0.000000e+00> : vector<1xf32>
    %reduce_sum3A_34 = vector.multi_reduction <add>, %reduce_sum3A_32, %reduce_sum3A_33 [1, 2, 3] : vector<1x8x1x1600xf32> to vector<1xf32>
    %reduce_sum3A_35 = vector.shape_cast %reduce_sum3A_34 : vector<1xf32> to vector<1x1x1x1xf32>
    %reduce_sum3A_36 = vector.extract %reduce_sum3A_35[0, 0, 0, 0] : f32 from vector<1x1x1x1xf32>
    %mul3A_37 = arith.constant 2.560000e+02 : f32
    %mul3A_38 = arith.mulf %mul3A_37, %reduce_sum3A_16 : f32
    %div3A = arith.divf %reduce_sum3A_11, %mul3A_38 : f32
    %mul3A_39 = arith.constant 2.560000e+02 : f32
    %mul3A_40 = arith.mulf %mul3A_39, %reduce_sum3A_36 : f32
    %div3A_41 = arith.divf %reduce_sum3A_31, %mul3A_40 : f32
    %add3A = arith.addf %div3A, %div3A_41 : f32
    %mul3A_42 = arith.constant 5.000000e-01 : f32
    %mul3A_43 = arith.mulf %mul3A_42, %add3A : f32
    %swap3A = arith.constant 0 : index
    %swap3A_44 = arith.constant 0 : index
    %swap3A_45 = memref.load %arg4[%swap3A, %swap3A_44] : memref<1x1xf32, #tpu.memory_space<smem>>
    memref.store %mul3A_43, %arg4[%swap3A, %swap3A_44] : memref<1x1xf32, #tpu.memory_space<smem>>
    return
  }
}

</mosaic_0001>

<sc_bundles>
// kernel: kernel.6.cloned.1.call-start
scs
__scs_entry_jumppad:
0x0: {  	(pc) =	sbr.rel $0x88, $3  }
0x1: {  	(tag) =	ssettag $0x0;
	lr =	simm.s32 $0x1  }
0x2: {  	[smem:$0x3F9B] =	sst lr;
	_ =	strace $0xD0000000  }
0x3: {  	_ = 	snop  }
0x4: {  	_ = 	snop  }
0x5: {  	_ = 	snop  }
0x6: {  	_ = 	snop  }
0x7: {  	_ = 	snop  }
__scs_overlays_trampoline_lowered:
0x8: {  	[smem:$0x3FAA] =	sst s0  }
0x9: {  	[smem:$0x3FAB] =	sst s1  }
0xa: {  	[smem:$0x3FAC] =	sst s2  }
0xb: {  	[smem:$0x3FAD] =	sst s3  }
0xc: {  	[smem:$0x3FAE] =	sst s4  }
0xd: {  	[smem:$0x3FAF] =	sst s5  }
0xe: {  	[smem:$0x3FB0] =	sst s6  }
0xf: {  	[smem:$0x3FB1] =	sst s7  }
0x10: {  	[smem:$0x3FB2] =	sst s8  }
0x11: {  	[smem:$0x3FB3] =	sst s9;
	s0 =	simm.s32 @!p0 $0x0  }
0x12: {  	s1 =	sld [smem:$0x3F99];
	s0 =	simm.s32 @p0 $0x1  }
0x13: {  	[smem:$0x3FB4] =	sst s0;
	s0 =	simm.s32 @!p1 $0x0  }
0x14: {  	s2 =	sld [smem:$0x3F98];
	s0 =	simm.s32 @p1 $0x1  }
0x15: {  	[smem:$0x3FB5] =	sst s0;
	s0 =	simm.s32 @!p2 $0x0  }
0x16: {  	s3 =	sld [smem:$0x3FDB];
	s0 =	simm.s32 @p2 $0x1  }
0x17: {  	s4 =	simm.s32 $0x1BF5;
	[smem:$0x3FB7] =	sst s0  }
0x18: {  	s0 =	sld [smem:$0x3F9A];
	_ =	swait.ge [sflag:s4], $0x0  }
0x19: {  	s7 =	sld [smem:$0x3F9B]  }
0x1a: {  	s8 =	sadd.s32 $0xFFFFE003, lr  }
0x1b: {  	s9 =	sadd.s32 $0xFFFFFEF7, lr;
	s5 =	simm.s32 $0xFFFFFFFF;
	p2 =	slt.u32 s8, $0xFFFFF086  }
0x1c: {  	p1 =	slt.u32 s9, $0xF7A;
	s5 =	simm.s32 @!p2 $0x0  }
0x1d: {  	s5 =	simm.s32 @p1 $0x1;
	p0 =	seq.s32 s7, s2  }
0x1e: {  	s7 =	smul.u32 @!p0 $0xF7A, s2;
	p2 =	seq.s32 @!p0 s5, $0x0  }
0x1f: {  	s9 =	smul.u32 $0xF7A, s1;
	s8 =	simm.s32 @!p0 $0x1BF5;
	p2 =	por !p2, p0  }
0x20: {  	[sflag:s8] =	ssyncset.s32 @!p0 $0xFFFFF086;
	s6 =	sadd.s32 @!p0 s3, s7;
	s7 =	simm.s32 @!p0 $0x108  }
0x21: {  	s3 =	sadd.s32 s3, s9;
	s6 =	sadd.s32 @!p0 $0x88, s6;
	s7 =	simm.s32 @p2 $0x1082  }
0x22: {  	[simem:s7], [sflag:s8] =	dma.local @!p0 [hbm:s6], $0xF7A  }
0x23: {  	s9 =	sor.u32 $0xD0000000, s2;
	s6 =	simm.s32 $0x108;
	_ =	swait.ge @!p0 [sflag:s8], $0x0  }
0x24: {  	s3 =	sadd.s32 $0x88, s3;
	s6 =	simm.s32 @!p1 $0x1082;
	[sflag:s4] =	ssyncset.s32 $0xFFFFF086  }
0x25: {  	[simem:s6], [sflag:s4] =	dma.local [hbm:s3], $0xF7A  }
0x26: {  	[smem:$0x3F9B] =	sst s1;
	(tag) =	ssettag s2;
	_ =	strace s9  }
0x27: {  	s1 =	sld [smem:$0x3FAB]  }
0x28: {  	s2 =	sld [smem:$0x3FAC]  }
0x29: {  	s4 =	sld [smem:$0x3FAE]  }
0x2a: {  	p0 =	seq.s32 s5, $0x0;
	s5 =	sld [smem:$0x3FAF]  }
0x2b: {  	s6 =	sld [smem:$0x3FB0]  }
0x2c: {  	s7 =	sld [smem:$0x3FB1]  }
0x2d: {  	s3 =	simm.s32 $0x108;
	s8 =	sld [smem:$0x3FB2]  }
0x2e: {  	s3 =	simm.s32 @!p0 $0x1082;
	s9 =	sld [smem:$0x3FB3]  }
0x2f: {  	lr =	sadd.s32 s0, s3;
	s0 =	sld [smem:$0x3FAA]  }
0x30: {  	s3 =	sld [smem:$0x3FAD]  }
0x31: {  	[smem:$0x3FB6] =	sst s10  }
0x32: {  	s10 =	sld [smem:$0x3FB4];
	_ =	sdelay $0x3  }
0x33: {  	p0 =	seq.s32 s10, $0x1;
	s10 =	sld [smem:$0x3FB6];
	_ =	sdelay $0x3  }
0x34: {  	[smem:$0x3FB6] =	sst s10  }
0x35: {  	s10 =	sld [smem:$0x3FB5];
	_ =	sdelay $0x3  }
0x36: {  	p1 =	seq.s32 s10, $0x1;
	s10 =	sld [smem:$0x3FB6];
	_ =	sdelay $0x3  }
0x37: {  	[smem:$0x3FB6] =	sst s10  }
0x38: {  	s10 =	sld [smem:$0x3FB7]  }
0x39: {  	_ = 	snop;
	(pc) =	sbr.ind lr, $3  }
0x3a: {  	_ = 	snop  }
0x3b: {  	_ = 	snop  }
0x3c: {  	p2 =	seq.s32 s10, $0x1;
	s10 =	sld [smem:$0x3FB6]  }
0x3d: {  	_ =	shalt  }
0x3e: {  	_ =	shalt  }
0x3f: {  	_ =	shalt  }
0x40: {  	_ =	shalt  }
0x41: {  	_ =	shalt  }
0x42: {  	_ =	shalt  }
0x43: {  	_ =	shalt  }
0x44: {  	_ =	shalt  }
0x45: {  	_ =	shalt  }
0x46: {  	_ =	shalt  }
0x47: {  	_ =	shalt  }
0x48: {  	_ =	shalt  }
0x49: {  	_ =	shalt  }
0x4a: {  	_ =	shalt  }
0x4b: {  	_ =	shalt  }
0x4c: {  	_ =	shalt  }
0x4d: {  	_ =	shalt  }
0x4e: {  	_ =	shalt  }
0x4f: {  	_ =	shalt  }
0x50: {  	_ =	shalt  }
0x51: {  	_ =	shalt  }
0x52: {  	_ =	shalt  }
0x53: {  	_ =	shalt  }
0x54: {  	_ =	shalt  }
0x55: {  	_ =	shalt  }
0x56: {  	_ =	shalt  }
0x57: {  	_ =	shalt  }
0x58: {  	_ =	shalt  }
0x59: {  	_ =	shalt  }
0x5a: {  	_ =	shalt  }
0x5b: {  	_ =	shalt  }
0x5c: {  	_ =	shalt  }
0x5d: {  	_ =	shalt  }
0x5e: {  	_ =	shalt  }
0x5f: {  	_ =	shalt  }
0x60: {  	_ =	shalt  }
0x61: {  	_ =	shalt  }
0x62: {  	_ =	shalt  }
0x63: {  	_ =	shalt  }
0x64: {  	_ =	shalt  }
0x65: {  	_ =	shalt  }
0x66: {  	_ =	shalt  }
0x67: {  	_ =	shalt  }
0x68: {  	_ =	shalt  }
0x69: {  	_ =	shalt  }
0x6a: {  	_ =	shalt  }
0x6b: {  	_ =	shalt  }
0x6c: {  	_ =	shalt  }
0x6d: {  	_ =	shalt  }
0x6e: {  	_ =	shalt  }
0x6f: {  	_ =	shalt  }
0x70: {  	_ =	shalt  }
0x71: {  	_ =	shalt  }
0x72: {  	_ =	shalt  }
0x73: {  	_ =	shalt  }
0x74: {  	_ =	shalt  }
0x75: {  	_ =	shalt  }
0x76: {  	_ =	shalt  }
0x77: {  	_ =	shalt  }
0x78: {  	_ =	shalt  }
0x79: {  	_ =	shalt  }
0x7a: {  	_ =	shalt  }
0x7b: {  	_ =	shalt  }
0x7c: {  	_ =	shalt  }
0x7d: {  	_ =	shalt  }
0x7e: {  	_ =	shalt  }
0x7f: {  	_ =	shalt  }
0x80: {  	_ =	shalt  }
0x81: {  	_ =	shalt  }
0x82: {  	_ =	shalt  }
0x83: {  	_ =	shalt  }
0x84: {  	_ =	shalt  }
0x85: {  	_ =	shalt  }
0x86: {  	_ =	shalt  }
0x87: {  	_ =	shalt  }
.Lfunc_end0:
.L_simem_size_0:
called_computation_lowered:
.L_overlay_start_0:
0x88: {  	s2 =	sld [smem:$0x3FD9]  }
0x89: {  	s3 =	sld [smem:$0x3FFE];
	_ =	sdelay $0x1  }
0x8a: {  	s1 =	srdreg.scid  }
0x8b: {  	s0 =	sand.u32 $0x1, s1  }
0x8c: {  	s17 =	sshll.u32 s0, $0xA;
	s2 =	sadd.s32 s3, s2  }
0x8d: {  	s2 =	sadd.s32 s2, s17  }
0x8e: {  	[smem:$0x3FC2] =	sst s2  }
0x8f: {  	_ = 	snop  }
0x90: {  	s2 =	sld [smem:$0x3FD0];
	(tm) =	ssettm $0x1  }
0x91: {  	s18 =	sld [smem:$0x3FFB];
	_ =	sdelay $0x3  }
0x92: {  	_ =	strace s18  }
0x93: {  	s3 =	sld [smem:$0x3FFC];
	_ =	sdelay $0x3  }
0x94: {  	_ =	strace s3  }
0x95: {  	s3 =	sld [smem:$0x3FFD];
	_ =	sdelay $0x3  }
0x96: {  	_ =	strace s3  }
0x97: {  	_ =	strace $0x8FFFFFFF  }
0x98: {  	s19 =	sld [smem:$0x3FDB];
	_ =	sdelay $0x1  }
0x99: {  	s4 =	simm.s32 $_scs_section_size  }
0x9a: {  	s5 =	simm.s32 $_size__tile_overlayer_lowered;
	s6 =	simm.s32 $_tile_overlayer_lowered  }
0x9b: {  	s22 =	simm.s32 $0x1BFF;
	s21 =	sshll.u32 s6, $0x1;
	s3 =	sadd.s32 s4, s19  }
0x9c: {  	s7 =	simm.s32 $0x0;
	s20 =	sshll.u32 s5, $0x1;
	s5 =	sadd.s32 s21, s3  }
0x9d: {  	[timem:s7], [sflag:s22] =	dma.local [hbm:s5], s20  }
0x9e: {  	_ =	swait.ge [sflag:s22], s20  }
0x9f: {  	s4 =	ssub.s32 $0x0, s20;
	[sflag:s22] =	ssyncset.done $0x0  }
0xa0: {  	[sflag:s22] =	ssyncadd.s32 s4;
	_ =	sdelay $0x1  }
0xa1: {  	s23 =	simm.s32 $0x1B8B  }
0xa2: {  	_ =	swait.ge [sflag:s23], $0x1  }
0xa3: {  	[sflag:s23] =	ssyncset.done $0x0  }
0xa4: {  	s25 =	simm.s32 $0x1B8E;
	s24 =	sld [smem:$0x3FFE];
	[sflag:s23] =	ssyncadd.s32 $0xFFFFFFFF  }
0xa5: {  	s26 =	simm.s32 $execute0_lowered;
	[smem:$0x3FD2] =	sst s25  }
0xa6: {  	s5 =	sshll.u32 s26, $0x1;
	_ =	strace $0x80000046;
	[dreg:$0x1] =	wrdreg $0xFFFFFFFF  }
0xa7: {  	s28 =	simm.s32 $_size_execute0_lowered;
	s3 =	sadd.s32 s3, s5;
	[dreg:$0x0] =	wrdreg $0x0  }
0xa8: {  	s5 =	sshll.u32 s28, $0x1;
	[dreg:$0x2] =	wrdreg s3  }
0xa9: {  	[dreg:$0x3] =	wrdreg s5  }
0xaa: {  	[dreg:$0x4] =	wrdreg $0xC0  }
0xab: {  	_ =	task [dreg:s7], $0x5FFFF  }
0xac: {  	[dreg:$0x1] =	wrdreg $0xFFFFFFFF  }
0xad: {  	[dreg:$0x0] =	wrdreg $0x60  }
0xae: {  	[dreg:$0x2] =	wrdreg s2  }
0xaf: {  	[dreg:$0x3] =	wrdreg s24  }
0xb0: {  	[dreg:$0x4] =	wrdreg $0x9  }
0xb1: {  	_ =	task.clear_ibuf [dreg:s7], $0x5FFFF;
	_ =	strace $0x90000046  }
0xb2: {  	s29 =	simm.s32 $0x9;
	_ =	strace $0x80000048  }
0xb3: {  	_ =	swait.ge [sflag:s29], $0x1  }
0xb4: {  	[sflag:s29] =	ssyncadd.s32 $0xFFFFFFFF  }
0xb5: {  	_ =	strace $0x90000048  }
0xb6: {  	_ =	sfence  }
0xb7: {  	s30 =	sld [smem:$0x0];
	_ =	sdelay $0x2  }
0xb8: {  	s31 =	sshll.u32 s1, $0xD;
	s1 =	sshrl.u32 s1, $0x2  }
0xb9: {  	s3 =	sand.u32 $0x4000, s31;
	s1 =	sadd.s32 s1, s30  }
0xba: {  	s0 =	sor.u32 s3, s0;
	s1 =	sshll.u32 s1, $0x11  }
0xbb: {  	s0 =	sor.u32 s1, s0  }
0xbc: {  	s0 =	sadd.s32 $0x8F2B, s0  }
0xbd: {  	[sflag:s0] =	ssyncadd.remote.s32 $0x1  }
0xbe: {  	_ =	sfence.sel $0xFFFF  }
0xbf: {  	[dreg:$0x0] =	wrdreg $0xFFFFFFFF;
	(pc) =	sbr.abs _section_cstart, $3  }
0xc0: {  	[dreg:$0x1] =	wrdreg $0xFFFFFFFF  }
0xc1: {  	_ =	task.clear_ibuf [dreg:s7], $0x2FFFF;
	_ =	strace $0x9FFFFFFF  }
0xc2: {  	(tm) =	ssettm $0x7FFFFFFF  }
0xc3: {  	_ =	shalt  }
tec
execute0_lowered:
.L_overlay_start_1:
0x0: {  	(tag) =	ssettag $0x1  }
0x1: {  	s1 =	srdreg.scid;
	s2 =	rddreg [dreg:$0x0]  }
0x2: {  	s0 =	stileid.u32;
	s11 =	rddreg [dreg:$0x1]  }
0x3: {  	s5 =	simm.s32 $0x1;
	s18 =	simm.s32 $0x280;
	s19 =	simm.s32 $0x0  }
0x4: {  	s10 =	sand.u32 $0x1, s1;
	s29 =	sshll.u32 s0, $0x1;
	s3 =	sshrl.u32 s0, $0x1  }
0x5: {  	s1 =	rddreg [dreg:$0x2];
	s4 =	sor.u32 s10, s29;
	s6 =	smul.u32 $0x1900, s3  }
0x6: {  	p1 =	seq.s32 s10, $0x1;
	s13 =	smul.u32 $0x320, s10;
	s15 =	ssub.s32 $0x2, s10  }
0x7: {  	s30 =	smul.u32 $0xC80, s10;
	p0 =	seq.s32 s4, $0x0;
	s12 =	sand.u32 $0x3, s4  }
0x8: {  	s4 =	simm.s32 $0x0;
	s16 =	sshrl.u32 s15, $0x1;
	s7 =	smul.u32 $0x640, s12  }
0x9: {  	p0 =	por !p0, !p1;
	[smem:$0x7FF] =	sst s4;
	s8 =	smul.u32 $0x14, s12  }
0xa: {  	s17 =	smul.u32 $0x1900, s12;
	s15 =	ssub.s32 s15, s16;
	s16 =	ssub.s32 $0x40, s30  }
0xb: {  	p0 =	por !p0, !p0;
	_ =	strace $0x80000047;
	s16 =	sshra.s32 s16, $0x2  }
0xc: {  	s5 =	simm.s32 @!p0 $0x0;
	s7 =	sadd.s32 s6, s7;
	s6 =	sadd.s32 $0x1A00, s11  }
0xd: {  	s17 =	ssub.s32 $0x80, s17;
	s16 =	sadd.s32 $0x280, s16;
	s5 =	ssub.s32 s0, s5  }
0xe: {  	p0 =	sgt.u32 s0, $0x7;
	s7 =	sshrl.u32 s7, $0x3;
	s9 =	smul.u32 $0x640, s5  }
.Ltmp0:
0xf: {  	s31 =	sshra.s32 s17, $0x2;
	s17 =	simm.s32 $0x80;
	(pc) =	sbr.rel .LBB2_1-.Ltmp0, $4  }
0x10: {  	s14 =	sadd.s32 s7, s11;
	s13 =	sadd.s32 s13, s9;
	s9 =	smul.u32 $0x14, s10  }
0x11: {  	s7 =	simm.s32 $0x1;
	s10 =	sadd.s32 $0x13, s8;
	s13 =	sshrl.u32 s13, $0x3  }
0x12: {  	s13 =	sadd.s32 s13, s11;
	s11 =	sadd.s32 $0x2400, s14;
	s12 =	sadd.s32 $0x13, s9  }
0x13: {  	v0 =	vimm.f32 $0.0e+00;
	s14 =	smax.u32 s15, $0x1;
	s15 =	sadd.s32 $0x280, s31;
	s13 =	sadd.s32 $0x1C00, s13  }
.LBB2_20:
0x14: {  	[hbm4b:s13+s4] =	stream.linear.scatter [tilespmem:s18], [sflag:$0x1], $0x320, $0x38;
	[tilespmem:$0xF00] =	vst v63  }
0x15: {  	_ =	swait.ge [sflag:s7], $0x320  }
0x16: {  	[sflag:s7] =	ssyncset.done $0x0  }
0x17: {  	[sflag:s7] =	ssyncadd.s32 $0xFFFFFCE0  }
.LBB2_21:
0x18: {  	s19 =	sadd.s32 $0x1, s19  }
0x19: {  	p1 =	sne.s32 s19, s14  }
.Ltmp1:
0x1a: {  	_ = 	snop;
	(pc) =	sbr.rel @!p1 .LBB2_22-.Ltmp1, $1  }
0x1b: {  	_ =	sdelay $0x3  }
.LBB2_1:
0x1c: {  	[tilespmem:s4], [sflag:$0x1] =	stream.linear.gather [hbm4b:s2+s4], $0x80, $0x38;
	[tilespmem:$0xF00] =	vst v63  }
0x1d: {  	_ =	swait.ge [sflag:s7], $0x80  }
0x1e: {  	[sflag:s7] =	ssyncset.done $0x0  }
0x1f: {  	[sflag:s7] =	ssyncadd.s32 $0xFFFFFF80  }
0x20: {  	[tilespmem:s17], [sflag:$0x1] =	stream.linear.gather [hbm4b:s6+s4], $0x180, $0x38;
	[tilespmem:$0xF00] =	vst v63  }
0x21: {  	_ =	swait.ge [sflag:s7], $0x180  }
0x22: {  	[sflag:s7] =	ssyncset.done $0x0  }
0x23: {  	[sflag:s7] =	ssyncadd.s32 $0xFFFFFE80  }
0x24: {  	[tilespmem:$0x280] =	vst v0  }
0x25: {  	[tilespmem:$0x290] =	vst v0  }
0x26: {  	[tilespmem:$0x2A0] =	vst v0  }
0x27: {  	[tilespmem:$0x2B0] =	vst v0  }
0x28: {  	[tilespmem:$0x2C0] =	vst v0  }
0x29: {  	[tilespmem:$0x2D0] =	vst v0  }
0x2a: {  	[tilespmem:$0x2E0] =	vst v0  }
0x2b: {  	[tilespmem:$0x2F0] =	vst v0  }
0x2c: {  	[tilespmem:$0x300] =	vst v0  }
0x2d: {  	[tilespmem:$0x310] =	vst v0  }
0x2e: {  	[tilespmem:$0x320] =	vst v0  }
0x2f: {  	[tilespmem:$0x330] =	vst v0  }
0x30: {  	[tilespmem:$0x340] =	vst v0  }
0x31: {  	[tilespmem:$0x350] =	vst v0  }
0x32: {  	[tilespmem:$0x360] =	vst v0  }
0x33: {  	[tilespmem:$0x370] =	vst v0  }
0x34: {  	[tilespmem:$0x380] =	vst v0  }
0x35: {  	[tilespmem:$0x390] =	vst v0  }
0x36: {  	[tilespmem:$0x3A0] =	vst v0  }
0x37: {  	[tilespmem:$0x3B0] =	vst v0  }
0x38: {  	[tilespmem:$0x3C0] =	vst v0  }
0x39: {  	[tilespmem:$0x3D0] =	vst v0  }
0x3a: {  	[tilespmem:$0x3E0] =	vst v0  }
0x3b: {  	[tilespmem:$0x3F0] =	vst v0  }
0x3c: {  	[tilespmem:$0x400] =	vst v0  }
0x3d: {  	[tilespmem:$0x410] =	vst v0  }
0x3e: {  	[tilespmem:$0x420] =	vst v0  }
0x3f: {  	[tilespmem:$0x430] =	vst v0  }
0x40: {  	[tilespmem:$0x440] =	vst v0  }
0x41: {  	[tilespmem:$0x450] =	vst v0  }
0x42: {  	[tilespmem:$0x460] =	vst v0  }
0x43: {  	[tilespmem:$0x470] =	vst v0  }
0x44: {  	[tilespmem:$0x480] =	vst v0  }
0x45: {  	[tilespmem:$0x490] =	vst v0  }
0x46: {  	[tilespmem:$0x4A0] =	vst v0  }
0x47: {  	[tilespmem:$0x4B0] =	vst v0  }
0x48: {  	[tilespmem:$0x4C0] =	vst v0  }
0x49: {  	[tilespmem:$0x4D0] =	vst v0  }
0x4a: {  	[tilespmem:$0x4E0] =	vst v0  }
0x4b: {  	[tilespmem:$0x4F0] =	vst v0  }
0x4c: {  	[tilespmem:$0x500] =	vst v0  }
0x4d: {  	[tilespmem:$0x510] =	vst v0  }
0x4e: {  	[tilespmem:$0x520] =	vst v0  }
0x4f: {  	[tilespmem:$0x530] =	vst v0  }
0x50: {  	[tilespmem:$0x540] =	vst v0  }
0x51: {  	[tilespmem:$0x550] =	vst v0  }
0x52: {  	[tilespmem:$0x560] =	vst v0  }
0x53: {  	[tilespmem:$0x570] =	vst v0  }
0x54: {  	[tilespmem:$0x580] =	vst v0  }
0x55: {  	[tilespmem:$0x590] =	vst v0  }
0x56: {  	[tilespmem:$0x5A0] =	vst v0  }
0x57: {  	[tilespmem:$0x5B0] =	vst v0  }
0x58: {  	[tilespmem:$0x5C0] =	vst v0  }
0x59: {  	[tilespmem:$0x5D0] =	vst v0  }
0x5a: {  	[tilespmem:$0x5E0] =	vst v0  }
0x5b: {  	[tilespmem:$0x5F0] =	vst v0  }
0x5c: {  	[tilespmem:$0x600] =	vst v0  }
0x5d: {  	[tilespmem:$0x610] =	vst v0  }
0x5e: {  	[tilespmem:$0x620] =	vst v0  }
0x5f: {  	[tilespmem:$0x630] =	vst v0  }
0x60: {  	[tilespmem:$0x640] =	vst v0  }
0x61: {  	[tilespmem:$0x650] =	vst v0  }
0x62: {  	[tilespmem:$0x660] =	vst v0  }
0x63: {  	[tilespmem:$0x670] =	vst v0  }
0x64: {  	[tilespmem:$0x680] =	vst v0  }
0x65: {  	[tilespmem:$0x690] =	vst v0  }
0x66: {  	[tilespmem:$0x6A0] =	vst v0  }
0x67: {  	[tilespmem:$0x6B0] =	vst v0  }
0x68: {  	[tilespmem:$0x6C0] =	vst v0  }
0x69: {  	[tilespmem:$0x6D0] =	vst v0  }
0x6a: {  	[tilespmem:$0x6E0] =	vst v0  }
0x6b: {  	[tilespmem:$0x6F0] =	vst v0  }
0x6c: {  	[tilespmem:$0x700] =	vst v0  }
0x6d: {  	[tilespmem:$0x710] =	vst v0  }
0x6e: {  	[tilespmem:$0x720] =	vst v0  }
0x6f: {  	[tilespmem:$0x730] =	vst v0  }
0x70: {  	[tilespmem:$0x740] =	vst v0  }
0x71: {  	[tilespmem:$0x750] =	vst v0  }
0x72: {  	[tilespmem:$0x760] =	vst v0  }
0x73: {  	[tilespmem:$0x770] =	vst v0  }
0x74: {  	[tilespmem:$0x780] =	vst v0  }
0x75: {  	[tilespmem:$0x790] =	vst v0  }
0x76: {  	[tilespmem:$0x7A0] =	vst v0  }
0x77: {  	[tilespmem:$0x7B0] =	vst v0  }
0x78: {  	[tilespmem:$0x7C0] =	vst v0  }
0x79: {  	[tilespmem:$0x7D0] =	vst v0  }
0x7a: {  	[tilespmem:$0x7E0] =	vst v0  }
0x7b: {  	[tilespmem:$0x7F0] =	vst v0  }
0x7c: {  	[tilespmem:$0x800] =	vst v0  }
0x7d: {  	[tilespmem:$0x810] =	vst v0  }
0x7e: {  	[tilespmem:$0x820] =	vst v0  }
0x7f: {  	[tilespmem:$0x830] =	vst v0  }
0x80: {  	[tilespmem:$0x840] =	vst v0  }
0x81: {  	[tilespmem:$0x850] =	vst v0  }
0x82: {  	[tilespmem:$0x860] =	vst v0  }
.Ltmp2:
0x83: {  	[tilespmem:$0x870] =	vst v0;
	(pc) =	sbr.rel .LBB2_2-.Ltmp2, $4  }
0x84: {  	[tilespmem:$0x880] =	vst v0  }
0x85: {  	[tilespmem:$0x890] =	vst v0  }
0x86: {  	[tilespmem:$0x8A0] =	vst v0  }
0x87: {  	s20 =	simm.s32 $0x0;
	[tilespmem:$0x8B0] =	vst v0  }
.LBB2_5:
0x88: {  	v1 =	vmul.f32 v3, v2;
	_ =	sdelay $0x1  }
0x89: {  	v1 =	vmax.f32 v4, v1  }
0x8a: {  	[tilespmem:s24+$0xFFFFFFE0] =	vst v1  }
0x8b: {  	v1 =	vld [tilespmem:$0x210];
	_ =	sdelay $0x1  }
0x8c: {  	v3 =	vld [tilespmem:s24+$0xFFFFFFF0];
	_ =	sdelay $0x2  }
0x8d: {  	v1 =	vmul.f32 v1, v2;
	_ =	sdelay $0x1  }
0x8e: {  	v1 =	vmax.f32 v3, v1  }
0x8f: {  	[tilespmem:s24+$0xFFFFFFF0] =	vst v1  }
0x90: {  	v1 =	vld [tilespmem:$0x220];
	_ =	sdelay $0x1  }
0x91: {  	v3 =	vld [tilespmem:s24+$0x0];
	_ =	sdelay $0x2  }
0x92: {  	v1 =	vmul.f32 v1, v2;
	_ =	sdelay $0x1  }
0x93: {  	v1 =	vmax.f32 v3, v1  }
0x94: {  	[tilespmem:s24+$0x0] =	vst v1  }
0x95: {  	v1 =	vld [tilespmem:$0x230];
	_ =	sdelay $0x1  }
0x96: {  	v3 =	vld [tilespmem:s24+$0x10];
	_ =	sdelay $0x2  }
0x97: {  	v1 =	vmul.f32 v1, v2;
	_ =	sdelay $0x1  }
0x98: {  	v1 =	vmax.f32 v3, v1  }
0x99: {  	[tilespmem:s24+$0x10] =	vst v1  }
0x9a: {  	v1 =	vld [tilespmem:$0x240];
	_ =	sdelay $0x1  }
0x9b: {  	v3 =	vld [tilespmem:s24+$0x20];
	_ =	sdelay $0x2  }
0x9c: {  	v1 =	vmul.f32 v1, v2;
	_ =	sdelay $0x1  }
0x9d: {  	v1 =	vmax.f32 v3, v1  }
0x9e: {  	[tilespmem:s24+$0x20] =	vst v1  }
.LBB2_6:
0x9f: {  	s20 =	sadd.s32 $0x1, s20  }
0xa0: {  	p1 =	sne.s32 s20, $0x40  }
.Ltmp3:
0xa1: {  	_ = 	snop;
	(pc) =	sbr.rel @!p1 .LBB2_7-.Ltmp3, $1  }
0xa2: {  	_ =	sdelay $0x3  }
.LBB2_2:
0xa3: {  	v1 =	vld [tilespmem:s20+$0x0];
	_ =	sdelay $0x4  }
0xa4: {  	(v2sf) =	vpush v1, $0x0;
	_ =	sdelay $0xe  }
0xa5: {  	s21 =	spop (v2sf)  }
0xa6: {  	p1 =	sne.s32 s21, s3  }
0xa7: {  	s21 =	sshll.u32 @!p1 s20, $0x2  }
0xa8: {  	s23 =	sand.u32 @!p1 $0x3FFFFFFC, s21  }
0xa9: {  	v1 =	vld @!p1 [tilespmem:s23+$0x80]  }
0xaa: {  	v2 =	vld @!p1 [tilespmem:s23+$0x81]  }
0xab: {  	v3 =	vld @!p1 [tilespmem:s23+$0x82];
	_ =	sdelay $0x2  }
0xac: {  	(v2sf) =	vpush @!p1 v1, $0x0  }
0xad: {  	(v2sf) =	vpush @!p1 v2, $0x0  }
0xae: {  	(v2sf) =	vpush @!p1 v3, $0x0;
	_ =	sdelay $0xc  }
0xaf: {  	s22 =	spop @!p1 (v2sf)  }
0xb0: {  	s21 =	spop @!p1 (v2sf)  }
0xb1: {  	s24 =	spop @!p1 (v2sf)  }
0xb2: {  	s24 =	smul.f32 @!p1 $8.000000000e+01, s24;
	_ =	sdelay $0x1  }
0xb3: {  	s24 =	scvt.f32.s32 @!p1 s24;
	_ =	sdelay $0x1  }
0xb4: {  	s25 =	sand.u32 @!p1 $0x1, s24  }
0xb5: {  	p2 =	slt.s32 @!p1 s24, $0x1;
	p3 =	seq.s32 @!p1 s25, $0x1  }
0xb6: {  	p2 =	por @!p1 !p2, !p3  }
0xb7: {  	s22 =	smul.f32 @!p1 $8.000000000e+01, s22;
	s25 =	sshrl.u32 @!p1 s24, $0x1F;
	p2 =	por @!p1 !p2, !p2  }
0xb8: {  	s24 =	sadd.s32 @!p1 s25, s24;
	s25 =	simm.s32 @!p1 $0x1;
	p2 =	por !p2, p1  }
0xb9: {  	s26 =	scvt.f32.s32 @!p1 s22;
	s22 =	sshra.s32 @!p1 s24, $0x1;
	s25 =	simm.s32 @p2 $0x0  }
0xba: {  	vm14 =	vcmask @!p1 $0x300;
	vm13 =	vcmask @!p1 $0x704;
	v1 =	vimm.f32 @!p1 $1.500000000e+01;
	s22 =	ssub.s32 @!p1 s22, s25  }
0xbb: {  	vm12 =	vcmask @!p1 $0xB08;
	vm11 =	vcmask @!p1 $0xF0C;
	v1 =	vsel @!p1 vm14, $0x0, v1;
	s24 =	ssub.s32 @!p1 s26, s22;
	s22 =	sadd.s32 @!p1 s26, s22  }
0xbc: {  	vm10 =	vcmask @!p1 $0x1310;
	vm9 =	vcmask @!p1 $0x1714;
	v1 =	vsel @!p1 vm13, $0x3F800000, v1;
	p2 =	sgt.s32 @!p1 s24, $0x0;
	p3 =	slt.s32 @!p1 s22, $0x4F  }
0xbd: {  	vm8 =	vcmask @!p1 $0x1B18;
	vm7 =	vcmask @!p1 $0x1F1C;
	v1 =	vsel @!p1 vm12, $0x40000000, v1;
	p2 =	por !p2, p1;
	p3 =	por !p3, p1  }
0xbe: {  	vm6 =	vcmask @!p1 $0x2320;
	vm5 =	vcmask @!p1 $0x2724;
	v1 =	vsel @!p1 vm11, $0x40400000, v1;
	s24 =	simm.s32 @p2 $0x0;
	s22 =	simm.s32 @p3 $0x4F  }
0xbf: {  	vm4 =	vcmask @!p1 $0x2B28;
	vm3 =	vcmask @!p1 $0x2F2C;
	v1 =	vsel @!p1 vm10, $0x40800000, v1;
	s25 =	ssub.s32 @!p1 s22, s24  }
0xc0: {  	vm0 =	vcmask @!p1 $0x3330;
	vm2 =	vcmask @!p1 $0x3734;
	v1 =	vsel @!p1 vm9, $0x40A00000, v1;
	s25 =	sadd.s32 @!p1 $0x1, s25  }
0xc1: {  	vm1 =	vcmask @!p1 $0x3B38;
	v4 =	vimm.f32 @!p1 $3.100000000e+01;
	v1 =	vsel @!p1 vm8, $0x40C00000, v1;
	s25 =	scvt.s32.f32 @!p1 s25  }
0xc2: {  	v5 =	vimm.f32 @!p1 $4.700000000e+01;
	v6 =	vimm.f32 @!p1 $6.300000000e+01;
	v1 =	vsel @!p1 vm7, $0x40E00000, v1  }
0xc3: {  	v7 =	vimm.f32 @!p1 $7.900000000e+01;
	v4 =	vsel @!p1 vm14, $0x41800000, v4;
	v1 =	vsel @!p1 vm6, $0x41000000, v1;
	s25 =	smul.f32 @!p1 s25, s25  }
0xc4: {  	v5 =	vsel @!p1 vm14, $0x42000000, v5;
	v6 =	vsel @!p1 vm14, $0x42400000, v6;
	v1 =	vsel @!p1 vm5, $0x41100000, v1  }
0xc5: {  	v7 =	vsel @!p1 vm14, $0x42800000, v7;
	v1 =	vsel @!p1 vm4, $0x41200000, v1;
	v2 =	vmov @!p1 s25  }
0xc6: {  	v4 =	vsel @!p1 vm13, $0x41880000, v4;
	v1 =	vsel @!p1 vm3, $0x41300000, v1;
	(erf) = vrcp.f32 @!p1 v2  }
0xc7: {  	v5 =	vsel @!p1 vm13, $0x42040000, v5;
	v6 =	vsel @!p1 vm13, $0x42440000, v6;
	v1 =	vsel @!p1 vm0, $0x41400000, v1;
	s25 =	scvt.s32.f32 @!p1 s26  }
0xc8: {  	v7 =	vsel @!p1 vm13, $0x42820000, v7;
	v4 =	vsel @!p1 vm12, $0x41900000, v4;
	v1 =	vsel @!p1 vm2, $0x41500000, v1  }
0xc9: {  	v5 =	vsel @!p1 vm12, $0x42080000, v5;
	v1 =	vsel @!p1 vm1, $0x41600000, v1;
	v2 =	vmov @!p1 s25  }
0xca: {  	v6 =	vsel @!p1 vm12, $0x42480000, v6;
	v7 =	vsel @!p1 vm12, $0x42840000, v7;
	v1 =	vsub.f32 @!p1 v1, v2  }
0xcb: {  	v4 =	vsel @!p1 vm11, $0x41980000, v4;
	v5 =	vsel @!p1 vm11, $0x420C0000, v5;
	v6 =	vsel @!p1 vm11, $0x424C0000, v6  }
0xcc: {  	v7 =	vsel @!p1 vm11, $0x42860000, v7;
	v4 =	vsel @!p1 vm10, $0x41A00000, v4;
	v1 =	vmul.f32 @!p1 v1, v1  }
0xcd: {  	v5 =	vsel @!p1 vm10, $0x42100000, v5;
	v6 =	vsel @!p1 vm10, $0x42500000, v6;
	v7 =	vsel @!p1 vm10, $0x42880000, v7  }
0xce: {  	v4 =	vsel @!p1 vm9, $0x41A80000, v4;
	v5 =	vsel @!p1 vm9, $0x42140000, v5;
	v1 =	vsub.f32 @!p1 $0.0e+00, v1  }
0xcf: {  	v6 =	vsel @!p1 vm9, $0x42540000, v6;
	v7 =	vsel @!p1 vm9, $0x428A0000, v7;
	v4 =	vsel @!p1 vm8, $0x41B00000, v4;
	v3 =	vpop @!p1 (erf)  }
0xd0: {  	v5 =	vsel @!p1 vm8, $0x42180000, v5;
	v6 =	vsel @!p1 vm8, $0x42580000, v6;
	v1 =	vmul.f32 @!p1 v3, v1  }
0xd1: {  	v7 =	vsel @!p1 vm8, $0x428C0000, v7;
	v4 =	vsel @!p1 vm7, $0x41B80000, v4;
	v5 =	vsel @!p1 vm7, $0x421C0000, v5  }
0xd2: {  	v6 =	vsel @!p1 vm7, $0x425C0000, v6;
	v7 =	vsel @!p1 vm7, $0x428E0000, v7;
	v1 =	vmax.f32 @!p1 v1, $-1.000000000e+00  }
0xd3: {  	v4 =	vsel @!p1 vm6, $0x41C00000, v4;
	v5 =	vsel @!p1 vm6, $0x42200000, v5;
	v1 =	vmul.f32 @!p1 $2.500000000e-01, v1  }
0xd4: {  	v6 =	vsel @!p1 vm6, $0x42600000, v6;
	v7 =	vsel @!p1 vm6, $0x42900000, v7;
	v4 =	vsel @!p1 vm5, $0x41C80000, v4  }
0xd5: {  	v5 =	vsel @!p1 vm5, $0x42240000, v5;
	v6 =	vsel @!p1 vm5, $0x42640000, v6;
	v8 =	vmul.f32 @!p1 $1.666666720e-01, v1  }
0xd6: {  	v7 =	vsel @!p1 vm5, $0x42920000, v7;
	v4 =	vsel @!p1 vm4, $0x41D00000, v4;
	v5 =	vsel @!p1 vm4, $0x42280000, v5  }
0xd7: {  	v4 =	vsel @!p1 vm3, $0x41D80000, v4;
	v9 =	vmul.f32 @!p1 $2.000000030e-01, v1;
	v8 =	vadd.f32 @!p1 $1.000000000e+00, v8  }
0xd8: {  	v6 =	vsel @!p1 vm4, $0x42680000, v6;
	v7 =	vsel @!p1 vm4, $0x42940000, v7;
	v4 =	vsel @!p1 vm0, $0x41E00000, v4  }
0xd9: {  	v5 =	vsel @!p1 vm3, $0x422C0000, v5;
	v4 =	vsel @!p1 vm2, $0x41E80000, v4;
	v8 =	vmul.f32 @!p1 v8, v9  }
0xda: {  	v6 =	vsel @!p1 vm3, $0x426C0000, v6;
	v5 =	vsel @!p1 vm0, $0x42300000, v5;
	v4 =	vsel @!p1 vm1, $0x41F00000, v4  }
0xdb: {  	v4 =	vsub.f32 @!p1 v4, v2;
	v9 =	vmul.f32 @!p1 $2.500000000e-01, v1;
	v8 =	vadd.f32 @!p1 $1.000000000e+00, v8  }
0xdc: {  	v7 =	vsel @!p1 vm3, $0x42960000, v7;
	v6 =	vsel @!p1 vm0, $0x42700000, v6;
	v5 =	vsel @!p1 vm2, $0x42340000, v5  }
0xdd: {  	v6 =	vsel @!p1 vm2, $0x42740000, v6;
	v4 =	vmul.f32 @!p1 v4, v4;
	v8 =	vmul.f32 @!p1 v8, v9  }
0xde: {  	v7 =	vsel @!p1 vm0, $0x42980000, v7;
	v5 =	vsel @!p1 vm1, $0x42380000, v5;
	v6 =	vsel @!p1 vm1, $0x42780000, v6  }
0xdf: {  	v4 =	vsub.f32 @!p1 $0.0e+00, v4;
	v9 =	vmul.f32 @!p1 $3.333333430e-01, v1;
	v8 =	vadd.f32 @!p1 $1.000000000e+00, v8  }
0xe0: {  	v7 =	vsel @!p1 vm2, $0x429A0000, v7;
	v5 =	vsub.f32 @!p1 v5, v2;
	v6 =	vsub.f32 @!p1 v6, v2  }
0xe1: {  	v7 =	vsel @!p1 vm1, $0x429C0000, v7;
	v4 =	vmul.f32 @!p1 v3, v4;
	v8 =	vmul.f32 @!p1 v8, v9  }
0xe2: {  	v2 =	vsub.f32 @!p1 v7, v2;
	v5 =	vmul.f32 @!p1 v5, v5;
	v6 =	vmul.f32 @!p1 v6, v6  }
0xe3: {  	v4 =	vmax.f32 @!p1 v4, $-1.000000000e+00;
	v9 =	vmul.f32 @!p1 $5.000000000e-01, v1;
	v8 =	vadd.f32 @!p1 $1.000000000e+00, v8  }
0xe4: {  	v5 =	vsub.f32 @!p1 $0.0e+00, v5;
	v4 =	vmul.f32 @!p1 $2.500000000e-01, v4  }
0xe5: {  	v2 =	vmul.f32 @!p1 v2, v2;
	v6 =	vsub.f32 @!p1 $0.0e+00, v6;
	v8 =	vmul.f32 @!p1 v8, v9;
	v9 =	vld @!p1 [tilespmem:s23+$0x83]  }
0xe6: {  	v5 =	vmul.f32 @!p1 v3, v5;
	v10 =	vmul.f32 @!p1 $1.666666720e-01, v4  }
0xe7: {  	v2 =	vsub.f32 @!p1 $0.0e+00, v2;
	v6 =	vmul.f32 @!p1 v3, v6  }
0xe8: {  	v5 =	vmax.f32 @!p1 v5, $-1.000000000e+00;
	v11 =	vmul.f32 @!p1 $2.000000030e-01, v4;
	v10 =	vadd.f32 @!p1 $1.000000000e+00, v10  }
0xe9: {  	v2 =	vmul.f32 @!p1 v3, v2;
	v5 =	vmul.f32 @!p1 $2.500000000e-01, v5  }
0xea: {  	v8 =	vadd.f32 @!p1 $1.000000000e+00, v8;
	(v2sf) =	vpush @!p1 v9, $0x0;
	v9 =	vmul.f32 @!p1 v10, v11  }
0xeb: {  	v6 =	vmax.f32 @!p1 v6, $-1.000000000e+00;
	v2 =	vmax.f32 @!p1 v2, $-1.000000000e+00;
	v7 =	vmul.f32 @!p1 $1.666666720e-01, v5  }
0xec: {  	v1 =	vmul.f32 @!p1 v8, v1;
	v8 =	vadd.f32 @!p1 $1.000000000e+00, v9;
	v9 =	vmul.f32 @!p1 $2.500000000e-01, v4  }
0xed: {  	v6 =	vmul.f32 @!p1 $2.500000000e-01, v6;
	v7 =	vadd.f32 @!p1 $1.000000000e+00, v7;
	v10 =	vmul.f32 @!p1 $2.000000030e-01, v5  }
0xee: {  	v2 =	vmul.f32 @!p1 $2.500000000e-01, v2;
	v8 =	vmul.f32 @!p1 v8, v9  }
0xef: {  	v12 =	vmul.f32 @!p1 $1.666666720e-01, v6;
	v7 =	vmul.f32 @!p1 v7, v10  }
0xf0: {  	v14 =	vmul.f32 @!p1 $1.666666720e-01, v2;
	v3 =	vadd.f32 @!p1 $1.000000000e+00, v8;
	v8 =	vmul.f32 @!p1 $3.333333430e-01, v4  }
0xf1: {  	v11 =	vadd.f32 @!p1 $1.000000000e+00, v1;
	v10 =	vmul.f32 @!p1 $2.500000000e-01, v5;
	v7 =	vadd.f32 @!p1 $1.000000000e+00, v7  }
0xf2: {  	v1 =	vmov @!p1 s24;
	v9 =	vlaneseq.u32 @!p1;
	v3 =	vmul.f32 @!p1 v3, v8  }
0xf3: {  	v7 =	vmul.f32 @!p1 v7, v10;
	v10 =	vmul.f32 @!p1 $2.000000030e-01, v6;
	v8 =	vadd.f32 @!p1 $1.000000000e+00, v12  }
0xf4: {  	v13 =	vadd.s32 @!p1 $0x1, v9;
	v12 =	vmul.f32 @!p1 $5.000000000e-01, v4;
	v3 =	vadd.f32 @!p1 $1.000000000e+00, v3  }
0xf5: {  	v7 =	vadd.f32 @!p1 $1.000000000e+00, v7;
	v8 =	vmul.f32 @!p1 v8, v10;
	v10 =	vmul.f32 @!p1 $3.333333430e-01, v5  }
0xf6: {  	vm0 =	vlt.u32 @!p1 v1, v13;
	v3 =	vmul.f32 @!p1 v3, v12  }
0xf7: {  	v12 =	vadd.f32 @!p1 $1.000000000e+00, v14;
	v14 =	vmul.f32 @!p1 $2.000000030e-01, v2;
	v7 =	vmul.f32 @!p1 v7, v10  }
0xf8: {  	v8 =	vadd.f32 @!p1 $1.000000000e+00, v8;
	v10 =	vmul.f32 @!p1 $2.500000000e-01, v6;
	v3 =	vadd.f32 @!p1 $1.000000000e+00, v3  }
0xf9: {  	v13 =	vmul.f32 @!p1 $5.000000000e-01, v5;
	v12 =	vmul.f32 @!p1 v12, v14;
	v7 =	vadd.f32 @!p1 $1.000000000e+00, v7;
	s23 =	spop @!p1 (v2sf)  }
0xfa: {  	v8 =	vmul.f32 @!p1 v8, v10;
	v3 =	vmul.f32 @!p1 v3, v4;
	v4 =	vmov @!p1 s22;
	s22 =	smul.f32 @!p1 $8.000000000e+01, s23  }
0xfb: {  	v11 =	vmul.f32 @!p1 v11, v11;
	v10 =	vadd.f32 @!p1 $1.000000000e+00, v12;
	v12 =	vmul.f32 @!p1 $2.500000000e-01, v2  }
0xfc: {  	v7 =	vmul.f32 @!p1 v7, v13;
	v8 =	vadd.f32 @!p1 $1.000000000e+00, v8;
	v13 =	vmul.f32 @!p1 $3.333333430e-01, v6;
	s22 =	scvt.f32.s32 @!p1 s22  }
0xfd: {  	v10 =	vmul.f32 @!p1 v10, v12  }
0xfe: {  	v11 =	vmul.f32 @!p1 v11, v11;
	v7 =	vadd.f32 @!p1 $1.000000000e+00, v7;
	v8 =	vmul.f32 @!p1 v8, v13;
	s23 =	sand.u32 @!p1 $0x1, s22  }
0xff: {  	v3 =	vadd.f32 @!p1 $1.000000000e+00, v3;
	v13 =	vmul.f32 @!p1 $3.333333430e-01, v2;
	v10 =	vadd.f32 @!p1 $1.000000000e+00, v10;
	p2 =	slt.s32 @!p1 s22, $0x1;
	p3 =	seq.s32 @!p1 s23, $0x1  }
0x100: {  	v5 =	vmul.f32 @!p1 v7, v5;
	v7 =	vadd.f32 @!p1 $1.000000000e+00, v8;
	v8 =	vmul.f32 @!p1 $5.000000000e-01, v6;
	p2 =	por @!p1 !p2, !p3  }
0x101: {  	s21 =	smul.f32 @!p1 $8.000000000e+01, s21;
	v12 =	vadd.s32 @!p1 $0xFFFFFFFF, v9;
	v3 =	vmul.f32 @!p1 v3, v3;
	s23 =	sshrl.u32 @!p1 s22, $0x1F;
	v10 =	vmul.f32 @!p1 v10, v13;
	p2 =	por @!p1 !p2, !p2  }
0x102: {  	s24 =	simm.s32 @!p1 $0x1;
	v7 =	vmul.f32 @!p1 v7, v8;
	v8 =	vadd.s32 @!p1 $0x11, v9;
	v5 =	vadd.f32 @!p1 $1.000000000e+00, v5;
	s22 =	sadd.s32 @!p1 s23, s22;
	p2 =	por !p2, p1  }
0x103: {  	s23 =	scvt.f32.s32 @!p1 s21;
	vm2 =	vlt.u32 @!p1 v1, v8;
	s21 =	sshra.s32 @!p1 s22, $0x1;
	v8 =	vadd.f32 @!p1 $1.000000000e+00, v10;
	v10 =	vmul.f32 @!p1 $5.000000000e-01, v2;
	s24 =	simm.s32 @p2 $0x0  }
0x104: {  	vm1 =	vgt.s32 @!p1 v4, v12;
	v3 =	vmul.f32 @!p1 v3, v3;
	v7 =	vadd.f32 @!p1 $1.000000000e+00, v7;
	s21 =	ssub.s32 @!p1 s21, s24  }
0x105: {  	vm0 =	vmand @!p1 vm0, vm1;
	v5 =	vmul.f32 @!p1 v5, v5;
	v8 =	vmul.f32 @!p1 v8, v10;
	s22 =	sadd.s32 @!p1 s23, s21  }
0x106: {  	v10 =	vadd.s32 @!p1 $0xF, v9;
	v6 =	vmul.f32 @!p1 v7, v6;
	v7 =	vnsel @!p1 vm0, $0x0, v11;
	p2 =	slt.s32 @!p1 s22, $0x4F  }
0x107: {  	v5 =	vmul.f32 @!p1 v5, v5;
	vm1 =	vgt.s32 @!p1 v4, v10;
	s25 =	ssub.s32 @!p1 s23, s21;
	v8 =	vadd.f32 @!p1 $1.000000000e+00, v8;
	p2 =	por !p2, p1  }
0x108: {  	v10 =	vadd.s32 @!p1 $0x21, v9;
	vm0 =	vmand @!p1 vm2, vm1;
	v6 =	vadd.f32 @!p1 $1.000000000e+00, v6;
	p3 =	sgt.s32 @!p1 s25, $0x0;
	s22 =	simm.s32 @p2 $0x4F  }
0x109: {  	[tilespmem:$0x200] =	vst @!p1 v7;
	v7 =	vadd.s32 @!p1 $0x41, v9;
	v3 =	vnsel @!p1 vm0, $0x0, v3;
	v2 =	vmul.f32 @!p1 v8, v2;
	p2 =	por !p3, p1;
	p3 =	slt.s32 @!p1 s22, s10  }
0x10a: {  	vm0 =	vlt.u32 @!p1 v1, v10;
	v8 =	vadd.s32 @!p1 $0x1F, v9;
	v6 =	vmul.f32 @!p1 v6, v6;
	s25 =	simm.s32 @p2 $0x0;
	s21 =	smov.u32 s22;
	p2 =	por !p3, p1  }
0x10b: {  	vm1 =	vgt.s32 @!p1 v4, v8;
	v8 =	vadd.s32 @!p1 $0x31, v9;
	v2 =	vadd.f32 @!p1 $1.000000000e+00, v2;
	s24 =	smax.u32 @!p1 s25, s8;
	s21 =	smov.u32 @p2 s10  }
0x10c: {  	v10 =	vadd.s32 @!p1 $0x2F, v9;
	vm2 =	vlt.u32 @!p1 v1, v8;
	vm0 =	vmand @!p1 vm0, vm1;
	p2 =	sgt.s32 @!p1 s24, s21  }
0x10d: {  	vm1 =	vgt.s32 @!p1 v4, v10;
	v6 =	vmul.f32 @!p1 v6, v6;
	v2 =	vmul.f32 @!p1 v2, v2;
	p2 =	por p1, p2  }
.Ltmp4:
0x10e: {  	v8 =	vadd.s32 @!p1 $0x3F, v9;
	v5 =	vnsel @!p1 vm0, $0x0, v5;
	vm0 =	vmand @!p1 vm2, vm1;
	(pc) =	sbr.rel @p2 .LBB2_6-.Ltmp4, $4  }
0x10f: {  	[tilespmem:$0x210] =	vst @!p1 v3;
	vm1 =	vlt.u32 @!p1 v1, v7;
	vm2 =	vgt.s32 @!p1 v4, v8;
	v2 =	vmul.f32 @!p1 v2, v2  }
0x110: {  	v1 =	vnsel @!p1 vm0, $0x0, v6;
	vm0 =	vmand @!p1 vm1, vm2;
	[tilespmem:$0x220] =	vst @!p1 v5  }
0x111: {  	[tilespmem:$0x230] =	vst @!p1 v1;
	v2 =	vnsel @!p1 vm0, $0x0, v2  }
0x112: {  	[tilespmem:$0x240] =	vst @!p1 v2  }
0x113: {  	s22 =	ssub.s32 s22, s25  }
0x114: {  	s22 =	sadd.s32 $0x1, s22  }
0x115: {  	s22 =	scvt.s32.f32 s22  }
0x116: {  	s29 =	sadd.s32 $0xFFFFFFFF, s24  }
0x117: {  	s28 =	smul.f32 s22, s22;
	s22 =	sadd.s32 $0x1, s29  }
0x118: {  	s23 =	scvt.s32.f32 @!p1 s23;
	s30 =	scvt.s32.f32 s22  }
0x119: {  	v1 =	vmov s28  }
0x11a: {  	(erf) = vrcp.f32 v1;
	s25 =	ssub.f32 s30, s23;
	_ =	sdelay $0x1  }
0x11b: {  	s25 =	smul.f32 s25, s25;
	_ =	sdelay $0x1  }
0x11c: {  	v1 =	vmov s25  }
0x11d: {  	v1 =	vsub.f32 $0.0e+00, v1;
	_ =	sdelay $0x2  }
0x11e: {  	v2 =	vbroadcast v1, $0x0  }
0x11f: {  	v1 =	vpop (erf)  }
0x120: {  	v2 =	vmul.f32 v2, v1;
	_ =	sdelay $0x1  }
0x121: {  	v2 =	vmax.f32 v2, $-1.000000000e+00  }
0x122: {  	v2 =	vmul.f32 $2.500000000e-01, v2;
	_ =	sdelay $0x1  }
0x123: {  	v3 =	vmul.f32 $1.666666720e-01, v2;
	_ =	sdelay $0x1  }
0x124: {  	v4 =	vmul.f32 $2.000000030e-01, v2;
	v3 =	vadd.f32 $1.000000000e+00, v3;
	_ =	sdelay $0x1  }
0x125: {  	v3 =	vmul.f32 v3, v4;
	_ =	sdelay $0x1  }
0x126: {  	v4 =	vmul.f32 $2.500000000e-01, v2;
	v3 =	vadd.f32 $1.000000000e+00, v3;
	_ =	sdelay $0x1  }
0x127: {  	v3 =	vmul.f32 v3, v4;
	_ =	sdelay $0x1  }
0x128: {  	v4 =	vmul.f32 $3.333333430e-01, v2;
	v3 =	vadd.f32 $1.000000000e+00, v3;
	_ =	sdelay $0x1  }
0x129: {  	v3 =	vmul.f32 v3, v4;
	_ =	sdelay $0x1  }
0x12a: {  	v4 =	vmul.f32 $5.000000000e-01, v2;
	v3 =	vadd.f32 $1.000000000e+00, v3;
	_ =	sdelay $0x1  }
0x12b: {  	v3 =	vmul.f32 v3, v4;
	_ =	sdelay $0x1  }
0x12c: {  	v3 =	vadd.f32 $1.000000000e+00, v3;
	_ =	sdelay $0x1  }
0x12d: {  	v2 =	vmul.f32 v3, v2  }
0x12e: {  	s31 =	smul.u32 $0x140, s24  }
0x12f: {  	p1 =	slt.s32 s22, s21;
	v2 =	vadd.f32 $1.000000000e+00, v2  }
.Ltmp5:
0x130: {  	s24 =	sshra.s32 s31, $0x2;
	v3 =	vld [tilespmem:$0x200];
	(pc) =	sbr.rel @!p1 .LBB2_5-.Ltmp5, $3  }
0x131: {  	s24 =	sadd.s32 s24, s15;
	v2 =	vmul.f32 v2, v2  }
0x132: {  	v4 =	vld [tilespmem:s24+$0xFFFFFFE0]  }
0x133: {  	v2 =	vmul.f32 v2, v2;
	_ =	sdelay $0x1  }
.LBB2_4:
0x134: {  	s22 =	sadd.s32 $0x1, s22;
	v3 =	vmul.f32 v3, v2  }
0x135: {  	s25 =	scvt.s32.f32 s22;
	p1 =	slt.s32 s22, s21  }
0x136: {  	v3 =	vmax.f32 v4, v3  }
0x137: {  	s25 =	ssub.f32 s25, s23;
	[tilespmem:s24+$0xFFFFFFE0] =	vst v3  }
0x138: {  	v3 =	vld [tilespmem:$0x210]  }
0x139: {  	s25 =	smul.f32 s25, s25  }
0x13a: {  	v4 =	vld [tilespmem:s24+$0xFFFFFFF0]  }
0x13b: {  	v5 =	vmov s25  }
0x13c: {  	v5 =	vsub.f32 $0.0e+00, v5  }
0x13d: {  	v3 =	vmul.f32 v3, v2  }
0x13e: {  	v5 =	vbroadcast v5, $0x0  }
0x13f: {  	v3 =	vmax.f32 v4, v3  }
0x140: {  	v4 =	vmul.f32 v5, v1;
	[tilespmem:s24+$0xFFFFFFF0] =	vst v3  }
0x141: {  	v3 =	vld [tilespmem:$0x220]  }
0x142: {  	v4 =	vmax.f32 v4, $-1.000000000e+00  }
0x143: {  	v4 =	vmul.f32 $2.500000000e-01, v4;
	v5 =	vld [tilespmem:s24+$0x0];
	_ =	sdelay $0x1  }
0x144: {  	v6 =	vmul.f32 $1.666666720e-01, v4  }
0x145: {  	v3 =	vmul.f32 v3, v2  }
0x146: {  	v7 =	vmul.f32 $2.000000030e-01, v4;
	v6 =	vadd.f32 $1.000000000e+00, v6  }
0x147: {  	v3 =	vmax.f32 v5, v3  }
0x148: {  	v5 =	vmul.f32 v6, v7;
	[tilespmem:s24+$0x0] =	vst v3  }
0x149: {  	v3 =	vld [tilespmem:$0x230]  }
0x14a: {  	v6 =	vmul.f32 $2.500000000e-01, v4;
	v5 =	vadd.f32 $1.000000000e+00, v5  }
0x14b: {  	v7 =	vld [tilespmem:s24+$0x10]  }
0x14c: {  	v5 =	vmul.f32 v5, v6;
	_ =	sdelay $0x1  }
0x14d: {  	v6 =	vmul.f32 $3.333333430e-01, v4;
	v5 =	vadd.f32 $1.000000000e+00, v5;
	v3 =	vmul.f32 v3, v2;
	_ =	sdelay $0x1  }
0x14e: {  	v5 =	vmul.f32 v5, v6;
	v3 =	vmax.f32 v7, v3  }
0x14f: {  	[tilespmem:s24+$0x10] =	vst v3  }
0x150: {  	v3 =	vadd.f32 $1.000000000e+00, v5;
	v5 =	vmul.f32 $5.000000000e-01, v4;
	v6 =	vld [tilespmem:$0x240];
	_ =	sdelay $0x1  }
0x151: {  	v3 =	vmul.f32 v3, v5;
	v5 =	vld [tilespmem:s24+$0x20];
	_ =	sdelay $0x1  }
0x152: {  	v3 =	vadd.f32 $1.000000000e+00, v3  }
0x153: {  	v2 =	vmul.f32 v6, v2  }
0x154: {  	v3 =	vmul.f32 v3, v4  }
0x155: {  	v2 =	vmax.f32 v5, v2  }
.Ltmp6:
0x156: {  	v4 =	vadd.f32 $1.000000000e+00, v3;
	[tilespmem:s24+$0x20] =	vst v2;
	(pc) =	sbr.rel @p1 .LBB2_4-.Ltmp6, $4  }
0x157: {  	v3 =	vld [tilespmem:$0x200]  }
0x158: {  	s24 =	sadd.s32 $0x50, s24;
	v2 =	vmul.f32 v4, v4  }
0x159: {  	v4 =	vld [tilespmem:s24+$0xFFFFFFE0]  }
0x15a: {  	v2 =	vmul.f32 v2, v2  }
.Ltmp7:
0x15b: {  	_ = 	snop;
	(pc) =	sbr.rel .LBB2_5-.Ltmp7, $1  }
0x15c: {  	_ =	sdelay $0x3  }
.LBB2_7:
.Ltmp8:
0x15d: {  	(pc) =	sbr.rel @p0 .LBB2_21-.Ltmp8, $4  }
0x15e: {  	[hbm4b:s11+s4] =	stream.linear.scatter [tilespmem:s18], [sflag:$0x1], $0x640, $0x38;
	[tilespmem:$0xF00] =	vst v63  }
0x15f: {  	_ =	swait.ge [sflag:s7], $0x640  }
0x160: {  	[sflag:s7] =	ssyncset.done $0x0  }
0x161: {  	[sflag:s7] =	ssyncadd.s32 $0xFFFFF9C0  }
0x162: {  	[tilespmem:$0x280] =	vst v0  }
0x163: {  	[tilespmem:$0x290] =	vst v0  }
0x164: {  	[tilespmem:$0x2A0] =	vst v0  }
0x165: {  	[tilespmem:$0x2B0] =	vst v0  }
0x166: {  	[tilespmem:$0x2C0] =	vst v0  }
0x167: {  	[tilespmem:$0x2D0] =	vst v0  }
0x168: {  	[tilespmem:$0x2E0] =	vst v0  }
0x169: {  	[tilespmem:$0x2F0] =	vst v0  }
0x16a: {  	[tilespmem:$0x300] =	vst v0  }
0x16b: {  	[tilespmem:$0x310] =	vst v0  }
0x16c: {  	[tilespmem:$0x320] =	vst v0  }
0x16d: {  	[tilespmem:$0x330] =	vst v0  }
0x16e: {  	[tilespmem:$0x340] =	vst v0  }
0x16f: {  	[tilespmem:$0x350] =	vst v0  }
0x170: {  	[tilespmem:$0x360] =	vst v0  }
0x171: {  	[tilespmem:$0x370] =	vst v0  }
0x172: {  	[tilespmem:$0x380] =	vst v0  }
0x173: {  	[tilespmem:$0x390] =	vst v0  }
0x174: {  	[tilespmem:$0x3A0] =	vst v0  }
0x175: {  	[tilespmem:$0x3B0] =	vst v0  }
0x176: {  	[tilespmem:$0x3C0] =	vst v0  }
0x177: {  	[tilespmem:$0x3D0] =	vst v0  }
0x178: {  	[tilespmem:$0x3E0] =	vst v0  }
0x179: {  	[tilespmem:$0x3F0] =	vst v0  }
0x17a: {  	[tilespmem:$0x400] =	vst v0  }
0x17b: {  	[tilespmem:$0x410] =	vst v0  }
0x17c: {  	[tilespmem:$0x420] =	vst v0  }
0x17d: {  	[tilespmem:$0x430] =	vst v0  }
0x17e: {  	[tilespmem:$0x440] =	vst v0  }
0x17f: {  	[tilespmem:$0x450] =	vst v0  }
0x180: {  	[tilespmem:$0x460] =	vst v0  }
0x181: {  	[tilespmem:$0x470] =	vst v0  }
0x182: {  	[tilespmem:$0x480] =	vst v0  }
0x183: {  	[tilespmem:$0x490] =	vst v0  }
0x184: {  	[tilespmem:$0x4A0] =	vst v0  }
0x185: {  	[tilespmem:$0x4B0] =	vst v0  }
0x186: {  	[tilespmem:$0x4C0] =	vst v0  }
0x187: {  	[tilespmem:$0x4D0] =	vst v0  }
0x188: {  	[tilespmem:$0x4E0] =	vst v0  }
0x189: {  	[tilespmem:$0x4F0] =	vst v0  }
0x18a: {  	[tilespmem:$0x500] =	vst v0  }
0x18b: {  	[tilespmem:$0x510] =	vst v0  }
0x18c: {  	[tilespmem:$0x520] =	vst v0  }
0x18d: {  	[tilespmem:$0x530] =	vst v0  }
0x18e: {  	[tilespmem:$0x540] =	vst v0  }
.Ltmp9:
0x18f: {  	[tilespmem:$0x550] =	vst v0;
	(pc) =	sbr.rel .LBB2_9-.Ltmp9, $4  }
0x190: {  	[tilespmem:$0x560] =	vst v0  }
0x191: {  	[tilespmem:$0x570] =	vst v0  }
0x192: {  	[tilespmem:$0x580] =	vst v0  }
0x193: {  	[tilespmem:$0x590] =	vst v0;
	s20 =	simm.s32 $0x0  }
.LBB2_11:
0x194: {  	v3 =	vmov v5;
	s25 =	smov.u32 s21  }
.LBB2_18:
0x195: {  	v1 =	vmul.f32 @p2 v9, v4  }
0x196: {  	v2 =	vmul.f32 @p1 v7, v5  }
0x197: {  	v59 =	vadd.f32 $1.000000000e+00, v6;
	v60 =	vmul.f32 $2.000000030e-01, v3;
	v1 =	vmax.f32 @p2 v8, v1  }
0x198: {  	v2 =	vadd.f32 @p1 $1.000000000e+00, v2;
	[tilespmem:s25+$0x0] =	vst @p2 v1  }
0x199: {  	s22 =	sadd.s32 @p2 $0x28, s25;
	s23 =	smov.u32 s21;
	v1 =	vmul.f32 v59, v60;
	v4 =	vld @p1 [tilespmem:$0x200]  }
0x19a: {  	s23 =	smov.u32 @p2 s22;
	v2 =	vmul.f32 @p1 v2, v2  }
0x19b: {  	v61 =	vmul.f32 $2.500000000e-01, v3;
	v6 =	vld @p1 [tilespmem:s23+$0xFFFFFFF0];
	v1 =	vadd.f32 $1.000000000e+00, v1  }
0x19c: {  	v2 =	vmul.f32 @p1 v2, v2  }
0x19d: {  	v1 =	vmul.f32 v1, v61  }
0x19e: {  	v4 =	vmul.f32 @p1 v4, v2  }
0x19f: {  	v62 =	vmul.f32 $3.333333430e-01, v3;
	v1 =	vadd.f32 $1.000000000e+00, v1  }
0x1a0: {  	v4 =	vmax.f32 @p1 v6, v4  }
0x1a1: {  	v1 =	vmul.f32 v1, v62;
	[tilespmem:s23+$0xFFFFFFF0] =	vst @p1 v4  }
0x1a2: {  	v4 =	vld @p1 [tilespmem:$0x210]  }
0x1a3: {  	v63 =	vmul.f32 $5.000000000e-01, v3;
	v1 =	vadd.f32 $1.000000000e+00, v1  }
0x1a4: {  	v6 =	vld @p1 [tilespmem:s23+$0x0]  }
0x1a5: {  	v1 =	vmul.f32 v1, v63;
	_ =	sdelay $0x1  }
0x1a6: {  	v2 =	vpsel p1, v2, v0;
	v1 =	vadd.f32 $1.000000000e+00, v1;
	v4 =	vpsel p1, v4, v0  }
0x1a7: {  	v2 =	vmul.f32 @p1 v4, v2  }
0x1a8: {  	v4 =	vpsel p1, v6, v0;
	v1 =	vmul.f32 v1, v3  }
0x1a9: {  	v2 =	vmax.f32 @p1 v4, v2  }
0x1aa: {  	v1 =	vadd.f32 $1.000000000e+00, v1;
	[tilespmem:s23+$0x0] =	vst @p1 v2  }
0x1ab: {  	s22 =	sadd.s32 @p1 $0x28, s23;
	v2 =	vld [tilespmem:$0x200]  }
0x1ac: {  	s21 =	smov.u32 @p1 s22;
	v1 =	vmul.f32 v1, v1  }
0x1ad: {  	v3 =	vld [tilespmem:s21+$0xFFFFFFF0]  }
0x1ae: {  	v1 =	vmul.f32 v1, v1;
	_ =	sdelay $0x1  }
0x1af: {  	v2 =	vmul.f32 v2, v1;
	_ =	sdelay $0x1  }
0x1b0: {  	v2 =	vmax.f32 v3, v2  }
0x1b1: {  	[tilespmem:s21+$0xFFFFFFF0] =	vst v2  }
0x1b2: {  	v2 =	vld [tilespmem:$0x210];
	_ =	sdelay $0x1  }
0x1b3: {  	v3 =	vld [tilespmem:s21+$0x0];
	_ =	sdelay $0x2  }
0x1b4: {  	v1 =	vmul.f32 v2, v1;
	_ =	sdelay $0x1  }
0x1b5: {  	v1 =	vmax.f32 v3, v1  }
0x1b6: {  	[tilespmem:s21+$0x0] =	vst v1  }
.LBB2_19:
0x1b7: {  	s20 =	sadd.s32 $0x1, s20  }
0x1b8: {  	p1 =	sne.s32 s20, $0x40  }
.Ltmp10:
0x1b9: {  	_ = 	snop;
	(pc) =	sbr.rel @!p1 .LBB2_20-.Ltmp10, $1  }
0x1ba: {  	_ =	sdelay $0x3  }
.LBB2_9:
0x1bb: {  	v1 =	vld [tilespmem:s20+$0x0];
	_ =	sdelay $0x4  }
0x1bc: {  	(v2sf) =	vpush v1, $0x0;
	_ =	sdelay $0xe  }
0x1bd: {  	s21 =	spop (v2sf)  }
0x1be: {  	p1 =	sne.s32 s21, s5  }
0x1bf: {  	s21 =	sshll.u32 @!p1 s20, $0x2  }
0x1c0: {  	s24 =	sand.u32 @!p1 $0x3FFFFFFC, s21  }
0x1c1: {  	v1 =	vld @!p1 [tilespmem:s24+$0x80]  }
0x1c2: {  	v2 =	vld @!p1 [tilespmem:s24+$0x81]  }
0x1c3: {  	v3 =	vld @!p1 [tilespmem:s24+$0x82];
	_ =	sdelay $0x2  }
0x1c4: {  	(v2sf) =	vpush @!p1 v1, $0x0  }
0x1c5: {  	(v2sf) =	vpush @!p1 v2, $0x0  }
0x1c6: {  	(v2sf) =	vpush @!p1 v3, $0x0;
	_ =	sdelay $0xc  }
0x1c7: {  	s21 =	spop @!p1 (v2sf)  }
0x1c8: {  	s22 =	spop @!p1 (v2sf)  }
0x1c9: {  	s23 =	spop @!p1 (v2sf)  }
0x1ca: {  	s23 =	smul.f32 @!p1 $4.000000000e+01, s23;
	_ =	sdelay $0x1  }
0x1cb: {  	s23 =	scvt.f32.s32 @!p1 s23;
	_ =	sdelay $0x1  }
0x1cc: {  	s25 =	sand.u32 @!p1 $0x1, s23  }
0x1cd: {  	p2 =	slt.s32 @!p1 s23, $0x1;
	p3 =	seq.s32 @!p1 s25, $0x1  }
0x1ce: {  	p2 =	por @!p1 !p2, !p3  }
0x1cf: {  	s21 =	smul.f32 @!p1 $4.000000000e+01, s21;
	s25 =	sshrl.u32 @!p1 s23, $0x1F;
	p2 =	por @!p1 !p2, !p2  }
0x1d0: {  	s23 =	sadd.s32 @!p1 s25, s23;
	s25 =	simm.s32 @!p1 $0x1;
	p2 =	por !p2, p1  }
0x1d1: {  	s26 =	scvt.f32.s32 @!p1 s21;
	s21 =	sshra.s32 @!p1 s23, $0x1;
	s25 =	simm.s32 @p2 $0x0  }
0x1d2: {  	vm0 =	vcmask @!p1 $0x300;
	v1 =	vimm.f32 @!p1 $1.500000000e+01;
	s21 =	ssub.s32 @!p1 s21, s25  }
0x1d3: {  	vm1 =	vcmask @!p1 $0x704;
	v1 =	vsel @!p1 vm0, $0x0, v1;
	s23 =	ssub.s32 @!p1 s26, s21;
	s21 =	sadd.s32 @!p1 s26, s21  }
0x1d4: {  	vm2 =	vcmask @!p1 $0xB08;
	vm3 =	vcmask @!p1 $0xF0C;
	v1 =	vsel @!p1 vm1, $0x3F800000, v1;
	p2 =	sgt.s32 @!p1 s23, $0x0;
	p3 =	slt.s32 @!p1 s21, $0x27  }
0x1d5: {  	vm4 =	vcmask @!p1 $0x1310;
	vm5 =	vcmask @!p1 $0x1714;
	v1 =	vsel @!p1 vm2, $0x40000000, v1;
	p2 =	por !p2, p1;
	p3 =	por !p3, p1  }
0x1d6: {  	vm6 =	vcmask @!p1 $0x1B18;
	v2 =	vimm.f32 @!p1 $3.100000000e+01;
	v1 =	vsel @!p1 vm3, $0x40400000, v1;
	s23 =	simm.s32 @p2 $0x0;
	s21 =	simm.s32 @p3 $0x27  }
0x1d7: {  	v2 =	vsel @!p1 vm0, $0x41800000, v2;
	vm0 =	vcmask @!p1 $0x1F1C;
	v1 =	vsel @!p1 vm4, $0x40800000, v1;
	s25 =	ssub.s32 @!p1 s21, s23  }
0x1d8: {  	v2 =	vsel @!p1 vm1, $0x41880000, v2;
	vm1 =	vcmask @!p1 $0x2320;
	v1 =	vsel @!p1 vm5, $0x40A00000, v1;
	s25 =	sadd.s32 @!p1 $0x1, s25  }
0x1d9: {  	v2 =	vsel @!p1 vm2, $0x41900000, v2;
	vm2 =	vcmask @!p1 $0x2724;
	v1 =	vsel @!p1 vm6, $0x40C00000, v1;
	s25 =	scvt.s32.f32 @!p1 s25  }
0x1da: {  	v2 =	vsel @!p1 vm3, $0x41980000, v2;
	vm3 =	vcmask @!p1 $0x2B28;
	v1 =	vsel @!p1 vm0, $0x40E00000, v1  }
0x1db: {  	v2 =	vsel @!p1 vm4, $0x41A00000, v2;
	vm4 =	vcmask @!p1 $0x2F2C;
	v1 =	vsel @!p1 vm1, $0x41000000, v1;
	s25 =	smul.f32 @!p1 s25, s25  }
0x1dc: {  	v2 =	vsel @!p1 vm5, $0x41A80000, v2;
	vm5 =	vcmask @!p1 $0x3330;
	v1 =	vsel @!p1 vm2, $0x41100000, v1  }
0x1dd: {  	v2 =	vsel @!p1 vm6, $0x41B00000, v2;
	v1 =	vsel @!p1 vm3, $0x41200000, v1;
	v3 =	vmov @!p1 s25  }
0x1de: {  	v2 =	vsel @!p1 vm0, $0x41B80000, v2;
	v1 =	vsel @!p1 vm4, $0x41300000, v1;
	(erf) = vrcp.f32 @!p1 v3  }
0x1df: {  	vm0 =	vcmask @!p1 $0x3734;
	v2 =	vsel @!p1 vm1, $0x41C00000, v2;
	v1 =	vsel @!p1 vm5, $0x41400000, v1;
	s25 =	scvt.s32.f32 @!p1 s26  }
0x1e0: {  	v4 =	vld @!p1 [tilespmem:s24+$0x83];
	vm1 =	vcmask @!p1 $0x3B38;
	v2 =	vsel @!p1 vm2, $0x41C80000, v2;
	v1 =	vsel @!p1 vm0, $0x41500000, v1  }
0x1e1: {  	v2 =	vsel @!p1 vm3, $0x41D00000, v2;
	v1 =	vsel @!p1 vm1, $0x41600000, v1;
	v3 =	vmov @!p1 s25  }
0x1e2: {  	v2 =	vsel @!p1 vm4, $0x41D80000, v2;
	v1 =	vsub.f32 @!p1 v1, v3  }
0x1e3: {  	v2 =	vsel @!p1 vm5, $0x41E00000, v2  }
0x1e4: {  	v2 =	vsel @!p1 vm0, $0x41E80000, v2;
	v1 =	vmul.f32 @!p1 v1, v1  }
0x1e5: {  	(v2sf) =	vpush @!p1 v4, $0x0;
	v2 =	vsel @!p1 vm1, $0x41F00000, v2  }
0x1e6: {  	v2 =	vsub.f32 @!p1 v2, v3;
	v1 =	vsub.f32 @!p1 $0.0e+00, v1  }
0x1e7: {  	v5 =	vpop @!p1 (erf)  }
0x1e8: {  	v2 =	vmul.f32 @!p1 v2, v2;
	v1 =	vmul.f32 @!p1 v5, v1;
	_ =	sdelay $0x1  }
0x1e9: {  	v2 =	vsub.f32 @!p1 $0.0e+00, v2;
	v1 =	vmax.f32 @!p1 v1, $-1.000000000e+00  }
0x1ea: {  	v1 =	vmul.f32 @!p1 $2.500000000e-01, v1  }
0x1eb: {  	v2 =	vmul.f32 @!p1 v5, v2  }
0x1ec: {  	v3 =	vmul.f32 @!p1 $1.666666720e-01, v1  }
0x1ed: {  	v2 =	vmax.f32 @!p1 v2, $-1.000000000e+00  }
0x1ee: {  	v2 =	vmul.f32 @!p1 $2.500000000e-01, v2;
	v4 =	vmul.f32 @!p1 $2.000000030e-01, v1;
	v3 =	vadd.f32 @!p1 $1.000000000e+00, v3;
	_ =	sdelay $0x1  }
0x1ef: {  	v3 =	vmul.f32 @!p1 v3, v4;
	v4 =	vmul.f32 @!p1 $1.666666720e-01, v2  }
0x1f0: {  	v5 =	vmul.f32 @!p1 $2.500000000e-01, v1  }
0x1f1: {  	v6 =	vmul.f32 @!p1 $2.000000030e-01, v2;
	v3 =	vadd.f32 @!p1 $1.000000000e+00, v3;
	v4 =	vadd.f32 @!p1 $1.000000000e+00, v4;
	_ =	sdelay $0x1  }
0x1f2: {  	s24 =	spop @!p1 (v2sf);
	v3 =	vmul.f32 @!p1 v3, v5;
	v4 =	vmul.f32 @!p1 v4, v6  }
0x1f3: {  	s24 =	smul.f32 @!p1 $4.000000000e+01, s24;
	v5 =	vmul.f32 @!p1 $3.333333430e-01, v1  }
0x1f4: {  	v6 =	vmul.f32 @!p1 $2.500000000e-01, v2;
	v3 =	vadd.f32 @!p1 $1.000000000e+00, v3;
	v4 =	vadd.f32 @!p1 $1.000000000e+00, v4  }
0x1f5: {  	s24 =	scvt.f32.s32 @!p1 s24  }
0x1f6: {  	v3 =	vmul.f32 @!p1 v3, v5;
	v4 =	vmul.f32 @!p1 v4, v6  }
0x1f7: {  	s25 =	sand.u32 @!p1 $0x1, s24;
	v5 =	vmul.f32 @!p1 $5.000000000e-01, v1  }
0x1f8: {  	p2 =	slt.s32 @!p1 s24, $0x1;
	p3 =	seq.s32 @!p1 s25, $0x1;
	v6 =	vmul.f32 @!p1 $3.333333430e-01, v2;
	v3 =	vadd.f32 @!p1 $1.000000000e+00, v3;
	v4 =	vadd.f32 @!p1 $1.000000000e+00, v4  }
0x1f9: {  	p2 =	por @!p1 !p2, !p3  }
0x1fa: {  	s22 =	smul.f32 @!p1 $4.000000000e+01, s22;
	s25 =	sshrl.u32 @!p1 s24, $0x1F;
	p2 =	por @!p1 !p2, !p2;
	v3 =	vmul.f32 @!p1 v3, v5;
	v4 =	vmul.f32 @!p1 v4, v6  }
0x1fb: {  	s26 =	simm.s32 @!p1 $0x1;
	s25 =	sadd.s32 @!p1 s25, s24;
	p2 =	por !p2, p1  }
0x1fc: {  	s24 =	scvt.f32.s32 @!p1 s22;
	s22 =	sshra.s32 @!p1 s25, $0x1;
	s26 =	simm.s32 @p2 $0x0;
	v5 =	vmul.f32 @!p1 $5.000000000e-01, v2;
	v3 =	vadd.f32 @!p1 $1.000000000e+00, v3;
	v4 =	vadd.f32 @!p1 $1.000000000e+00, v4  }
0x1fd: {  	s22 =	ssub.s32 @!p1 s22, s26  }
0x1fe: {  	s25 =	sadd.s32 @!p1 s24, s22;
	v1 =	vmul.f32 @!p1 v3, v1;
	v3 =	vmul.f32 @!p1 v4, v5  }
0x1ff: {  	p2 =	slt.s32 @!p1 s25, $0x27  }
0x200: {  	s26 =	ssub.s32 @!p1 s24, s22;
	p2 =	por !p2, p1;
	v3 =	vadd.f32 @!p1 $1.000000000e+00, v3  }
0x201: {  	p3 =	sgt.s32 @!p1 s26, $0x0;
	s25 =	simm.s32 @p2 $0x27  }
0x202: {  	p2 =	por !p3, p1;
	p3 =	slt.s32 @!p1 s25, s12;
	v2 =	vmul.f32 @!p1 v3, v2  }
0x203: {  	s26 =	simm.s32 @p2 $0x0;
	s22 =	smov.u32 s25;
	p2 =	por !p3, p1;
	v6 =	vmov @!p1 s21;
	v4 =	vlaneseq.u32 @!p1;
	v1 =	vadd.f32 @!p1 $1.000000000e+00, v1  }
0x204: {  	s22 =	smov.u32 @p2 s12;
	s21 =	smax.u32 @!p1 s26, s9;
	v5 =	vadd.s32 @!p1 $0x1, v4;
	v7 =	vadd.s32 @!p1 $0xFFFFFFFF, v4;
	v2 =	vadd.f32 @!p1 $1.000000000e+00, v2  }
0x205: {  	p2 =	sgt.s32 @!p1 s21, s22;
	vm1 =	vgt.s32 @!p1 v6, v7;
	v1 =	vmul.f32 @!p1 v1, v1;
	v3 =	vmov @!p1 s23  }
0x206: {  	p2 =	por p1, p2;
	vm0 =	vlt.u32 @!p1 v3, v5;
	v5 =	vadd.s32 @!p1 $0x11, v4;
	v2 =	vmul.f32 @!p1 v2, v2  }
.Ltmp11:
0x207: {  	v4 =	vadd.s32 @!p1 $0xF, v4;
	v1 =	vmul.f32 @!p1 v1, v1;
	vm0 =	vmand @!p1 vm0, vm1;
	(pc) =	sbr.rel @p2 .LBB2_19-.Ltmp11, $4  }
0x208: {  	vm1 =	vlt.u32 @!p1 v3, v5;
	vm2 =	vgt.s32 @!p1 v6, v4;
	v2 =	vmul.f32 @!p1 v2, v2  }
0x209: {  	v1 =	vnsel @!p1 vm0, $0x0, v1;
	vm0 =	vmand @!p1 vm1, vm2  }
0x20a: {  	[tilespmem:$0x200] =	vst @!p1 v1;
	v2 =	vnsel @!p1 vm0, $0x0, v2  }
0x20b: {  	[tilespmem:$0x210] =	vst @!p1 v2  }
0x20c: {  	s23 =	ssub.s32 s25, s26  }
0x20d: {  	s23 =	sadd.s32 $0x1, s23  }
0x20e: {  	s23 =	scvt.s32.f32 s23  }
0x20f: {  	s29 =	sadd.s32 $0xFFFFFFFF, s21  }
0x210: {  	s25 =	sadd.s32 $0x1, s29;
	s28 =	smul.f32 s23, s23  }
0x211: {  	s30 =	scvt.s32.f32 s25;
	s23 =	scvt.s32.f32 @!p1 s24  }
0x212: {  	v1 =	vmov s28  }
0x213: {  	s24 =	ssub.f32 s30, s23;
	(erf) = vrcp.f32 v1;
	_ =	sdelay $0x1  }
0x214: {  	s24 =	smul.f32 s24, s24;
	_ =	sdelay $0x1  }
0x215: {  	v1 =	vmov s24  }
0x216: {  	v1 =	vsub.f32 $0.0e+00, v1;
	_ =	sdelay $0x2  }
0x217: {  	v2 =	vbroadcast v1, $0x0  }
0x218: {  	v1 =	vpop (erf)  }
0x219: {  	p3 =	slt.s32 s25, s22;
	v2 =	vmul.f32 v2, v1  }
.Ltmp12:
0x21a: {  	_ = 	snop;
	(pc) =	sbr.rel @!p3 .LBB2_11-.Ltmp12, $4  }
0x21b: {  	s31 =	smul.u32 $0xA0, s21;
	v2 =	vmax.f32 v2, $-1.000000000e+00  }
0x21c: {  	v5 =	vmul.f32 $2.500000000e-01, v2  }
0x21d: {  	s21 =	sshra.s32 s31, $0x2  }
0x21e: {  	p2 =	por $0x0, $0x0;
	s21 =	sadd.s32 s21, s16;
	p1 =	por $0x0, $0x0;
	v6 =	vmul.f32 $1.666666720e-01, v5  }
0x21f: {  	s24 =	sadd.s32 $0x1, s25  }
0x220: {  	v3 =	vmul.f32 $2.000000030e-01, v5;
	s25 =	scvt.s32.f32 s24;
	v2 =	vadd.f32 $1.000000000e+00, v6;
	_ =	sdelay $0x1  }
0x221: {  	s25 =	ssub.f32 s25, s23;
	v2 =	vmul.f32 v2, v3;
	_ =	sdelay $0x1  }
0x222: {  	v3 =	vmul.f32 $2.500000000e-01, v5;
	s25 =	smul.f32 s25, s25;
	v2 =	vadd.f32 $1.000000000e+00, v2;
	_ =	sdelay $0x1  }
0x223: {  	v4 =	vmov s25;
	v2 =	vmul.f32 v2, v3  }
0x224: {  	v3 =	vsub.f32 $0.0e+00, v4  }
0x225: {  	v4 =	vmul.f32 $3.333333430e-01, v5;
	v2 =	vadd.f32 $1.000000000e+00, v2  }
0x226: {  	v3 =	vbroadcast v3, $0x0  }
0x227: {  	v2 =	vmul.f32 v2, v4  }
0x228: {  	p3 =	slt.s32 s24, s22;
	v3 =	vmul.f32 v3, v1  }
.Ltmp13:
0x229: {  	v6 =	vmul.f32 $5.000000000e-01, v5;
	v4 =	vadd.f32 $1.000000000e+00, v2;
	(pc) =	sbr.rel @!p3 .LBB2_13-.Ltmp13, $3  }
0x22a: {  	v2 =	vmax.f32 v3, $-1.000000000e+00  }
0x22b: {  	v2 =	vmul.f32 $2.500000000e-01, v2;
	v3 =	vmul.f32 v4, v6;
	_ =	sdelay $0x1  }
0x22c: {  	p1 =	por $0x1, $0x1;
	v6 =	vmul.f32 $1.666666720e-01, v2;
	v7 =	vadd.f32 $1.000000000e+00, v3  }
0x22d: {  	s24 =	sadd.s32 $0x1, s24  }
0x22e: {  	v4 =	vmul.f32 $2.000000030e-01, v2;
	s25 =	scvt.s32.f32 s24;
	v3 =	vadd.f32 $1.000000000e+00, v6;
	_ =	sdelay $0x1  }
0x22f: {  	s25 =	ssub.f32 s25, s23;
	v3 =	vmul.f32 v3, v4;
	v4 =	vmul.f32 v7, v5;
	_ =	sdelay $0x1  }
0x230: {  	v5 =	vmul.f32 $2.500000000e-01, v2;
	s25 =	smul.f32 s25, s25;
	v3 =	vadd.f32 $1.000000000e+00, v3;
	v4 =	vadd.f32 $1.000000000e+00, v4  }
0x231: {  	v6 =	vld [tilespmem:$0x200]  }
0x232: {  	v7 =	vmov s25;
	v3 =	vmul.f32 v3, v5;
	v4 =	vmul.f32 v4, v4  }
0x233: {  	v5 =	vsub.f32 $0.0e+00, v7;
	v7 =	vld [tilespmem:s21+$0xFFFFFFF0]  }
0x234: {  	v8 =	vmul.f32 $3.333333430e-01, v2;
	v3 =	vadd.f32 $1.000000000e+00, v3;
	v4 =	vmul.f32 v4, v4  }
0x235: {  	v5 =	vbroadcast v5, $0x0  }
0x236: {  	v3 =	vmul.f32 v3, v8;
	v6 =	vmul.f32 v6, v4  }
0x237: {  	v5 =	vmul.f32 v5, v1  }
0x238: {  	v9 =	vmul.f32 $5.000000000e-01, v2;
	v8 =	vadd.f32 $1.000000000e+00, v3;
	v3 =	vmax.f32 v7, v6  }
0x239: {  	p3 =	slt.s32 s24, s22;
	v5 =	vmax.f32 v5, $-1.000000000e+00;
	[tilespmem:s21+$0xFFFFFFF0] =	vst v3  }
.Ltmp14:
0x23a: {  	v3 =	vmul.f32 $2.500000000e-01, v5;
	v5 =	vmul.f32 v8, v9;
	v9 =	vld [tilespmem:$0x210];
	(pc) =	sbr.rel @!p3 .LBB2_15-.Ltmp14, $3  }
0x23b: {  	_ = 	snop  }
0x23c: {  	v8 =	vld [tilespmem:s21+$0x0];
	_ =	sdelay $0x1  }
0x23d: {  	p2 =	por $0x1, $0x1;
	s25 =	smov.u32 s21;
	v6 =	vmul.f32 $1.666666720e-01, v3;
	v7 =	vadd.f32 $1.000000000e+00, v5  }
.LBB2_16:
0x23e: {  	s24 =	sadd.s32 $0x1, s24;
	v4 =	vmul.f32 v9, v4  }
0x23f: {  	s26 =	scvt.s32.f32 s24;
	p3 =	slt.s32 s24, s22;
	v5 =	vadd.f32 $1.000000000e+00, v6;
	v6 =	vmul.f32 $2.000000030e-01, v3;
	v7 =	vmul.f32 v7, v2;
	v2 =	vmovc v3  }
0x240: {  	v3 =	vmax.f32 v8, v4  }
0x241: {  	s26 =	ssub.f32 s26, s23;
	v4 =	vmul.f32 v5, v6;
	v5 =	vadd.f32 $1.000000000e+00, v7;
	[tilespmem:s25+$0x0] =	vst v3  }
0x242: {  	v3 =	vld [tilespmem:$0x200]  }
0x243: {  	v6 =	vmul.f32 $2.500000000e-01, v2;
	s25 =	sadd.s32 $0x28, s25;
	s26 =	smul.f32 s26, s26;
	v4 =	vadd.f32 $1.000000000e+00, v4;
	v5 =	vmul.f32 v5, v5  }
0x244: {  	v7 =	vld [tilespmem:s25+$0xFFFFFFF0]  }
0x245: {  	v8 =	vmov s26;
	v6 =	vmul.f32 v4, v6;
	v4 =	vmul.f32 v5, v5  }
0x246: {  	v5 =	vsub.f32 $0.0e+00, v8  }
0x247: {  	v8 =	vmul.f32 $3.333333430e-01, v2;
	v6 =	vadd.f32 $1.000000000e+00, v6;
	v3 =	vmul.f32 v3, v4  }
0x248: {  	v5 =	vbroadcast v5, $0x0  }
0x249: {  	v6 =	vmul.f32 v6, v8;
	v3 =	vmax.f32 v7, v3  }
0x24a: {  	v5 =	vmul.f32 v5, v1;
	[tilespmem:s25+$0xFFFFFFF0] =	vst v3  }
.Ltmp15:
0x24b: {  	v7 =	vmul.f32 $5.000000000e-01, v2;
	v6 =	vadd.f32 $1.000000000e+00, v6;
	v9 =	vld [tilespmem:$0x210];
	(pc) =	sbr.rel @p3 .LBB2_16-.Ltmp15, $3  }
0x24c: {  	v3 =	vmax.f32 v5, $-1.000000000e+00  }
0x24d: {  	v3 =	vmul.f32 $2.500000000e-01, v3;
	v5 =	vmul.f32 v6, v7;
	v8 =	vld [tilespmem:s25+$0x0];
	_ =	sdelay $0x1  }
0x24e: {  	v6 =	vmul.f32 $1.666666720e-01, v3;
	v7 =	vadd.f32 $1.000000000e+00, v5  }
.Ltmp16:
0x24f: {  	(pc) =	sbr.rel .LBB2_18-.Ltmp16, $2  }
0x250: {  	_ =	sdelay $0x2  }
0x251: {  	v5 =	vmov v2  }
.LBB2_13:
.Ltmp17:
0x252: {  	(pc) =	sbr.rel .LBB2_18-.Ltmp17, $2  }
0x253: {  	_ =	sdelay $0x2  }
0x254: {  	v3 =	vmov v2;
	s25 =	smov.u32 s21  }
.LBB2_15:
.Ltmp18:
0x255: {  	(pc) =	sbr.rel .LBB2_18-.Ltmp18, $2  }
0x256: {  	_ =	sdelay $0x2  }
0x257: {  	v5 =	vmov v2;
	s25 =	smov.u32 s21  }
.LBB2_22:
0x258: {  	_ =	sfence.sel $0x180000  }
0x259: {  	[bflag:$0x0] =	sbarrier.arrive $0xFFFF  }
0x25a: {  	p0 =	sne.s32 s0, $0x0;
	_ =	strace $0x90000047  }
0x25b: {  	s0 =	sadd.s32 @!p0 $0x100000, s1;
	[bflag:$0x2] =	sbarrier.arrive $0xFFFF  }
0x25c: {  	[sflag:s0] =	ssyncadd.tile.s32 @!p0 $0x1;
	_ =	shalt  }
.Lfunc_end2:
_tile_overlayer_lowered:
.L_overlay_start_2:
0x25d: {  	(tag) =	ssettag $0x2  }
0x25e: {  	s0 =	rddreg [dreg:$0x0];
	s2 =	stileid.u32  }
0x25f: {  	s1 =	rddreg [dreg:$0x1];
	p0 =	sne.s32 s2, $0x0  }
0x260: {  	s3 =	rddreg [dreg:$0x2];
	[bflag:$0x3] =	sbarrier.arrive $0xFFFF;
	s2 =	simm.s32 @!p0 $0x1C01  }
0x261: {  	[timem:s3], [sflag:s2] =	dma.local @!p0 [hbm:s0], s1  }
0x262: {  	s0 =	simm.s32 @!p0 $0x1  }
0x263: {  	_ =	swait.ge @!p0 [sflag:s0], s1  }
0x264: {  	s1 =	ssub.s32 @!p0 $0x0, s1;
	[sflag:s0] =	ssyncset.done @!p0 $0x0  }
0x265: {  	[sflag:s0] =	ssyncadd.s32 @!p0 s1  }
0x266: {  	[bflag:$0x3] =	sbarrier.arrive $0xFFFF  }
0x267: {  	_ =	shalt  }

</sc_bundles>
